<compile_context>
chip_gen: v7x
topology: tpu7x:2x2x1
jax: 0.10.2.dev20260603
libtpu: 0.0.44.dev20260713+nightly
codegen_flags: <defaults>
</compile_context>

<pallas_src>
import functools

import jax
import jax.numpy as jnp
from jax import lax
from jax.experimental import pallas as pl
from jax.experimental.pallas import tpu as pltpu
from jax.experimental.pallas import tpu_sc as plsc

_VOCAB = 1024
_DIM = 64


def _nn_body(z_ref, emb2_ref, a2_ref, b2_ref, w_ref, c_scr):
    tb = z_ref.shape[1]
    z = z_ref[0]
    emb2 = emb2_ref[...]
    abT = lax.dot_general(emb2, z, (((1,), (1,)), ((), ())),
                          preferred_element_type=jnp.float32)
    a2 = a2_ref[0]
    b2 = b2_ref[...]
    run_min = None
    for r in range(_VOCAB // 8):
        rs = slice(r * 8, (r + 1) * 8)
        c = jnp.maximum((a2 + b2[rs]) + abT[rs], 0.0)
        ci = lax.bitcast_convert_type(c, jnp.int32)
        c_scr[rs] = ci
        run_min = ci if run_min is None else jnp.minimum(run_min, ci)
    m_i = jnp.min(run_min, axis=0, keepdims=True)
    c_min = lax.bitcast_convert_type(m_i, jnp.float32)
    s = jnp.sqrt(c_min)
    t0 = lax.bitcast_convert_type(s * s, jnp.int32)
    b_i = jnp.full_like(m_i, -1)
    for j in range(-3, 5):
        cand = t0 + j
        ok = jnp.sqrt(lax.bitcast_convert_type(cand, jnp.float32)) == s
        b_i = jnp.where(ok, jnp.maximum(b_i, cand), b_i)
    big = jnp.int32(1 << 20)
    run_r = jnp.full((8, tb), big, jnp.int32)
    for r in reversed(range(_VOCAB // 8)):
        rs = slice(r * 8, (r + 1) * 8)
        run_r = jnp.where(c_scr[rs] <= b_i, r, run_r)
    sub = lax.broadcasted_iota(jnp.int32, (8, tb), 0)
    w = jnp.min(run_r * 8 + sub, axis=0)
    w_ref[0, 0] = w


def _argmin_call(z_flat, emb_table, tb, interpret=False):
    n = z_flat.shape[0]
    nb = n // tb
    zb = z_flat.reshape(nb, tb, _DIM)
    emb2 = emb_table * -2.0
    a2 = jnp.sum(z_flat * z_flat, axis=1).reshape(nb, 1, tb)
    b2 = jnp.sum(emb_table * emb_table, axis=1).reshape(_VOCAB, 1)
    w = pl.pallas_call(
        _nn_body,
        grid=(nb,),
        in_specs=[
            pl.BlockSpec((1, tb, _DIM), lambda i: (i, 0, 0)),
            pl.BlockSpec((_VOCAB, _DIM), lambda i: (0, 0)),
            pl.BlockSpec((1, 1, tb), lambda i: (i, 0, 0)),
            pl.BlockSpec((_VOCAB, 1), lambda i: (0, 0)),
        ],
        out_specs=pl.BlockSpec((1, 1, tb), lambda i: (i, 0, 0)),
        out_shape=jax.ShapeDtypeStruct((nb, 1, tb), jnp.int32),
        scratch_shapes=[pltpu.VMEM((_VOCAB, tb), jnp.int32)],
        interpret=interpret,
    )(zb, emb2, a2, b2)
    return w.reshape(n)


def _sc_gather_call(emb_pad, w_flat):
    info = plsc.get_sparse_core_info()
    nc, ns = info.num_cores, info.num_subcores
    nw = nc * ns
    n = w_flat.shape[0]
    width = emb_pad.shape[1]
    b_per_w = n // nw
    chunk = 72
    nchunk = b_per_w // chunk
    mesh = plsc.VectorSubcoreMesh(core_axis_name="c", subcore_axis_name="s")

    @functools.partial(
        pl.kernel, mesh=mesh,
        out_type=jax.ShapeDtypeStruct((n, width), jnp.float32),
        scratch_types=[
            pltpu.VMEM((b_per_w,), jnp.int32),
            pltpu.VMEM((b_per_w, width), jnp.float32),
            pltpu.SemaphoreType.DMA,
        ],
    )
    def gather_k(table_hbm, idx_hbm, out_hbm, idx_v, rows_v, sem):
        wid = lax.axis_index("s") * nc + lax.axis_index("c")
        base = wid * b_per_w
        pltpu.sync_copy(idx_hbm.at[pl.ds(base, b_per_w)], idx_v)
        handles = [
            pltpu.async_copy(table_hbm.at[idx_v.at[pl.ds(c * chunk, chunk)]],
                             rows_v.at[pl.ds(c * chunk, chunk)], sem)
            for c in range(nchunk)
        ]
        for h in handles:
            h.wait()
        pltpu.sync_copy(rows_v, out_hbm.at[pl.ds(base, b_per_w)])

    return gather_k(emb_pad, w_flat)


def kernel(z_e, emb_table):
    bs, t, d = z_e.shape
    z_flat = z_e.reshape(bs * t, d)
    w = _argmin_call(z_flat, emb_table, tb=2304)
    emb_pad = jnp.pad(emb_table, ((0, 0), (0, 128 - d)))
    wemb = _sc_gather_call(emb_pad, w)[:, :d]
    return w.reshape(bs, t), wemb.reshape(bs, t, d)

# --- scband reference (transcript-rebuilt; emitter-appended) ---
"""Pipeline reference for scband-discretizer-6554120094128 (READ-ONLY COPY).

The authoritative reference and input builder live on the scoring server;
editing this copy changes nothing except your own understanding.
"""

import jax, jax.numpy as jnp
import numpy as np

VOCAB_SIZE = 1024
EMB_DIM = 64
BS = 32
NUM_TOKENS = 576


def setup_inputs(seed: int = 0) -> dict:
    key = jax.random.key(seed)
    k1, k2 = jax.random.split(key)
    z_e = jax.random.normal(k1, (BS, NUM_TOKENS, EMB_DIM), dtype=jnp.float32)
    # nn.Embedding weight, initialized with normal_() as in the torch module
    emb_table = jax.random.normal(k2, (VOCAB_SIZE, EMB_DIM), dtype=jnp.float32)
    return {"z_e": z_e, "emb_table": emb_table}


def _cdist(a, b):
    # a: (bs, T, d), b: (K, d) -> (bs, T, K), euclidean distance like torch.cdist
    a2 = jnp.sum(a * a, axis=-1, keepdims=True)          # (bs, T, 1)
    b2 = jnp.sum(b * b, axis=-1)                          # (K,)
    ab = jnp.einsum('btd,kd->btk', a, b)                  # (bs, T, K)
    d2 = a2 + b2[None, None, :] - 2.0 * ab
    d2 = jnp.maximum(d2, 0.0)
    return jnp.sqrt(d2)


def reference(z_e, emb_table):
    distances = _cdist(z_e, emb_table)                    # (bs, T, K)
    w = jnp.argmin(distances, axis=-1)                    # (bs, T) int
    w_emb = jnp.take(emb_table, w, axis=0)                # (bs, T, d) gather
    # straight-through estimator: z_e + stop_gradient(w_emb - z_e)
    w_emb = z_e + jax.lax.stop_gradient(w_emb - z_e)
    return (w, w_emb)

if __name__ == "__main__":
    import jax
    _d = setup_inputs()
    print(jax.jit(kernel)(*tuple(_d.values())))

</pallas_src>

<mosaic_0001>
#map = affine_map<(d0, d1) -> (0, 0)>
#map1 = affine_map<(d0, d1) -> (0)>
module attributes {stable_mosaic.version = 14 : i64} {
  func.func @gather_k(%arg0: i32, %arg1: i32, %arg2: memref<1024x128xf32, #tpu.memory_space<hbm>>, %arg3: memref<18432xi32, #tpu.memory_space<hbm>>, %arg4: memref<18432x128xf32, #tpu.memory_space<hbm>>, %arg5: memref<576xi32, #tpu.memory_space<vmem>>, %arg6: memref<576x128xf32, #tpu.memory_space<vmem>>, %arg7: memref<!tpu.dma_semaphore, #tpu.memory_space<semaphore_mem>>) attributes {dimension_semantics = [#tpu.dimension_semantics<core_parallel>, #tpu.dimension_semantics<subcore_parallel>], iteration_bounds = array<i64: 2, 16>, scalar_prefetch = 0 : i64, scratch_operands = 3 : i64, tpu.core_type = #tpu.core_type<sc_vector_subcore>, window_params = [{transform_indices = #map}, {transform_indices = #map1}, {transform_indices = #map}]} {
    %mul3A = arith.constant 2 : i32
    %mul3A_0 = arith.muli %arg1, %mul3A : i32
    %add3A = arith.addi %mul3A_0, %arg0 : i32
    %mul3A_1 = arith.constant 576 : i32
    %mul3A_2 = arith.muli %add3A, %mul3A_1 : i32
    "tpu.region"() ({
      %run_scoped3A = tpu.sem_alloc : memref<!tpu.dma_semaphore, #tpu.memory_space<semaphore_mem>>
      %dma_start3A_129 = tpu.memref_slice %arg3[%mul3A_2] : memref<18432xi32, #tpu.memory_space<hbm>> -> memref<576xi32, #tpu.memory_space<hbm>>
      %dma_start3A_130 = tpu.memref_slice %arg3[%mul3A_2] : memref<18432xi32, #tpu.memory_space<hbm>> -> memref<576xi32, #tpu.memory_space<hbm>>
      tpu.enqueue_dma source(%dma_start3A_130 : memref<576xi32, #tpu.memory_space<hbm>>) target(%arg5 : memref<576xi32, #tpu.memory_space<vmem>>) target_semaphore(%run_scoped3A : memref<!tpu.dma_semaphore, #tpu.memory_space<semaphore_mem>>)
      %dma_wait3A_131 = tpu.memref_slice %arg3[%mul3A_2] : memref<18432xi32, #tpu.memory_space<hbm>> -> memref<576xi32, #tpu.memory_space<hbm>>
      %dma_wait3A_132 = tpu.memref_slice %arg3[%mul3A_2] : memref<18432xi32, #tpu.memory_space<hbm>> -> memref<576xi32, #tpu.memory_space<hbm>>
      tpu.wait_dma2 semaphore(%run_scoped3A : memref<!tpu.dma_semaphore, #tpu.memory_space<semaphore_mem>>) src(%dma_wait3A_132 : memref<576xi32, #tpu.memory_space<hbm>>) dst(%arg5 : memref<576xi32, #tpu.memory_space<vmem>>)
      tpu.yield
    }) : () -> ()
    %dma_start3A = arith.constant 0 : i32
    %dma_start3A_3 = arith.constant 0 : i32
    %dma_start3A_4 = tpu.memref_slice %arg6[%dma_start3A, %dma_start3A_3] : memref<576x128xf32, #tpu.memory_space<vmem>> -> memref<72x128xf32, #tpu.memory_space<vmem>>
    %dma_start3A_5 = arith.constant 0 : i32
    %dma_start3A_6 = tpu.memref_slice %arg5[%dma_start3A_5] : memref<576xi32, #tpu.memory_space<vmem>> -> memref<72xi32, #tpu.memory_space<vmem>>
    %dma_start3A_7 = arith.constant 0 : i32
    %dma_start3A_8 = arith.constant 0 : i32
    %dma_start3A_9 = tpu.memref_slice %arg2[%dma_start3A_7, %dma_start3A_8] : memref<1024x128xf32, #tpu.memory_space<hbm>> -> memref<1024x128xf32, #tpu.memory_space<hbm>>
    tpu.enqueue_indirect_dma source(%dma_start3A_9 : memref<1024x128xf32, #tpu.memory_space<hbm>>) target(%dma_start3A_4 : memref<72x128xf32, #tpu.memory_space<vmem>>) offsets(%dma_start3A_6 : memref<72xi32, #tpu.memory_space<vmem>>) semaphore(%arg7 : memref<!tpu.dma_semaphore, #tpu.memory_space<semaphore_mem>>)
    %dma_start3A_10 = arith.constant 72 : i32
    %dma_start3A_11 = arith.constant 0 : i32
    %dma_start3A_12 = tpu.memref_slice %arg6[%dma_start3A_10, %dma_start3A_11] : memref<576x128xf32, #tpu.memory_space<vmem>> -> memref<72x128xf32, #tpu.memory_space<vmem>>
    %dma_start3A_13 = arith.constant 72 : i32
    %dma_start3A_14 = tpu.memref_slice %arg5[%dma_start3A_13] : memref<576xi32, #tpu.memory_space<vmem>> -> memref<72xi32, #tpu.memory_space<vmem>>
    %dma_start3A_15 = arith.constant 0 : i32
    %dma_start3A_16 = arith.constant 0 : i32
    %dma_start3A_17 = tpu.memref_slice %arg2[%dma_start3A_15, %dma_start3A_16] : memref<1024x128xf32, #tpu.memory_space<hbm>> -> memref<1024x128xf32, #tpu.memory_space<hbm>>
    tpu.enqueue_indirect_dma source(%dma_start3A_17 : memref<1024x128xf32, #tpu.memory_space<hbm>>) target(%dma_start3A_12 : memref<72x128xf32, #tpu.memory_space<vmem>>) offsets(%dma_start3A_14 : memref<72xi32, #tpu.memory_space<vmem>>) semaphore(%arg7 : memref<!tpu.dma_semaphore, #tpu.memory_space<semaphore_mem>>)
    %dma_start3A_18 = arith.constant 144 : i32
    %dma_start3A_19 = arith.constant 0 : i32
    %dma_start3A_20 = tpu.memref_slice %arg6[%dma_start3A_18, %dma_start3A_19] : memref<576x128xf32, #tpu.memory_space<vmem>> -> memref<72x128xf32, #tpu.memory_space<vmem>>
    %dma_start3A_21 = arith.constant 144 : i32
    %dma_start3A_22 = tpu.memref_slice %arg5[%dma_start3A_21] : memref<576xi32, #tpu.memory_space<vmem>> -> memref<72xi32, #tpu.memory_space<vmem>>
    %dma_start3A_23 = arith.constant 0 : i32
    %dma_start3A_24 = arith.constant 0 : i32
    %dma_start3A_25 = tpu.memref_slice %arg2[%dma_start3A_23, %dma_start3A_24] : memref<1024x128xf32, #tpu.memory_space<hbm>> -> memref<1024x128xf32, #tpu.memory_space<hbm>>
    tpu.enqueue_indirect_dma source(%dma_start3A_25 : memref<1024x128xf32, #tpu.memory_space<hbm>>) target(%dma_start3A_20 : memref<72x128xf32, #tpu.memory_space<vmem>>) offsets(%dma_start3A_22 : memref<72xi32, #tpu.memory_space<vmem>>) semaphore(%arg7 : memref<!tpu.dma_semaphore, #tpu.memory_space<semaphore_mem>>)
    %dma_start3A_26 = arith.constant 216 : i32
    %dma_start3A_27 = arith.constant 0 : i32
    %dma_start3A_28 = tpu.memref_slice %arg6[%dma_start3A_26, %dma_start3A_27] : memref<576x128xf32, #tpu.memory_space<vmem>> -> memref<72x128xf32, #tpu.memory_space<vmem>>
    %dma_start3A_29 = arith.constant 216 : i32
    %dma_start3A_30 = tpu.memref_slice %arg5[%dma_start3A_29] : memref<576xi32, #tpu.memory_space<vmem>> -> memref<72xi32, #tpu.memory_space<vmem>>
    %dma_start3A_31 = arith.constant 0 : i32
    %dma_start3A_32 = arith.constant 0 : i32
    %dma_start3A_33 = tpu.memref_slice %arg2[%dma_start3A_31, %dma_start3A_32] : memref<1024x128xf32, #tpu.memory_space<hbm>> -> memref<1024x128xf32, #tpu.memory_space<hbm>>
    tpu.enqueue_indirect_dma source(%dma_start3A_33 : memref<1024x128xf32, #tpu.memory_space<hbm>>) target(%dma_start3A_28 : memref<72x128xf32, #tpu.memory_space<vmem>>) offsets(%dma_start3A_30 : memref<72xi32, #tpu.memory_space<vmem>>) semaphore(%arg7 : memref<!tpu.dma_semaphore, #tpu.memory_space<semaphore_mem>>)
    %dma_start3A_34 = arith.constant 288 : i32
    %dma_start3A_35 = arith.constant 0 : i32
    %dma_start3A_36 = tpu.memref_slice %arg6[%dma_start3A_34, %dma_start3A_35] : memref<576x128xf32, #tpu.memory_space<vmem>> -> memref<72x128xf32, #tpu.memory_space<vmem>>
    %dma_start3A_37 = arith.constant 288 : i32
    %dma_start3A_38 = tpu.memref_slice %arg5[%dma_start3A_37] : memref<576xi32, #tpu.memory_space<vmem>> -> memref<72xi32, #tpu.memory_space<vmem>>
    %dma_start3A_39 = arith.constant 0 : i32
    %dma_start3A_40 = arith.constant 0 : i32
    %dma_start3A_41 = tpu.memref_slice %arg2[%dma_start3A_39, %dma_start3A_40] : memref<1024x128xf32, #tpu.memory_space<hbm>> -> memref<1024x128xf32, #tpu.memory_space<hbm>>
    tpu.enqueue_indirect_dma source(%dma_start3A_41 : memref<1024x128xf32, #tpu.memory_space<hbm>>) target(%dma_start3A_36 : memref<72x128xf32, #tpu.memory_space<vmem>>) offsets(%dma_start3A_38 : memref<72xi32, #tpu.memory_space<vmem>>) semaphore(%arg7 : memref<!tpu.dma_semaphore, #tpu.memory_space<semaphore_mem>>)
    %dma_start3A_42 = arith.constant 360 : i32
    %dma_start3A_43 = arith.constant 0 : i32
    %dma_start3A_44 = tpu.memref_slice %arg6[%dma_start3A_42, %dma_start3A_43] : memref<576x128xf32, #tpu.memory_space<vmem>> -> memref<72x128xf32, #tpu.memory_space<vmem>>
    %dma_start3A_45 = arith.constant 360 : i32
    %dma_start3A_46 = tpu.memref_slice %arg5[%dma_start3A_45] : memref<576xi32, #tpu.memory_space<vmem>> -> memref<72xi32, #tpu.memory_space<vmem>>
    %dma_start3A_47 = arith.constant 0 : i32
    %dma_start3A_48 = arith.constant 0 : i32
    %dma_start3A_49 = tpu.memref_slice %arg2[%dma_start3A_47, %dma_start3A_48] : memref<1024x128xf32, #tpu.memory_space<hbm>> -> memref<1024x128xf32, #tpu.memory_space<hbm>>
    tpu.enqueue_indirect_dma source(%dma_start3A_49 : memref<1024x128xf32, #tpu.memory_space<hbm>>) target(%dma_start3A_44 : memref<72x128xf32, #tpu.memory_space<vmem>>) offsets(%dma_start3A_46 : memref<72xi32, #tpu.memory_space<vmem>>) semaphore(%arg7 : memref<!tpu.dma_semaphore, #tpu.memory_space<semaphore_mem>>)
    %dma_start3A_50 = arith.constant 432 : i32
    %dma_start3A_51 = arith.constant 0 : i32
    %dma_start3A_52 = tpu.memref_slice %arg6[%dma_start3A_50, %dma_start3A_51] : memref<576x128xf32, #tpu.memory_space<vmem>> -> memref<72x128xf32, #tpu.memory_space<vmem>>
    %dma_start3A_53 = arith.constant 432 : i32
    %dma_start3A_54 = tpu.memref_slice %arg5[%dma_start3A_53] : memref<576xi32, #tpu.memory_space<vmem>> -> memref<72xi32, #tpu.memory_space<vmem>>
    %dma_start3A_55 = arith.constant 0 : i32
    %dma_start3A_56 = arith.constant 0 : i32
    %dma_start3A_57 = tpu.memref_slice %arg2[%dma_start3A_55, %dma_start3A_56] : memref<1024x128xf32, #tpu.memory_space<hbm>> -> memref<1024x128xf32, #tpu.memory_space<hbm>>
    tpu.enqueue_indirect_dma source(%dma_start3A_57 : memref<1024x128xf32, #tpu.memory_space<hbm>>) target(%dma_start3A_52 : memref<72x128xf32, #tpu.memory_space<vmem>>) offsets(%dma_start3A_54 : memref<72xi32, #tpu.memory_space<vmem>>) semaphore(%arg7 : memref<!tpu.dma_semaphore, #tpu.memory_space<semaphore_mem>>)
    %dma_start3A_58 = arith.constant 504 : i32
    %dma_start3A_59 = arith.constant 0 : i32
    %dma_start3A_60 = tpu.memref_slice %arg6[%dma_start3A_58, %dma_start3A_59] : memref<576x128xf32, #tpu.memory_space<vmem>> -> memref<72x128xf32, #tpu.memory_space<vmem>>
    %dma_start3A_61 = arith.constant 504 : i32
    %dma_start3A_62 = tpu.memref_slice %arg5[%dma_start3A_61] : memref<576xi32, #tpu.memory_space<vmem>> -> memref<72xi32, #tpu.memory_space<vmem>>
    %dma_start3A_63 = arith.constant 0 : i32
    %dma_start3A_64 = arith.constant 0 : i32
    %dma_start3A_65 = tpu.memref_slice %arg2[%dma_start3A_63, %dma_start3A_64] : memref<1024x128xf32, #tpu.memory_space<hbm>> -> memref<1024x128xf32, #tpu.memory_space<hbm>>
    tpu.enqueue_indirect_dma source(%dma_start3A_65 : memref<1024x128xf32, #tpu.memory_space<hbm>>) target(%dma_start3A_60 : memref<72x128xf32, #tpu.memory_space<vmem>>) offsets(%dma_start3A_62 : memref<72xi32, #tpu.memory_space<vmem>>) semaphore(%arg7 : memref<!tpu.dma_semaphore, #tpu.memory_space<semaphore_mem>>)
    %dma_wait3A = arith.constant 0 : i32
    %dma_wait3A_66 = arith.constant 0 : i32
    %dma_wait3A_67 = tpu.memref_slice %arg6[%dma_wait3A, %dma_wait3A_66] : memref<576x128xf32, #tpu.memory_space<vmem>> -> memref<72x128xf32, #tpu.memory_space<vmem>>
    %dma_wait3A_68 = arith.constant 0 : i32
    %dma_wait3A_69 = tpu.memref_slice %arg5[%dma_wait3A_68] : memref<576xi32, #tpu.memory_space<vmem>> -> memref<72xi32, #tpu.memory_space<vmem>>
    %dma_wait3A_70 = arith.constant 0 : i32
    %dma_wait3A_71 = arith.constant 0 : i32
    %dma_wait3A_72 = tpu.memref_slice %arg2[%dma_wait3A_70, %dma_wait3A_71] : memref<1024x128xf32, #tpu.memory_space<hbm>> -> memref<1024x128xf32, #tpu.memory_space<hbm>>
    tpu.wait_indirect_dma semaphore(%arg7 : memref<!tpu.dma_semaphore, #tpu.memory_space<semaphore_mem>>) src(%dma_wait3A_72 : memref<1024x128xf32, #tpu.memory_space<hbm>>) dst(%dma_wait3A_67 : memref<72x128xf32, #tpu.memory_space<vmem>>)
    %dma_wait3A_73 = arith.constant 72 : i32
    %dma_wait3A_74 = arith.constant 0 : i32
    %dma_wait3A_75 = tpu.memref_slice %arg6[%dma_wait3A_73, %dma_wait3A_74] : memref<576x128xf32, #tpu.memory_space<vmem>> -> memref<72x128xf32, #tpu.memory_space<vmem>>
    %dma_wait3A_76 = arith.constant 72 : i32
    %dma_wait3A_77 = tpu.memref_slice %arg5[%dma_wait3A_76] : memref<576xi32, #tpu.memory_space<vmem>> -> memref<72xi32, #tpu.memory_space<vmem>>
    %dma_wait3A_78 = arith.constant 0 : i32
    %dma_wait3A_79 = arith.constant 0 : i32
    %dma_wait3A_80 = tpu.memref_slice %arg2[%dma_wait3A_78, %dma_wait3A_79] : memref<1024x128xf32, #tpu.memory_space<hbm>> -> memref<1024x128xf32, #tpu.memory_space<hbm>>
    tpu.wait_indirect_dma semaphore(%arg7 : memref<!tpu.dma_semaphore, #tpu.memory_space<semaphore_mem>>) src(%dma_wait3A_80 : memref<1024x128xf32, #tpu.memory_space<hbm>>) dst(%dma_wait3A_75 : memref<72x128xf32, #tpu.memory_space<vmem>>)
    %dma_wait3A_81 = arith.constant 144 : i32
    %dma_wait3A_82 = arith.constant 0 : i32
    %dma_wait3A_83 = tpu.memref_slice %arg6[%dma_wait3A_81, %dma_wait3A_82] : memref<576x128xf32, #tpu.memory_space<vmem>> -> memref<72x128xf32, #tpu.memory_space<vmem>>
    %dma_wait3A_84 = arith.constant 144 : i32
    %dma_wait3A_85 = tpu.memref_slice %arg5[%dma_wait3A_84] : memref<576xi32, #tpu.memory_space<vmem>> -> memref<72xi32, #tpu.memory_space<vmem>>
    %dma_wait3A_86 = arith.constant 0 : i32
    %dma_wait3A_87 = arith.constant 0 : i32
    %dma_wait3A_88 = tpu.memref_slice %arg2[%dma_wait3A_86, %dma_wait3A_87] : memref<1024x128xf32, #tpu.memory_space<hbm>> -> memref<1024x128xf32, #tpu.memory_space<hbm>>
    tpu.wait_indirect_dma semaphore(%arg7 : memref<!tpu.dma_semaphore, #tpu.memory_space<semaphore_mem>>) src(%dma_wait3A_88 : memref<1024x128xf32, #tpu.memory_space<hbm>>) dst(%dma_wait3A_83 : memref<72x128xf32, #tpu.memory_space<vmem>>)
    %dma_wait3A_89 = arith.constant 216 : i32
    %dma_wait3A_90 = arith.constant 0 : i32
    %dma_wait3A_91 = tpu.memref_slice %arg6[%dma_wait3A_89, %dma_wait3A_90] : memref<576x128xf32, #tpu.memory_space<vmem>> -> memref<72x128xf32, #tpu.memory_space<vmem>>
    %dma_wait3A_92 = arith.constant 216 : i32
    %dma_wait3A_93 = tpu.memref_slice %arg5[%dma_wait3A_92] : memref<576xi32, #tpu.memory_space<vmem>> -> memref<72xi32, #tpu.memory_space<vmem>>
    %dma_wait3A_94 = arith.constant 0 : i32
    %dma_wait3A_95 = arith.constant 0 : i32
    %dma_wait3A_96 = tpu.memref_slice %arg2[%dma_wait3A_94, %dma_wait3A_95] : memref<1024x128xf32, #tpu.memory_space<hbm>> -> memref<1024x128xf32, #tpu.memory_space<hbm>>
    tpu.wait_indirect_dma semaphore(%arg7 : memref<!tpu.dma_semaphore, #tpu.memory_space<semaphore_mem>>) src(%dma_wait3A_96 : memref<1024x128xf32, #tpu.memory_space<hbm>>) dst(%dma_wait3A_91 : memref<72x128xf32, #tpu.memory_space<vmem>>)
    %dma_wait3A_97 = arith.constant 288 : i32
    %dma_wait3A_98 = arith.constant 0 : i32
    %dma_wait3A_99 = tpu.memref_slice %arg6[%dma_wait3A_97, %dma_wait3A_98] : memref<576x128xf32, #tpu.memory_space<vmem>> -> memref<72x128xf32, #tpu.memory_space<vmem>>
    %dma_wait3A_100 = arith.constant 288 : i32
    %dma_wait3A_101 = tpu.memref_slice %arg5[%dma_wait3A_100] : memref<576xi32, #tpu.memory_space<vmem>> -> memref<72xi32, #tpu.memory_space<vmem>>
    %dma_wait3A_102 = arith.constant 0 : i32
    %dma_wait3A_103 = arith.constant 0 : i32
    %dma_wait3A_104 = tpu.memref_slice %arg2[%dma_wait3A_102, %dma_wait3A_103] : memref<1024x128xf32, #tpu.memory_space<hbm>> -> memref<1024x128xf32, #tpu.memory_space<hbm>>
    tpu.wait_indirect_dma semaphore(%arg7 : memref<!tpu.dma_semaphore, #tpu.memory_space<semaphore_mem>>) src(%dma_wait3A_104 : memref<1024x128xf32, #tpu.memory_space<hbm>>) dst(%dma_wait3A_99 : memref<72x128xf32, #tpu.memory_space<vmem>>)
    %dma_wait3A_105 = arith.constant 360 : i32
    %dma_wait3A_106 = arith.constant 0 : i32
    %dma_wait3A_107 = tpu.memref_slice %arg6[%dma_wait3A_105, %dma_wait3A_106] : memref<576x128xf32, #tpu.memory_space<vmem>> -> memref<72x128xf32, #tpu.memory_space<vmem>>
    %dma_wait3A_108 = arith.constant 360 : i32
    %dma_wait3A_109 = tpu.memref_slice %arg5[%dma_wait3A_108] : memref<576xi32, #tpu.memory_space<vmem>> -> memref<72xi32, #tpu.memory_space<vmem>>
    %dma_wait3A_110 = arith.constant 0 : i32
    %dma_wait3A_111 = arith.constant 0 : i32
    %dma_wait3A_112 = tpu.memref_slice %arg2[%dma_wait3A_110, %dma_wait3A_111] : memref<1024x128xf32, #tpu.memory_space<hbm>> -> memref<1024x128xf32, #tpu.memory_space<hbm>>
    tpu.wait_indirect_dma semaphore(%arg7 : memref<!tpu.dma_semaphore, #tpu.memory_space<semaphore_mem>>) src(%dma_wait3A_112 : memref<1024x128xf32, #tpu.memory_space<hbm>>) dst(%dma_wait3A_107 : memref<72x128xf32, #tpu.memory_space<vmem>>)
    %dma_wait3A_113 = arith.constant 432 : i32
    %dma_wait3A_114 = arith.constant 0 : i32
    %dma_wait3A_115 = tpu.memref_slice %arg6[%dma_wait3A_113, %dma_wait3A_114] : memref<576x128xf32, #tpu.memory_space<vmem>> -> memref<72x128xf32, #tpu.memory_space<vmem>>
    %dma_wait3A_116 = arith.constant 432 : i32
    %dma_wait3A_117 = tpu.memref_slice %arg5[%dma_wait3A_116] : memref<576xi32, #tpu.memory_space<vmem>> -> memref<72xi32, #tpu.memory_space<vmem>>
    %dma_wait3A_118 = arith.constant 0 : i32
    %dma_wait3A_119 = arith.constant 0 : i32
    %dma_wait3A_120 = tpu.memref_slice %arg2[%dma_wait3A_118, %dma_wait3A_119] : memref<1024x128xf32, #tpu.memory_space<hbm>> -> memref<1024x128xf32, #tpu.memory_space<hbm>>
    tpu.wait_indirect_dma semaphore(%arg7 : memref<!tpu.dma_semaphore, #tpu.memory_space<semaphore_mem>>) src(%dma_wait3A_120 : memref<1024x128xf32, #tpu.memory_space<hbm>>) dst(%dma_wait3A_115 : memref<72x128xf32, #tpu.memory_space<vmem>>)
    %dma_wait3A_121 = arith.constant 504 : i32
    %dma_wait3A_122 = arith.constant 0 : i32
    %dma_wait3A_123 = tpu.memref_slice %arg6[%dma_wait3A_121, %dma_wait3A_122] : memref<576x128xf32, #tpu.memory_space<vmem>> -> memref<72x128xf32, #tpu.memory_space<vmem>>
    %dma_wait3A_124 = arith.constant 504 : i32
    %dma_wait3A_125 = tpu.memref_slice %arg5[%dma_wait3A_124] : memref<576xi32, #tpu.memory_space<vmem>> -> memref<72xi32, #tpu.memory_space<vmem>>
    %dma_wait3A_126 = arith.constant 0 : i32
    %dma_wait3A_127 = arith.constant 0 : i32
    %dma_wait3A_128 = tpu.memref_slice %arg2[%dma_wait3A_126, %dma_wait3A_127] : memref<1024x128xf32, #tpu.memory_space<hbm>> -> memref<1024x128xf32, #tpu.memory_space<hbm>>
    tpu.wait_indirect_dma semaphore(%arg7 : memref<!tpu.dma_semaphore, #tpu.memory_space<semaphore_mem>>) src(%dma_wait3A_128 : memref<1024x128xf32, #tpu.memory_space<hbm>>) dst(%dma_wait3A_123 : memref<72x128xf32, #tpu.memory_space<vmem>>)
    "tpu.region"() ({
      %run_scoped3A = tpu.sem_alloc : memref<!tpu.dma_semaphore, #tpu.memory_space<semaphore_mem>>
      %dma_start3A_129 = arith.constant 0 : i32
      %dma_start3A_130 = tpu.memref_slice %arg4[%mul3A_2, %dma_start3A_129] : memref<18432x128xf32, #tpu.memory_space<hbm>> -> memref<576x128xf32, #tpu.memory_space<hbm>>
      %dma_start3A_131 = arith.constant 0 : i32
      %dma_start3A_132 = tpu.memref_slice %arg4[%mul3A_2, %dma_start3A_131] : memref<18432x128xf32, #tpu.memory_space<hbm>> -> memref<576x128xf32, #tpu.memory_space<hbm>>
      tpu.enqueue_dma source(%arg6 : memref<576x128xf32, #tpu.memory_space<vmem>>) target(%dma_start3A_132 : memref<576x128xf32, #tpu.memory_space<hbm>>) target_semaphore(%run_scoped3A : memref<!tpu.dma_semaphore, #tpu.memory_space<semaphore_mem>>)
      %dma_wait3A_133 = arith.constant 0 : i32
      %dma_wait3A_134 = tpu.memref_slice %arg4[%mul3A_2, %dma_wait3A_133] : memref<18432x128xf32, #tpu.memory_space<hbm>> -> memref<576x128xf32, #tpu.memory_space<hbm>>
      %dma_wait3A_135 = arith.constant 0 : i32
      %dma_wait3A_136 = tpu.memref_slice %arg4[%mul3A_2, %dma_wait3A_135] : memref<18432x128xf32, #tpu.memory_space<hbm>> -> memref<576x128xf32, #tpu.memory_space<hbm>>
      tpu.wait_dma2 semaphore(%run_scoped3A : memref<!tpu.dma_semaphore, #tpu.memory_space<semaphore_mem>>) src(%arg6 : memref<576x128xf32, #tpu.memory_space<vmem>>) dst(%dma_wait3A_136 : memref<576x128xf32, #tpu.memory_space<hbm>>)
      tpu.yield
    }) : () -> ()
    return
  }
}

module attributes {stable_mosaic.version = 14 : i64} {
  func.func @_nn_body(%arg0: i32, %arg1: memref<1x2304x64xf32, #tpu.memory_space<vmem>>, %arg2: memref<1024x64xf32, #tpu.memory_space<vmem>>, %arg3: memref<1x1x2304xf32, #tpu.memory_space<vmem>>, %arg4: memref<1024x1xf32, #tpu.memory_space<vmem>>, %arg5: memref<1x1x2304xi32, #tpu.memory_space<vmem>>, %arg6: memref<1024x2304xi32, #tpu.memory_space<vmem>>) attributes {dimension_semantics = [#tpu.dimension_semantics<arbitrary>], iteration_bounds = array<i64: 8>, scalar_prefetch = 0 : i64, scratch_operands = 1 : i64, tpu.core_type = #tpu.core_type<tc>, window_params = [{transform_indices = @transform_0, window_bounds = array<i64: 1, 2304, 64>}, {pipeline_mode = #tpu.pipeline_mode<synchronous>, transform_indices = @transform_1, window_bounds = array<i64: 1024, 64>}, {transform_indices = @transform_2, window_bounds = array<i64: 1, 1, 2304>}, {pipeline_mode = #tpu.pipeline_mode<synchronous>, transform_indices = @transform_3, window_bounds = array<i64: 1024, 1>}, {transform_indices = @transform_4, window_bounds = array<i64: 1, 1, 2304>}]} {
    %get3A = arith.constant 0 : index
    %get3A_0 = arith.constant 0 : index
    %get3A_1 = arith.constant 0 : index
    %get3A_2 = vector.load %arg1[%get3A, %get3A_0, %get3A_1] : memref<1x2304x64xf32, #tpu.memory_space<vmem>>, vector<1x2304x64xf32>
    %get3A_3 = vector.shape_cast %get3A_2 : vector<1x2304x64xf32> to vector<2304x64xf32>
    %get3A_4 = arith.constant 0 : index
    %get3A_5 = arith.constant 0 : index
    %get3A_6 = vector.load %arg2[%get3A_4, %get3A_5] : memref<1024x64xf32, #tpu.memory_space<vmem>>, vector<1024x64xf32>
    %dot_general3A = arith.constant dense<0.000000e+00> : vector<1024x2304xf32>
    %dot_general3A_7 = tpu.matmul %get3A_6, %get3A_3, %dot_general3A {dimension_numbers = #tpu.dot_dimension_numbers<[1], [1], [0], [0], [0, 0, 1, 0], [], []>, transpose_lhs_hint = false} : vector<1024x64xf32>, vector<2304x64xf32>, vector<1024x2304xf32> -> vector<1024x2304xf32>
    %get3A_8 = arith.constant 0 : index
    %get3A_9 = arith.constant 0 : index
    %get3A_10 = arith.constant 0 : index
    %get3A_11 = vector.load %arg3[%get3A_8, %get3A_9, %get3A_10] : memref<1x1x2304xf32, #tpu.memory_space<vmem>>, vector<1x1x2304xf32>
    %get3A_12 = vector.shape_cast %get3A_11 : vector<1x1x2304xf32> to vector<1x2304xf32>
    %get3A_13 = arith.constant 0 : index
    %get3A_14 = arith.constant 0 : index
    %get3A_15 = vector.load %arg4[%get3A_13, %get3A_14] : memref<1024x1xf32, #tpu.memory_space<vmem>>, vector<1024x1xf32>
    %slice3A = vector.extract_strided_slice %get3A_15 {offsets = [0, 0], sizes = [8, 1], strides = [1, 1]} : vector<1024x1xf32> to vector<8x1xf32>
    %add3A = vector.broadcast %get3A_12 : vector<1x2304xf32> to vector<8x2304xf32>
    %add3A_16 = vector.broadcast %slice3A : vector<8x1xf32> to vector<8x2304xf32>
    %add3A_17 = arith.addf %add3A, %add3A_16 : vector<8x2304xf32>
    %slice3A_18 = vector.extract_strided_slice %dot_general3A_7 {offsets = [0, 0], sizes = [8, 2304], strides = [1, 1]} : vector<1024x2304xf32> to vector<8x2304xf32>
    %add3A_19 = arith.addf %add3A_17, %slice3A_18 : vector<8x2304xf32>
    %max3A = arith.constant 0.000000e+00 : f32
    %max3A_20 = vector.broadcast %max3A : f32 to vector<8x2304xf32>
    %max3A_21 = arith.maximumf %add3A_19, %max3A_20 : vector<8x2304xf32>
    %bitcast_convert_type3A = tpu.bitcast %max3A_21 : vector<8x2304xf32> -> vector<8x2304xi32>
    %swap3A = arith.constant 0 : index
    %swap3A_22 = arith.constant 0 : index
    %swap3A_23 = vector.load %arg6[%swap3A, %swap3A_22] : memref<1024x2304xi32, #tpu.memory_space<vmem>>, vector<8x2304xi32>
    tpu.vector_store %arg6[%swap3A, %swap3A_22], %bitcast_convert_type3A {strides = array<i32>} : memref<1024x2304xi32, #tpu.memory_space<vmem>>, vector<8x2304xi32>,
    %slice3A_24 = vector.extract_strided_slice %get3A_15 {offsets = [8, 0], sizes = [8, 1], strides = [1, 1]} : vector<1024x1xf32> to vector<8x1xf32>
    %add3A_25 = vector.broadcast %get3A_12 : vector<1x2304xf32> to vector<8x2304xf32>
    %add3A_26 = vector.broadcast %slice3A_24 : vector<8x1xf32> to vector<8x2304xf32>
    %add3A_27 = arith.addf %add3A_25, %add3A_26 : vector<8x2304xf32>
    %slice3A_28 = vector.extract_strided_slice %dot_general3A_7 {offsets = [8, 0], sizes = [8, 2304], strides = [1, 1]} : vector<1024x2304xf32> to vector<8x2304xf32>
    %add3A_29 = arith.addf %add3A_27, %slice3A_28 : vector<8x2304xf32>
    %max3A_30 = arith.constant 0.000000e+00 : f32
    %max3A_31 = vector.broadcast %max3A_30 : f32 to vector<8x2304xf32>
    %max3A_32 = arith.maximumf %add3A_29, %max3A_31 : vector<8x2304xf32>
    %bitcast_convert_type3A_33 = tpu.bitcast %max3A_32 : vector<8x2304xf32> -> vector<8x2304xi32>
    %swap3A_34 = arith.constant 8 : index
    %swap3A_35 = arith.constant 0 : index
    %swap3A_36 = vector.load %arg6[%swap3A_34, %swap3A_35] : memref<1024x2304xi32, #tpu.memory_space<vmem>>, vector<8x2304xi32>
    tpu.vector_store %arg6[%swap3A_34, %swap3A_35], %bitcast_convert_type3A_33 {strides = array<i32>} : memref<1024x2304xi32, #tpu.memory_space<vmem>>, vector<8x2304xi32>,
    %min3A = arith.minsi %bitcast_convert_type3A, %bitcast_convert_type3A_33 : vector<8x2304xi32>
    %slice3A_37 = vector.extract_strided_slice %get3A_15 {offsets = [16, 0], sizes = [8, 1], strides = [1, 1]} : vector<1024x1xf32> to vector<8x1xf32>
    %add3A_38 = vector.broadcast %get3A_12 : vector<1x2304xf32> to vector<8x2304xf32>
    %add3A_39 = vector.broadcast %slice3A_37 : vector<8x1xf32> to vector<8x2304xf32>
    %add3A_40 = arith.addf %add3A_38, %add3A_39 : vector<8x2304xf32>
    %slice3A_41 = vector.extract_strided_slice %dot_general3A_7 {offsets = [16, 0], sizes = [8, 2304], strides = [1, 1]} : vector<1024x2304xf32> to vector<8x2304xf32>
    %add3A_42 = arith.addf %add3A_40, %slice3A_41 : vector<8x2304xf32>
    %max3A_43 = arith.constant 0.000000e+00 : f32
    %max3A_44 = vector.broadcast %max3A_43 : f32 to vector<8x2304xf32>
    %max3A_45 = arith.maximumf %add3A_42, %max3A_44 : vector<8x2304xf32>
    %bitcast_convert_type3A_46 = tpu.bitcast %max3A_45 : vector<8x2304xf32> -> vector<8x2304xi32>
    %swap3A_47 = arith.constant 16 : index
    %swap3A_48 = arith.constant 0 : index
    %swap3A_49 = vector.load %arg6[%swap3A_47, %swap3A_48] : memref<1024x2304xi32, #tpu.memory_space<vmem>>, vector<8x2304xi32>
    tpu.vector_store %arg6[%swap3A_47, %swap3A_48], %bitcast_convert_type3A_46 {strides = array<i32>} : memref<1024x2304xi32, #tpu.memory_space<vmem>>, vector<8x2304xi32>,
    %min3A_50 = arith.minsi %min3A, %bitcast_convert_type3A_46 : vector<8x2304xi32>
    %slice3A_51 = vector.extract_strided_slice %get3A_15 {offsets = [24, 0], sizes = [8, 1], strides = [1, 1]} : vector<1024x1xf32> to vector<8x1xf32>
    %add3A_52 = vector.broadcast %get3A_12 : vector<1x2304xf32> to vector<8x2304xf32>
    %add3A_53 = vector.broadcast %slice3A_51 : vector<8x1xf32> to vector<8x2304xf32>
    %add3A_54 = arith.addf %add3A_52, %add3A_53 : vector<8x2304xf32>
    %slice3A_55 = vector.extract_strided_slice %dot_general3A_7 {offsets = [24, 0], sizes = [8, 2304], strides = [1, 1]} : vector<1024x2304xf32> to vector<8x2304xf32>
    %add3A_56 = arith.addf %add3A_54, %slice3A_55 : vector<8x2304xf32>
    %max3A_57 = arith.constant 0.000000e+00 : f32
    %max3A_58 = vector.broadcast %max3A_57 : f32 to vector<8x2304xf32>
    %max3A_59 = arith.maximumf %add3A_56, %max3A_58 : vector<8x2304xf32>
    %bitcast_convert_type3A_60 = tpu.bitcast %max3A_59 : vector<8x2304xf32> -> vector<8x2304xi32>
    %swap3A_61 = arith.constant 24 : index
    %swap3A_62 = arith.constant 0 : index
    %swap3A_63 = vector.load %arg6[%swap3A_61, %swap3A_62] : memref<1024x2304xi32, #tpu.memory_space<vmem>>, vector<8x2304xi32>
    tpu.vector_store %arg6[%swap3A_61, %swap3A_62], %bitcast_convert_type3A_60 {strides = array<i32>} : memref<1024x2304xi32, #tpu.memory_space<vmem>>, vector<8x2304xi32>,
    %min3A_64 = arith.minsi %min3A_50, %bitcast_convert_type3A_60 : vector<8x2304xi32>
    %slice3A_65 = vector.extract_strided_slice %get3A_15 {offsets = [32, 0], sizes = [8, 1], strides = [1, 1]} : vector<1024x1xf32> to vector<8x1xf32>
    %add3A_66 = vector.broadcast %get3A_12 : vector<1x2304xf32> to vector<8x2304xf32>
    %add3A_67 = vector.broadcast %slice3A_65 : vector<8x1xf32> to vector<8x2304xf32>
    %add3A_68 = arith.addf %add3A_66, %add3A_67 : vector<8x2304xf32>
    %slice3A_69 = vector.extract_strided_slice %dot_general3A_7 {offsets = [32, 0], sizes = [8, 2304], strides = [1, 1]} : vector<1024x2304xf32> to vector<8x2304xf32>
    %add3A_70 = arith.addf %add3A_68, %slice3A_69 : vector<8x2304xf32>
    %max3A_71 = arith.constant 0.000000e+00 : f32
    %max3A_72 = vector.broadcast %max3A_71 : f32 to vector<8x2304xf32>
    %max3A_73 = arith.maximumf %add3A_70, %max3A_72 : vector<8x2304xf32>
    %bitcast_convert_type3A_74 = tpu.bitcast %max3A_73 : vector<8x2304xf32> -> vector<8x2304xi32>
    %swap3A_75 = arith.constant 32 : index
    %swap3A_76 = arith.constant 0 : index
    %swap3A_77 = vector.load %arg6[%swap3A_75, %swap3A_76] : memref<1024x2304xi32, #tpu.memory_space<vmem>>, vector<8x2304xi32>
    tpu.vector_store %arg6[%swap3A_75, %swap3A_76], %bitcast_convert_type3A_74 {strides = array<i32>} : memref<1024x2304xi32, #tpu.memory_space<vmem>>, vector<8x2304xi32>,
    %min3A_78 = arith.minsi %min3A_64, %bitcast_convert_type3A_74 : vector<8x2304xi32>
    %slice3A_79 = vector.extract_strided_slice %get3A_15 {offsets = [40, 0], sizes = [8, 1], strides = [1, 1]} : vector<1024x1xf32> to vector<8x1xf32>
    %add3A_80 = vector.broadcast %get3A_12 : vector<1x2304xf32> to vector<8x2304xf32>
    %add3A_81 = vector.broadcast %slice3A_79 : vector<8x1xf32> to vector<8x2304xf32>
    %add3A_82 = arith.addf %add3A_80, %add3A_81 : vector<8x2304xf32>
    %slice3A_83 = vector.extract_strided_slice %dot_general3A_7 {offsets = [40, 0], sizes = [8, 2304], strides = [1, 1]} : vector<1024x2304xf32> to vector<8x2304xf32>
    %add3A_84 = arith.addf %add3A_82, %slice3A_83 : vector<8x2304xf32>
    %max3A_85 = arith.constant 0.000000e+00 : f32
    %max3A_86 = vector.broadcast %max3A_85 : f32 to vector<8x2304xf32>
    %max3A_87 = arith.maximumf %add3A_84, %max3A_86 : vector<8x2304xf32>
    %bitcast_convert_type3A_88 = tpu.bitcast %max3A_87 : vector<8x2304xf32> -> vector<8x2304xi32>
    %swap3A_89 = arith.constant 40 : index
    %swap3A_90 = arith.constant 0 : index
    %swap3A_91 = vector.load %arg6[%swap3A_89, %swap3A_90] : memref<1024x2304xi32, #tpu.memory_space<vmem>>, vector<8x2304xi32>
    tpu.vector_store %arg6[%swap3A_89, %swap3A_90], %bitcast_convert_type3A_88 {strides = array<i32>} : memref<1024x2304xi32, #tpu.memory_space<vmem>>, vector<8x2304xi32>,
    %min3A_92 = arith.minsi %min3A_78, %bitcast_convert_type3A_88 : vector<8x2304xi32>
    %slice3A_93 = vector.extract_strided_slice %get3A_15 {offsets = [48, 0], sizes = [8, 1], strides = [1, 1]} : vector<1024x1xf32> to vector<8x1xf32>
    %add3A_94 = vector.broadcast %get3A_12 : vector<1x2304xf32> to vector<8x2304xf32>
    %add3A_95 = vector.broadcast %slice3A_93 : vector<8x1xf32> to vector<8x2304xf32>
    %add3A_96 = arith.addf %add3A_94, %add3A_95 : vector<8x2304xf32>
    %slice3A_97 = vector.extract_strided_slice %dot_general3A_7 {offsets = [48, 0], sizes = [8, 2304], strides = [1, 1]} : vector<1024x2304xf32> to vector<8x2304xf32>
    %add3A_98 = arith.addf %add3A_96, %slice3A_97 : vector<8x2304xf32>
    %max3A_99 = arith.constant 0.000000e+00 : f32
    %max3A_100 = vector.broadcast %max3A_99 : f32 to vector<8x2304xf32>
    %max3A_101 = arith.maximumf %add3A_98, %max3A_100 : vector<8x2304xf32>
    %bitcast_convert_type3A_102 = tpu.bitcast %max3A_101 : vector<8x2304xf32> -> vector<8x2304xi32>
    %swap3A_103 = arith.constant 48 : index
    %swap3A_104 = arith.constant 0 : index
    %swap3A_105 = vector.load %arg6[%swap3A_103, %swap3A_104] : memref<1024x2304xi32, #tpu.memory_space<vmem>>, vector<8x2304xi32>
    tpu.vector_store %arg6[%swap3A_103, %swap3A_104], %bitcast_convert_type3A_102 {strides = array<i32>} : memref<1024x2304xi32, #tpu.memory_space<vmem>>, vector<8x2304xi32>,
    %min3A_106 = arith.minsi %min3A_92, %bitcast_convert_type3A_102 : vector<8x2304xi32>
    %slice3A_107 = vector.extract_strided_slice %get3A_15 {offsets = [56, 0], sizes = [8, 1], strides = [1, 1]} : vector<1024x1xf32> to vector<8x1xf32>
    %add3A_108 = vector.broadcast %get3A_12 : vector<1x2304xf32> to vector<8x2304xf32>
    %add3A_109 = vector.broadcast %slice3A_107 : vector<8x1xf32> to vector<8x2304xf32>
    %add3A_110 = arith.addf %add3A_108, %add3A_109 : vector<8x2304xf32>
    %slice3A_111 = vector.extract_strided_slice %dot_general3A_7 {offsets = [56, 0], sizes = [8, 2304], strides = [1, 1]} : vector<1024x2304xf32> to vector<8x2304xf32>
    %add3A_112 = arith.addf %add3A_110, %slice3A_111 : vector<8x2304xf32>
    %max3A_113 = arith.constant 0.000000e+00 : f32
    %max3A_114 = vector.broadcast %max3A_113 : f32 to vector<8x2304xf32>
    %max3A_115 = arith.maximumf %add3A_112, %max3A_114 : vector<8x2304xf32>
    %bitcast_convert_type3A_116 = tpu.bitcast %max3A_115 : vector<8x2304xf32> -> vector<8x2304xi32>
    %swap3A_117 = arith.constant 56 : index
    %swap3A_118 = arith.constant 0 : index
    %swap3A_119 = vector.load %arg6[%swap3A_117, %swap3A_118] : memref<1024x2304xi32, #tpu.memory_space<vmem>>, vector<8x2304xi32>
    tpu.vector_store %arg6[%swap3A_117, %swap3A_118], %bitcast_convert_type3A_116 {strides = array<i32>} : memref<1024x2304xi32, #tpu.memory_space<vmem>>, vector<8x2304xi32>,
    %min3A_120 = arith.minsi %min3A_106, %bitcast_convert_type3A_116 : vector<8x2304xi32>
    %slice3A_121 = vector.extract_strided_slice %get3A_15 {offsets = [64, 0], sizes = [8, 1], strides = [1, 1]} : vector<1024x1xf32> to vector<8x1xf32>
    %add3A_122 = vector.broadcast %get3A_12 : vector<1x2304xf32> to vector<8x2304xf32>
    %add3A_123 = vector.broadcast %slice3A_121 : vector<8x1xf32> to vector<8x2304xf32>
    %add3A_124 = arith.addf %add3A_122, %add3A_123 : vector<8x2304xf32>
    %slice3A_125 = vector.extract_strided_slice %dot_general3A_7 {offsets = [64, 0], sizes = [8, 2304], strides = [1, 1]} : vector<1024x2304xf32> to vector<8x2304xf32>
    %add3A_126 = arith.addf %add3A_124, %slice3A_125 : vector<8x2304xf32>
    %max3A_127 = arith.constant 0.000000e+00 : f32
    %max3A_128 = vector.broadcast %max3A_127 : f32 to vector<8x2304xf32>
    %max3A_129 = arith.maximumf %add3A_126, %max3A_128 : vector<8x2304xf32>
    %bitcast_convert_type3A_130 = tpu.bitcast %max3A_129 : vector<8x2304xf32> -> vector<8x2304xi32>
    %swap3A_131 = arith.constant 64 : index
    %swap3A_132 = arith.constant 0 : index
    %swap3A_133 = vector.load %arg6[%swap3A_131, %swap3A_132] : memref<1024x2304xi32, #tpu.memory_space<vmem>>, vector<8x2304xi32>
    tpu.vector_store %arg6[%swap3A_131, %swap3A_132], %bitcast_convert_type3A_130 {strides = array<i32>} : memref<1024x2304xi32, #tpu.memory_space<vmem>>, vector<8x2304xi32>,
    %min3A_134 = arith.minsi %min3A_120, %bitcast_convert_type3A_130 : vector<8x2304xi32>
    %slice3A_135 = vector.extract_strided_slice %get3A_15 {offsets = [72, 0], sizes = [8, 1], strides = [1, 1]} : vector<1024x1xf32> to vector<8x1xf32>
    %add3A_136 = vector.broadcast %get3A_12 : vector<1x2304xf32> to vector<8x2304xf32>
    %add3A_137 = vector.broadcast %slice3A_135 : vector<8x1xf32> to vector<8x2304xf32>
    %add3A_138 = arith.addf %add3A_136, %add3A_137 : vector<8x2304xf32>
    %slice3A_139 = vector.extract_strided_slice %dot_general3A_7 {offsets = [72, 0], sizes = [8, 2304], strides = [1, 1]} : vector<1024x2304xf32> to vector<8x2304xf32>
    %add3A_140 = arith.addf %add3A_138, %slice3A_139 : vector<8x2304xf32>
    %max3A_141 = arith.constant 0.000000e+00 : f32
    %max3A_142 = vector.broadcast %max3A_141 : f32 to vector<8x2304xf32>
    %max3A_143 = arith.maximumf %add3A_140, %max3A_142 : vector<8x2304xf32>
    %bitcast_convert_type3A_144 = tpu.bitcast %max3A_143 : vector<8x2304xf32> -> vector<8x2304xi32>
    %swap3A_145 = arith.constant 72 : index
    %swap3A_146 = arith.constant 0 : index
    %swap3A_147 = vector.load %arg6[%swap3A_145, %swap3A_146] : memref<1024x2304xi32, #tpu.memory_space<vmem>>, vector<8x2304xi32>
    tpu.vector_store %arg6[%swap3A_145, %swap3A_146], %bitcast_convert_type3A_144 {strides = array<i32>} : memref<1024x2304xi32, #tpu.memory_space<vmem>>, vector<8x2304xi32>,
    %min3A_148 = arith.minsi %min3A_134, %bitcast_convert_type3A_144 : vector<8x2304xi32>
    %slice3A_149 = vector.extract_strided_slice %get3A_15 {offsets = [80, 0], sizes = [8, 1], strides = [1, 1]} : vector<1024x1xf32> to vector<8x1xf32>
    %add3A_150 = vector.broadcast %get3A_12 : vector<1x2304xf32> to vector<8x2304xf32>
    %add3A_151 = vector.broadcast %slice3A_149 : vector<8x1xf32> to vector<8x2304xf32>
    %add3A_152 = arith.addf %add3A_150, %add3A_151 : vector<8x2304xf32>
    %slice3A_153 = vector.extract_strided_slice %dot_general3A_7 {offsets = [80, 0], sizes = [8, 2304], strides = [1, 1]} : vector<1024x2304xf32> to vector<8x2304xf32>
    %add3A_154 = arith.addf %add3A_152, %slice3A_153 : vector<8x2304xf32>
    %max3A_155 = arith.constant 0.000000e+00 : f32
    %max3A_156 = vector.broadcast %max3A_155 : f32 to vector<8x2304xf32>
    %max3A_157 = arith.maximumf %add3A_154, %max3A_156 : vector<8x2304xf32>
    %bitcast_convert_type3A_158 = tpu.bitcast %max3A_157 : vector<8x2304xf32> -> vector<8x2304xi32>
    %swap3A_159 = arith.constant 80 : index
    %swap3A_160 = arith.constant 0 : index
    %swap3A_161 = vector.load %arg6[%swap3A_159, %swap3A_160] : memref<1024x2304xi32, #tpu.memory_space<vmem>>, vector<8x2304xi32>
    tpu.vector_store %arg6[%swap3A_159, %swap3A_160], %bitcast_convert_type3A_158 {strides = array<i32>} : memref<1024x2304xi32, #tpu.memory_space<vmem>>, vector<8x2304xi32>,
    %min3A_162 = arith.minsi %min3A_148, %bitcast_convert_type3A_158 : vector<8x2304xi32>
    %slice3A_163 = vector.extract_strided_slice %get3A_15 {offsets = [88, 0], sizes = [8, 1], strides = [1, 1]} : vector<1024x1xf32> to vector<8x1xf32>
    %add3A_164 = vector.broadcast %get3A_12 : vector<1x2304xf32> to vector<8x2304xf32>
    %add3A_165 = vector.broadcast %slice3A_163 : vector<8x1xf32> to vector<8x2304xf32>
    %add3A_166 = arith.addf %add3A_164, %add3A_165 : vector<8x2304xf32>
    %slice3A_167 = vector.extract_strided_slice %dot_general3A_7 {offsets = [88, 0], sizes = [8, 2304], strides = [1, 1]} : vector<1024x2304xf32> to vector<8x2304xf32>
    %add3A_168 = arith.addf %add3A_166, %slice3A_167 : vector<8x2304xf32>
    %max3A_169 = arith.constant 0.000000e+00 : f32
    %max3A_170 = vector.broadcast %max3A_169 : f32 to vector<8x2304xf32>
    %max3A_171 = arith.maximumf %add3A_168, %max3A_170 : vector<8x2304xf32>
    %bitcast_convert_type3A_172 = tpu.bitcast %max3A_171 : vector<8x2304xf32> -> vector<8x2304xi32>
    %swap3A_173 = arith.constant 88 : index
    %swap3A_174 = arith.constant 0 : index
    %swap3A_175 = vector.load %arg6[%swap3A_173, %swap3A_174] : memref<1024x2304xi32, #tpu.memory_space<vmem>>, vector<8x2304xi32>
    tpu.vector_store %arg6[%swap3A_173, %swap3A_174], %bitcast_convert_type3A_172 {strides = array<i32>} : memref<1024x2304xi32, #tpu.memory_space<vmem>>, vector<8x2304xi32>,
    %min3A_176 = arith.minsi %min3A_162, %bitcast_convert_type3A_172 : vector<8x2304xi32>
    %slice3A_177 = vector.extract_strided_slice %get3A_15 {offsets = [96, 0], sizes = [8, 1], strides = [1, 1]} : vector<1024x1xf32> to vector<8x1xf32>
    %add3A_178 = vector.broadcast %get3A_12 : vector<1x2304xf32> to vector<8x2304xf32>
    %add3A_179 = vector.broadcast %slice3A_177 : vector<8x1xf32> to vector<8x2304xf32>
    %add3A_180 = arith.addf %add3A_178, %add3A_179 : vector<8x2304xf32>
    %slice3A_181 = vector.extract_strided_slice %dot_general3A_7 {offsets = [96, 0], sizes = [8, 2304], strides = [1, 1]} : vector<1024x2304xf32> to vector<8x2304xf32>
    %add3A_182 = arith.addf %add3A_180, %slice3A_181 : vector<8x2304xf32>
    %max3A_183 = arith.constant 0.000000e+00 : f32
    %max3A_184 = vector.broadcast %max3A_183 : f32 to vector<8x2304xf32>
    %max3A_185 = arith.maximumf %add3A_182, %max3A_184 : vector<8x2304xf32>
    %bitcast_convert_type3A_186 = tpu.bitcast %max3A_185 : vector<8x2304xf32> -> vector<8x2304xi32>
    %swap3A_187 = arith.constant 96 : index
    %swap3A_188 = arith.constant 0 : index
    %swap3A_189 = vector.load %arg6[%swap3A_187, %swap3A_188] : memref<1024x2304xi32, #tpu.memory_space<vmem>>, vector<8x2304xi32>
    tpu.vector_store %arg6[%swap3A_187, %swap3A_188], %bitcast_convert_type3A_186 {strides = array<i32>} : memref<1024x2304xi32, #tpu.memory_space<vmem>>, vector<8x2304xi32>,
    %min3A_190 = arith.minsi %min3A_176, %bitcast_convert_type3A_186 : vector<8x2304xi32>
    %slice3A_191 = vector.extract_strided_slice %get3A_15 {offsets = [104, 0], sizes = [8, 1], strides = [1, 1]} : vector<1024x1xf32> to vector<8x1xf32>
    %add3A_192 = vector.broadcast %get3A_12 : vector<1x2304xf32> to vector<8x2304xf32>
    %add3A_193 = vector.broadcast %slice3A_191 : vector<8x1xf32> to vector<8x2304xf32>
    %add3A_194 = arith.addf %add3A_192, %add3A_193 : vector<8x2304xf32>
    %slice3A_195 = vector.extract_strided_slice %dot_general3A_7 {offsets = [104, 0], sizes = [8, 2304], strides = [1, 1]} : vector<1024x2304xf32> to vector<8x2304xf32>
    %add3A_196 = arith.addf %add3A_194, %slice3A_195 : vector<8x2304xf32>
    %max3A_197 = arith.constant 0.000000e+00 : f32
    %max3A_198 = vector.broadcast %max3A_197 : f32 to vector<8x2304xf32>
    %max3A_199 = arith.maximumf %add3A_196, %max3A_198 : vector<8x2304xf32>
    %bitcast_convert_type3A_200 = tpu.bitcast %max3A_199 : vector<8x2304xf32> -> vector<8x2304xi32>
    %swap3A_201 = arith.constant 104 : index
    %swap3A_202 = arith.constant 0 : index
    %swap3A_203 = vector.load %arg6[%swap3A_201, %swap3A_202] : memref<1024x2304xi32, #tpu.memory_space<vmem>>, vector<8x2304xi32>
    tpu.vector_store %arg6[%swap3A_201, %swap3A_202], %bitcast_convert_type3A_200 {strides = array<i32>} : memref<1024x2304xi32, #tpu.memory_space<vmem>>, vector<8x2304xi32>,
    %min3A_204 = arith.minsi %min3A_190, %bitcast_convert_type3A_200 : vector<8x2304xi32>
    %slice3A_205 = vector.extract_strided_slice %get3A_15 {offsets = [112, 0], sizes = [8, 1], strides = [1, 1]} : vector<1024x1xf32> to vector<8x1xf32>
    %add3A_206 = vector.broadcast %get3A_12 : vector<1x2304xf32> to vector<8x2304xf32>
    %add3A_207 = vector.broadcast %slice3A_205 : vector<8x1xf32> to vector<8x2304xf32>
    %add3A_208 = arith.addf %add3A_206, %add3A_207 : vector<8x2304xf32>
    %slice3A_209 = vector.extract_strided_slice %dot_general3A_7 {offsets = [112, 0], sizes = [8, 2304], strides = [1, 1]} : vector<1024x2304xf32> to vector<8x2304xf32>
    %add3A_210 = arith.addf %add3A_208, %slice3A_209 : vector<8x2304xf32>
    %max3A_211 = arith.constant 0.000000e+00 : f32
    %max3A_212 = vector.broadcast %max3A_211 : f32 to vector<8x2304xf32>
    %max3A_213 = arith.maximumf %add3A_210, %max3A_212 : vector<8x2304xf32>
    %bitcast_convert_type3A_214 = tpu.bitcast %max3A_213 : vector<8x2304xf32> -> vector<8x2304xi32>
    %swap3A_215 = arith.constant 112 : index
    %swap3A_216 = arith.constant 0 : index
    %swap3A_217 = vector.load %arg6[%swap3A_215, %swap3A_216] : memref<1024x2304xi32, #tpu.memory_space<vmem>>, vector<8x2304xi32>
    tpu.vector_store %arg6[%swap3A_215, %swap3A_216], %bitcast_convert_type3A_214 {strides = array<i32>} : memref<1024x2304xi32, #tpu.memory_space<vmem>>, vector<8x2304xi32>,
    %min3A_218 = arith.minsi %min3A_204, %bitcast_convert_type3A_214 : vector<8x2304xi32>
    %slice3A_219 = vector.extract_strided_slice %get3A_15 {offsets = [120, 0], sizes = [8, 1], strides = [1, 1]} : vector<1024x1xf32> to vector<8x1xf32>
    %add3A_220 = vector.broadcast %get3A_12 : vector<1x2304xf32> to vector<8x2304xf32>
    %add3A_221 = vector.broadcast %slice3A_219 : vector<8x1xf32> to vector<8x2304xf32>
    %add3A_222 = arith.addf %add3A_220, %add3A_221 : vector<8x2304xf32>
    %slice3A_223 = vector.extract_strided_slice %dot_general3A_7 {offsets = [120, 0], sizes = [8, 2304], strides = [1, 1]} : vector<1024x2304xf32> to vector<8x2304xf32>
    %add3A_224 = arith.addf %add3A_222, %slice3A_223 : vector<8x2304xf32>
    %max3A_225 = arith.constant 0.000000e+00 : f32
    %max3A_226 = vector.broadcast %max3A_225 : f32 to vector<8x2304xf32>
    %max3A_227 = arith.maximumf %add3A_224, %max3A_226 : vector<8x2304xf32>
    %bitcast_convert_type3A_228 = tpu.bitcast %max3A_227 : vector<8x2304xf32> -> vector<8x2304xi32>
    %swap3A_229 = arith.constant 120 : index
    %swap3A_230 = arith.constant 0 : index
    %swap3A_231 = vector.load %arg6[%swap3A_229, %swap3A_230] : memref<1024x2304xi32, #tpu.memory_space<vmem>>, vector<8x2304xi32>
    tpu.vector_store %arg6[%swap3A_229, %swap3A_230], %bitcast_convert_type3A_228 {strides = array<i32>} : memref<1024x2304xi32, #tpu.memory_space<vmem>>, vector<8x2304xi32>,
    %min3A_232 = arith.minsi %min3A_218, %bitcast_convert_type3A_228 : vector<8x2304xi32>
    %slice3A_233 = vector.extract_strided_slice %get3A_15 {offsets = [128, 0], sizes = [8, 1], strides = [1, 1]} : vector<1024x1xf32> to vector<8x1xf32>
    %add3A_234 = vector.broadcast %get3A_12 : vector<1x2304xf32> to vector<8x2304xf32>
    %add3A_235 = vector.broadcast %slice3A_233 : vector<8x1xf32> to vector<8x2304xf32>
    %add3A_236 = arith.addf %add3A_234, %add3A_235 : vector<8x2304xf32>
    %slice3A_237 = vector.extract_strided_slice %dot_general3A_7 {offsets = [128, 0], sizes = [8, 2304], strides = [1, 1]} : vector<1024x2304xf32> to vector<8x2304xf32>
    %add3A_238 = arith.addf %add3A_236, %slice3A_237 : vector<8x2304xf32>
    %max3A_239 = arith.constant 0.000000e+00 : f32
    %max3A_240 = vector.broadcast %max3A_239 : f32 to vector<8x2304xf32>
    %max3A_241 = arith.maximumf %add3A_238, %max3A_240 : vector<8x2304xf32>
    %bitcast_convert_type3A_242 = tpu.bitcast %max3A_241 : vector<8x2304xf32> -> vector<8x2304xi32>
    %swap3A_243 = arith.constant 128 : index
    %swap3A_244 = arith.constant 0 : index
    %swap3A_245 = vector.load %arg6[%swap3A_243, %swap3A_244] : memref<1024x2304xi32, #tpu.memory_space<vmem>>, vector<8x2304xi32>
    tpu.vector_store %arg6[%swap3A_243, %swap3A_244], %bitcast_convert_type3A_242 {strides = array<i32>} : memref<1024x2304xi32, #tpu.memory_space<vmem>>, vector<8x2304xi32>,
    %min3A_246 = arith.minsi %min3A_232, %bitcast_convert_type3A_242 : vector<8x2304xi32>
    %slice3A_247 = vector.extract_strided_slice %get3A_15 {offsets = [136, 0], sizes = [8, 1], strides = [1, 1]} : vector<1024x1xf32> to vector<8x1xf32>
    %add3A_248 = vector.broadcast %get3A_12 : vector<1x2304xf32> to vector<8x2304xf32>
    %add3A_249 = vector.broadcast %slice3A_247 : vector<8x1xf32> to vector<8x2304xf32>
    %add3A_250 = arith.addf %add3A_248, %add3A_249 : vector<8x2304xf32>
    %slice3A_251 = vector.extract_strided_slice %dot_general3A_7 {offsets = [136, 0], sizes = [8, 2304], strides = [1, 1]} : vector<1024x2304xf32> to vector<8x2304xf32>
    %add3A_252 = arith.addf %add3A_250, %slice3A_251 : vector<8x2304xf32>
    %max3A_253 = arith.constant 0.000000e+00 : f32
    %max3A_254 = vector.broadcast %max3A_253 : f32 to vector<8x2304xf32>
    %max3A_255 = arith.maximumf %add3A_252, %max3A_254 : vector<8x2304xf32>
    %bitcast_convert_type3A_256 = tpu.bitcast %max3A_255 : vector<8x2304xf32> -> vector<8x2304xi32>
    %swap3A_257 = arith.constant 136 : index
    %swap3A_258 = arith.constant 0 : index
    %swap3A_259 = vector.load %arg6[%swap3A_257, %swap3A_258] : memref<1024x2304xi32, #tpu.memory_space<vmem>>, vector<8x2304xi32>
    tpu.vector_store %arg6[%swap3A_257, %swap3A_258], %bitcast_convert_type3A_256 {strides = array<i32>} : memref<1024x2304xi32, #tpu.memory_space<vmem>>, vector<8x2304xi32>,
    %min3A_260 = arith.minsi %min3A_246, %bitcast_convert_type3A_256 : vector<8x2304xi32>
    %slice3A_261 = vector.extract_strided_slice %get3A_15 {offsets = [144, 0], sizes = [8, 1], strides = [1, 1]} : vector<1024x1xf32> to vector<8x1xf32>
    %add3A_262 = vector.broadcast %get3A_12 : vector<1x2304xf32> to vector<8x2304xf32>
    %add3A_263 = vector.broadcast %slice3A_261 : vector<8x1xf32> to vector<8x2304xf32>
    %add3A_264 = arith.addf %add3A_262, %add3A_263 : vector<8x2304xf32>
    %slice3A_265 = vector.extract_strided_slice %dot_general3A_7 {offsets = [144, 0], sizes = [8, 2304], strides = [1, 1]} : vector<1024x2304xf32> to vector<8x2304xf32>
    %add3A_266 = arith.addf %add3A_264, %slice3A_265 : vector<8x2304xf32>
    %max3A_267 = arith.constant 0.000000e+00 : f32
    %max3A_268 = vector.broadcast %max3A_267 : f32 to vector<8x2304xf32>
    %max3A_269 = arith.maximumf %add3A_266, %max3A_268 : vector<8x2304xf32>
    %bitcast_convert_type3A_270 = tpu.bitcast %max3A_269 : vector<8x2304xf32> -> vector<8x2304xi32>
    %swap3A_271 = arith.constant 144 : index
    %swap3A_272 = arith.constant 0 : index
    %swap3A_273 = vector.load %arg6[%swap3A_271, %swap3A_272] : memref<1024x2304xi32, #tpu.memory_space<vmem>>, vector<8x2304xi32>
    tpu.vector_store %arg6[%swap3A_271, %swap3A_272], %bitcast_convert_type3A_270 {strides = array<i32>} : memref<1024x2304xi32, #tpu.memory_space<vmem>>, vector<8x2304xi32>,
    %min3A_274 = arith.minsi %min3A_260, %bitcast_convert_type3A_270 : vector<8x2304xi32>
    %slice3A_275 = vector.extract_strided_slice %get3A_15 {offsets = [152, 0], sizes = [8, 1], strides = [1, 1]} : vector<1024x1xf32> to vector<8x1xf32>
    %add3A_276 = vector.broadcast %get3A_12 : vector<1x2304xf32> to vector<8x2304xf32>
    %add3A_277 = vector.broadcast %slice3A_275 : vector<8x1xf32> to vector<8x2304xf32>
    %add3A_278 = arith.addf %add3A_276, %add3A_277 : vector<8x2304xf32>
    %slice3A_279 = vector.extract_strided_slice %dot_general3A_7 {offsets = [152, 0], sizes = [8, 2304], strides = [1, 1]} : vector<1024x2304xf32> to vector<8x2304xf32>
    %add3A_280 = arith.addf %add3A_278, %slice3A_279 : vector<8x2304xf32>
    %max3A_281 = arith.constant 0.000000e+00 : f32
    %max3A_282 = vector.broadcast %max3A_281 : f32 to vector<8x2304xf32>
    %max3A_283 = arith.maximumf %add3A_280, %max3A_282 : vector<8x2304xf32>
    %bitcast_convert_type3A_284 = tpu.bitcast %max3A_283 : vector<8x2304xf32> -> vector<8x2304xi32>
    %swap3A_285 = arith.constant 152 : index
    %swap3A_286 = arith.constant 0 : index
    %swap3A_287 = vector.load %arg6[%swap3A_285, %swap3A_286] : memref<1024x2304xi32, #tpu.memory_space<vmem>>, vector<8x2304xi32>
    tpu.vector_store %arg6[%swap3A_285, %swap3A_286], %bitcast_convert_type3A_284 {strides = array<i32>} : memref<1024x2304xi32, #tpu.memory_space<vmem>>, vector<8x2304xi32>,
    %min3A_288 = arith.minsi %min3A_274, %bitcast_convert_type3A_284 : vector<8x2304xi32>
    %slice3A_289 = vector.extract_strided_slice %get3A_15 {offsets = [160, 0], sizes = [8, 1], strides = [1, 1]} : vector<1024x1xf32> to vector<8x1xf32>
    %add3A_290 = vector.broadcast %get3A_12 : vector<1x2304xf32> to vector<8x2304xf32>
    %add3A_291 = vector.broadcast %slice3A_289 : vector<8x1xf32> to vector<8x2304xf32>
    %add3A_292 = arith.addf %add3A_290, %add3A_291 : vector<8x2304xf32>
    %slice3A_293 = vector.extract_strided_slice %dot_general3A_7 {offsets = [160, 0], sizes = [8, 2304], strides = [1, 1]} : vector<1024x2304xf32> to vector<8x2304xf32>
    %add3A_294 = arith.addf %add3A_292, %slice3A_293 : vector<8x2304xf32>
    %max3A_295 = arith.constant 0.000000e+00 : f32
    %max3A_296 = vector.broadcast %max3A_295 : f32 to vector<8x2304xf32>
    %max3A_297 = arith.maximumf %add3A_294, %max3A_296 : vector<8x2304xf32>
    %bitcast_convert_type3A_298 = tpu.bitcast %max3A_297 : vector<8x2304xf32> -> vector<8x2304xi32>
    %swap3A_299 = arith.constant 160 : index
    %swap3A_300 = arith.constant 0 : index
    %swap3A_301 = vector.load %arg6[%swap3A_299, %swap3A_300] : memref<1024x2304xi32, #tpu.memory_space<vmem>>, vector<8x2304xi32>
    tpu.vector_store %arg6[%swap3A_299, %swap3A_300], %bitcast_convert_type3A_298 {strides = array<i32>} : memref<1024x2304xi32, #tpu.memory_space<vmem>>, vector<8x2304xi32>,
    %min3A_302 = arith.minsi %min3A_288, %bitcast_convert_type3A_298 : vector<8x2304xi32>
    %slice3A_303 = vector.extract_strided_slice %get3A_15 {offsets = [168, 0], sizes = [8, 1], strides = [1, 1]} : vector<1024x1xf32> to vector<8x1xf32>
    %add3A_304 = vector.broadcast %get3A_12 : vector<1x2304xf32> to vector<8x2304xf32>
    %add3A_305 = vector.broadcast %slice3A_303 : vector<8x1xf32> to vector<8x2304xf32>
    %add3A_306 = arith.addf %add3A_304, %add3A_305 : vector<8x2304xf32>
    %slice3A_307 = vector.extract_strided_slice %dot_general3A_7 {offsets = [168, 0], sizes = [8, 2304], strides = [1, 1]} : vector<1024x2304xf32> to vector<8x2304xf32>
    %add3A_308 = arith.addf %add3A_306, %slice3A_307 : vector<8x2304xf32>
    %max3A_309 = arith.constant 0.000000e+00 : f32
    %max3A_310 = vector.broadcast %max3A_309 : f32 to vector<8x2304xf32>
    %max3A_311 = arith.maximumf %add3A_308, %max3A_310 : vector<8x2304xf32>
    %bitcast_convert_type3A_312 = tpu.bitcast %max3A_311 : vector<8x2304xf32> -> vector<8x2304xi32>
    %swap3A_313 = arith.constant 168 : index
    %swap3A_314 = arith.constant 0 : index
    %swap3A_315 = vector.load %arg6[%swap3A_313, %swap3A_314] : memref<1024x2304xi32, #tpu.memory_space<vmem>>, vector<8x2304xi32>
    tpu.vector_store %arg6[%swap3A_313, %swap3A_314], %bitcast_convert_type3A_312 {strides = array<i32>} : memref<1024x2304xi32, #tpu.memory_space<vmem>>, vector<8x2304xi32>,
    %min3A_316 = arith.minsi %min3A_302, %bitcast_convert_type3A_312 : vector<8x2304xi32>
    %slice3A_317 = vector.extract_strided_slice %get3A_15 {offsets = [176, 0], sizes = [8, 1], strides = [1, 1]} : vector<1024x1xf32> to vector<8x1xf32>
    %add3A_318 = vector.broadcast %get3A_12 : vector<1x2304xf32> to vector<8x2304xf32>
    %add3A_319 = vector.broadcast %slice3A_317 : vector<8x1xf32> to vector<8x2304xf32>
    %add3A_320 = arith.addf %add3A_318, %add3A_319 : vector<8x2304xf32>
    %slice3A_321 = vector.extract_strided_slice %dot_general3A_7 {offsets = [176, 0], sizes = [8, 2304], strides = [1, 1]} : vector<1024x2304xf32> to vector<8x2304xf32>
    %add3A_322 = arith.addf %add3A_320, %slice3A_321 : vector<8x2304xf32>
    %max3A_323 = arith.constant 0.000000e+00 : f32
    %max3A_324 = vector.broadcast %max3A_323 : f32 to vector<8x2304xf32>
    %max3A_325 = arith.maximumf %add3A_322, %max3A_324 : vector<8x2304xf32>
    %bitcast_convert_type3A_326 = tpu.bitcast %max3A_325 : vector<8x2304xf32> -> vector<8x2304xi32>
    %swap3A_327 = arith.constant 176 : index
    %swap3A_328 = arith.constant 0 : index
    %swap3A_329 = vector.load %arg6[%swap3A_327, %swap3A_328] : memref<1024x2304xi32, #tpu.memory_space<vmem>>, vector<8x2304xi32>
    tpu.vector_store %arg6[%swap3A_327, %swap3A_328], %bitcast_convert_type3A_326 {strides = array<i32>} : memref<1024x2304xi32, #tpu.memory_space<vmem>>, vector<8x2304xi32>,
    %min3A_330 = arith.minsi %min3A_316, %bitcast_convert_type3A_326 : vector<8x2304xi32>
    %slice3A_331 = vector.extract_strided_slice %get3A_15 {offsets = [184, 0], sizes = [8, 1], strides = [1, 1]} : vector<1024x1xf32> to vector<8x1xf32>
    %add3A_332 = vector.broadcast %get3A_12 : vector<1x2304xf32> to vector<8x2304xf32>
    %add3A_333 = vector.broadcast %slice3A_331 : vector<8x1xf32> to vector<8x2304xf32>
    %add3A_334 = arith.addf %add3A_332, %add3A_333 : vector<8x2304xf32>
    %slice3A_335 = vector.extract_strided_slice %dot_general3A_7 {offsets = [184, 0], sizes = [8, 2304], strides = [1, 1]} : vector<1024x2304xf32> to vector<8x2304xf32>
    %add3A_336 = arith.addf %add3A_334, %slice3A_335 : vector<8x2304xf32>
    %max3A_337 = arith.constant 0.000000e+00 : f32
    %max3A_338 = vector.broadcast %max3A_337 : f32 to vector<8x2304xf32>
    %max3A_339 = arith.maximumf %add3A_336, %max3A_338 : vector<8x2304xf32>
    %bitcast_convert_type3A_340 = tpu.bitcast %max3A_339 : vector<8x2304xf32> -> vector<8x2304xi32>
    %swap3A_341 = arith.constant 184 : index
    %swap3A_342 = arith.constant 0 : index
    %swap3A_343 = vector.load %arg6[%swap3A_341, %swap3A_342] : memref<1024x2304xi32, #tpu.memory_space<vmem>>, vector<8x2304xi32>
    tpu.vector_store %arg6[%swap3A_341, %swap3A_342], %bitcast_convert_type3A_340 {strides = array<i32>} : memref<1024x2304xi32, #tpu.memory_space<vmem>>, vector<8x2304xi32>,
    %min3A_344 = arith.minsi %min3A_330, %bitcast_convert_type3A_340 : vector<8x2304xi32>
    %slice3A_345 = vector.extract_strided_slice %get3A_15 {offsets = [192, 0], sizes = [8, 1], strides = [1, 1]} : vector<1024x1xf32> to vector<8x1xf32>
    %add3A_346 = vector.broadcast %get3A_12 : vector<1x2304xf32> to vector<8x2304xf32>
    %add3A_347 = vector.broadcast %slice3A_345 : vector<8x1xf32> to vector<8x2304xf32>
    %add3A_348 = arith.addf %add3A_346, %add3A_347 : vector<8x2304xf32>
    %slice3A_349 = vector.extract_strided_slice %dot_general3A_7 {offsets = [192, 0], sizes = [8, 2304], strides = [1, 1]} : vector<1024x2304xf32> to vector<8x2304xf32>
    %add3A_350 = arith.addf %add3A_348, %slice3A_349 : vector<8x2304xf32>
    %max3A_351 = arith.constant 0.000000e+00 : f32
    %max3A_352 = vector.broadcast %max3A_351 : f32 to vector<8x2304xf32>
    %max3A_353 = arith.maximumf %add3A_350, %max3A_352 : vector<8x2304xf32>
    %bitcast_convert_type3A_354 = tpu.bitcast %max3A_353 : vector<8x2304xf32> -> vector<8x2304xi32>
    %swap3A_355 = arith.constant 192 : index
    %swap3A_356 = arith.constant 0 : index
    %swap3A_357 = vector.load %arg6[%swap3A_355, %swap3A_356] : memref<1024x2304xi32, #tpu.memory_space<vmem>>, vector<8x2304xi32>
    tpu.vector_store %arg6[%swap3A_355, %swap3A_356], %bitcast_convert_type3A_354 {strides = array<i32>} : memref<1024x2304xi32, #tpu.memory_space<vmem>>, vector<8x2304xi32>,
    %min3A_358 = arith.minsi %min3A_344, %bitcast_convert_type3A_354 : vector<8x2304xi32>
    %slice3A_359 = vector.extract_strided_slice %get3A_15 {offsets = [200, 0], sizes = [8, 1], strides = [1, 1]} : vector<1024x1xf32> to vector<8x1xf32>
    %add3A_360 = vector.broadcast %get3A_12 : vector<1x2304xf32> to vector<8x2304xf32>
    %add3A_361 = vector.broadcast %slice3A_359 : vector<8x1xf32> to vector<8x2304xf32>
    %add3A_362 = arith.addf %add3A_360, %add3A_361 : vector<8x2304xf32>
    %slice3A_363 = vector.extract_strided_slice %dot_general3A_7 {offsets = [200, 0], sizes = [8, 2304], strides = [1, 1]} : vector<1024x2304xf32> to vector<8x2304xf32>
    %add3A_364 = arith.addf %add3A_362, %slice3A_363 : vector<8x2304xf32>
    %max3A_365 = arith.constant 0.000000e+00 : f32
    %max3A_366 = vector.broadcast %max3A_365 : f32 to vector<8x2304xf32>
    %max3A_367 = arith.maximumf %add3A_364, %max3A_366 : vector<8x2304xf32>
    %bitcast_convert_type3A_368 = tpu.bitcast %max3A_367 : vector<8x2304xf32> -> vector<8x2304xi32>
    %swap3A_369 = arith.constant 200 : index
    %swap3A_370 = arith.constant 0 : index
    %swap3A_371 = vector.load %arg6[%swap3A_369, %swap3A_370] : memref<1024x2304xi32, #tpu.memory_space<vmem>>, vector<8x2304xi32>
    tpu.vector_store %arg6[%swap3A_369, %swap3A_370], %bitcast_convert_type3A_368 {strides = array<i32>} : memref<1024x2304xi32, #tpu.memory_space<vmem>>, vector<8x2304xi32>,
    %min3A_372 = arith.minsi %min3A_358, %bitcast_convert_type3A_368 : vector<8x2304xi32>
    %slice3A_373 = vector.extract_strided_slice %get3A_15 {offsets = [208, 0], sizes = [8, 1], strides = [1, 1]} : vector<1024x1xf32> to vector<8x1xf32>
    %add3A_374 = vector.broadcast %get3A_12 : vector<1x2304xf32> to vector<8x2304xf32>
    %add3A_375 = vector.broadcast %slice3A_373 : vector<8x1xf32> to vector<8x2304xf32>
    %add3A_376 = arith.addf %add3A_374, %add3A_375 : vector<8x2304xf32>
    %slice3A_377 = vector.extract_strided_slice %dot_general3A_7 {offsets = [208, 0], sizes = [8, 2304], strides = [1, 1]} : vector<1024x2304xf32> to vector<8x2304xf32>
    %add3A_378 = arith.addf %add3A_376, %slice3A_377 : vector<8x2304xf32>
    %max3A_379 = arith.constant 0.000000e+00 : f32
    %max3A_380 = vector.broadcast %max3A_379 : f32 to vector<8x2304xf32>
    %max3A_381 = arith.maximumf %add3A_378, %max3A_380 : vector<8x2304xf32>
    %bitcast_convert_type3A_382 = tpu.bitcast %max3A_381 : vector<8x2304xf32> -> vector<8x2304xi32>
    %swap3A_383 = arith.constant 208 : index
    %swap3A_384 = arith.constant 0 : index
    %swap3A_385 = vector.load %arg6[%swap3A_383, %swap3A_384] : memref<1024x2304xi32, #tpu.memory_space<vmem>>, vector<8x2304xi32>
    tpu.vector_store %arg6[%swap3A_383, %swap3A_384], %bitcast_convert_type3A_382 {strides = array<i32>} : memref<1024x2304xi32, #tpu.memory_space<vmem>>, vector<8x2304xi32>,
    %min3A_386 = arith.minsi %min3A_372, %bitcast_convert_type3A_382 : vector<8x2304xi32>
    %slice3A_387 = vector.extract_strided_slice %get3A_15 {offsets = [216, 0], sizes = [8, 1], strides = [1, 1]} : vector<1024x1xf32> to vector<8x1xf32>
    %add3A_388 = vector.broadcast %get3A_12 : vector<1x2304xf32> to vector<8x2304xf32>
    %add3A_389 = vector.broadcast %slice3A_387 : vector<8x1xf32> to vector<8x2304xf32>
    %add3A_390 = arith.addf %add3A_388, %add3A_389 : vector<8x2304xf32>
    %slice3A_391 = vector.extract_strided_slice %dot_general3A_7 {offsets = [216, 0], sizes = [8, 2304], strides = [1, 1]} : vector<1024x2304xf32> to vector<8x2304xf32>
    %add3A_392 = arith.addf %add3A_390, %slice3A_391 : vector<8x2304xf32>
    %max3A_393 = arith.constant 0.000000e+00 : f32
    %max3A_394 = vector.broadcast %max3A_393 : f32 to vector<8x2304xf32>
    %max3A_395 = arith.maximumf %add3A_392, %max3A_394 : vector<8x2304xf32>
    %bitcast_convert_type3A_396 = tpu.bitcast %max3A_395 : vector<8x2304xf32> -> vector<8x2304xi32>
    %swap3A_397 = arith.constant 216 : index
    %swap3A_398 = arith.constant 0 : index
    %swap3A_399 = vector.load %arg6[%swap3A_397, %swap3A_398] : memref<1024x2304xi32, #tpu.memory_space<vmem>>, vector<8x2304xi32>
    tpu.vector_store %arg6[%swap3A_397, %swap3A_398], %bitcast_convert_type3A_396 {strides = array<i32>} : memref<1024x2304xi32, #tpu.memory_space<vmem>>, vector<8x2304xi32>,
    %min3A_400 = arith.minsi %min3A_386, %bitcast_convert_type3A_396 : vector<8x2304xi32>
    %slice3A_401 = vector.extract_strided_slice %get3A_15 {offsets = [224, 0], sizes = [8, 1], strides = [1, 1]} : vector<1024x1xf32> to vector<8x1xf32>
    %add3A_402 = vector.broadcast %get3A_12 : vector<1x2304xf32> to vector<8x2304xf32>
    %add3A_403 = vector.broadcast %slice3A_401 : vector<8x1xf32> to vector<8x2304xf32>
    %add3A_404 = arith.addf %add3A_402, %add3A_403 : vector<8x2304xf32>
    %slice3A_405 = vector.extract_strided_slice %dot_general3A_7 {offsets = [224, 0], sizes = [8, 2304], strides = [1, 1]} : vector<1024x2304xf32> to vector<8x2304xf32>
    %add3A_406 = arith.addf %add3A_404, %slice3A_405 : vector<8x2304xf32>
    %max3A_407 = arith.constant 0.000000e+00 : f32
    %max3A_408 = vector.broadcast %max3A_407 : f32 to vector<8x2304xf32>
    %max3A_409 = arith.maximumf %add3A_406, %max3A_408 : vector<8x2304xf32>
    %bitcast_convert_type3A_410 = tpu.bitcast %max3A_409 : vector<8x2304xf32> -> vector<8x2304xi32>
    %swap3A_411 = arith.constant 224 : index
    %swap3A_412 = arith.constant 0 : index
    %swap3A_413 = vector.load %arg6[%swap3A_411, %swap3A_412] : memref<1024x2304xi32, #tpu.memory_space<vmem>>, vector<8x2304xi32>
    tpu.vector_store %arg6[%swap3A_411, %swap3A_412], %bitcast_convert_type3A_410 {strides = array<i32>} : memref<1024x2304xi32, #tpu.memory_space<vmem>>, vector<8x2304xi32>,
    %min3A_414 = arith.minsi %min3A_400, %bitcast_convert_type3A_410 : vector<8x2304xi32>
    %slice3A_415 = vector.extract_strided_slice %get3A_15 {offsets = [232, 0], sizes = [8, 1], strides = [1, 1]} : vector<1024x1xf32> to vector<8x1xf32>
    %add3A_416 = vector.broadcast %get3A_12 : vector<1x2304xf32> to vector<8x2304xf32>
    %add3A_417 = vector.broadcast %slice3A_415 : vector<8x1xf32> to vector<8x2304xf32>
    %add3A_418 = arith.addf %add3A_416, %add3A_417 : vector<8x2304xf32>
    %slice3A_419 = vector.extract_strided_slice %dot_general3A_7 {offsets = [232, 0], sizes = [8, 2304], strides = [1, 1]} : vector<1024x2304xf32> to vector<8x2304xf32>
    %add3A_420 = arith.addf %add3A_418, %slice3A_419 : vector<8x2304xf32>
    %max3A_421 = arith.constant 0.000000e+00 : f32
    %max3A_422 = vector.broadcast %max3A_421 : f32 to vector<8x2304xf32>
    %max3A_423 = arith.maximumf %add3A_420, %max3A_422 : vector<8x2304xf32>
    %bitcast_convert_type3A_424 = tpu.bitcast %max3A_423 : vector<8x2304xf32> -> vector<8x2304xi32>
    %swap3A_425 = arith.constant 232 : index
    %swap3A_426 = arith.constant 0 : index
    %swap3A_427 = vector.load %arg6[%swap3A_425, %swap3A_426] : memref<1024x2304xi32, #tpu.memory_space<vmem>>, vector<8x2304xi32>
    tpu.vector_store %arg6[%swap3A_425, %swap3A_426], %bitcast_convert_type3A_424 {strides = array<i32>} : memref<1024x2304xi32, #tpu.memory_space<vmem>>, vector<8x2304xi32>,
    %min3A_428 = arith.minsi %min3A_414, %bitcast_convert_type3A_424 : vector<8x2304xi32>
    %slice3A_429 = vector.extract_strided_slice %get3A_15 {offsets = [240, 0], sizes = [8, 1], strides = [1, 1]} : vector<1024x1xf32> to vector<8x1xf32>
    %add3A_430 = vector.broadcast %get3A_12 : vector<1x2304xf32> to vector<8x2304xf32>
    %add3A_431 = vector.broadcast %slice3A_429 : vector<8x1xf32> to vector<8x2304xf32>
    %add3A_432 = arith.addf %add3A_430, %add3A_431 : vector<8x2304xf32>
    %slice3A_433 = vector.extract_strided_slice %dot_general3A_7 {offsets = [240, 0], sizes = [8, 2304], strides = [1, 1]} : vector<1024x2304xf32> to vector<8x2304xf32>
    %add3A_434 = arith.addf %add3A_432, %slice3A_433 : vector<8x2304xf32>
    %max3A_435 = arith.constant 0.000000e+00 : f32
    %max3A_436 = vector.broadcast %max3A_435 : f32 to vector<8x2304xf32>
    %max3A_437 = arith.maximumf %add3A_434, %max3A_436 : vector<8x2304xf32>
    %bitcast_convert_type3A_438 = tpu.bitcast %max3A_437 : vector<8x2304xf32> -> vector<8x2304xi32>
    %swap3A_439 = arith.constant 240 : index
    %swap3A_440 = arith.constant 0 : index
    %swap3A_441 = vector.load %arg6[%swap3A_439, %swap3A_440] : memref<1024x2304xi32, #tpu.memory_space<vmem>>, vector<8x2304xi32>
    tpu.vector_store %arg6[%swap3A_439, %swap3A_440], %bitcast_convert_type3A_438 {strides = array<i32>} : memref<1024x2304xi32, #tpu.memory_space<vmem>>, vector<8x2304xi32>,
    %min3A_442 = arith.minsi %min3A_428, %bitcast_convert_type3A_438 : vector<8x2304xi32>
    %slice3A_443 = vector.extract_strided_slice %get3A_15 {offsets = [248, 0], sizes = [8, 1], strides = [1, 1]} : vector<1024x1xf32> to vector<8x1xf32>
    %add3A_444 = vector.broadcast %get3A_12 : vector<1x2304xf32> to vector<8x2304xf32>
    %add3A_445 = vector.broadcast %slice3A_443 : vector<8x1xf32> to vector<8x2304xf32>
    %add3A_446 = arith.addf %add3A_444, %add3A_445 : vector<8x2304xf32>
    %slice3A_447 = vector.extract_strided_slice %dot_general3A_7 {offsets = [248, 0], sizes = [8, 2304], strides = [1, 1]} : vector<1024x2304xf32> to vector<8x2304xf32>
    %add3A_448 = arith.addf %add3A_446, %slice3A_447 : vector<8x2304xf32>
    %max3A_449 = arith.constant 0.000000e+00 : f32
    %max3A_450 = vector.broadcast %max3A_449 : f32 to vector<8x2304xf32>
    %max3A_451 = arith.maximumf %add3A_448, %max3A_450 : vector<8x2304xf32>
    %bitcast_convert_type3A_452 = tpu.bitcast %max3A_451 : vector<8x2304xf32> -> vector<8x2304xi32>
    %swap3A_453 = arith.constant 248 : index
    %swap3A_454 = arith.constant 0 : index
    %swap3A_455 = vector.load %arg6[%swap3A_453, %swap3A_454] : memref<1024x2304xi32, #tpu.memory_space<vmem>>, vector<8x2304xi32>
    tpu.vector_store %arg6[%swap3A_453, %swap3A_454], %bitcast_convert_type3A_452 {strides = array<i32>} : memref<1024x2304xi32, #tpu.memory_space<vmem>>, vector<8x2304xi32>,
    %min3A_456 = arith.minsi %min3A_442, %bitcast_convert_type3A_452 : vector<8x2304xi32>
    %slice3A_457 = vector.extract_strided_slice %get3A_15 {offsets = [256, 0], sizes = [8, 1], strides = [1, 1]} : vector<1024x1xf32> to vector<8x1xf32>
    %add3A_458 = vector.broadcast %get3A_12 : vector<1x2304xf32> to vector<8x2304xf32>
    %add3A_459 = vector.broadcast %slice3A_457 : vector<8x1xf32> to vector<8x2304xf32>
    %add3A_460 = arith.addf %add3A_458, %add3A_459 : vector<8x2304xf32>
    %slice3A_461 = vector.extract_strided_slice %dot_general3A_7 {offsets = [256, 0], sizes = [8, 2304], strides = [1, 1]} : vector<1024x2304xf32> to vector<8x2304xf32>
    %add3A_462 = arith.addf %add3A_460, %slice3A_461 : vector<8x2304xf32>
    %max3A_463 = arith.constant 0.000000e+00 : f32
    %max3A_464 = vector.broadcast %max3A_463 : f32 to vector<8x2304xf32>
    %max3A_465 = arith.maximumf %add3A_462, %max3A_464 : vector<8x2304xf32>
    %bitcast_convert_type3A_466 = tpu.bitcast %max3A_465 : vector<8x2304xf32> -> vector<8x2304xi32>
    %swap3A_467 = arith.constant 256 : index
    %swap3A_468 = arith.constant 0 : index
    %swap3A_469 = vector.load %arg6[%swap3A_467, %swap3A_468] : memref<1024x2304xi32, #tpu.memory_space<vmem>>, vector<8x2304xi32>
    tpu.vector_store %arg6[%swap3A_467, %swap3A_468], %bitcast_convert_type3A_466 {strides = array<i32>} : memref<1024x2304xi32, #tpu.memory_space<vmem>>, vector<8x2304xi32>,
    %min3A_470 = arith.minsi %min3A_456, %bitcast_convert_type3A_466 : vector<8x2304xi32>
    %slice3A_471 = vector.extract_strided_slice %get3A_15 {offsets = [264, 0], sizes = [8, 1], strides = [1, 1]} : vector<1024x1xf32> to vector<8x1xf32>
    %add3A_472 = vector.broadcast %get3A_12 : vector<1x2304xf32> to vector<8x2304xf32>
    %add3A_473 = vector.broadcast %slice3A_471 : vector<8x1xf32> to vector<8x2304xf32>
    %add3A_474 = arith.addf %add3A_472, %add3A_473 : vector<8x2304xf32>
    %slice3A_475 = vector.extract_strided_slice %dot_general3A_7 {offsets = [264, 0], sizes = [8, 2304], strides = [1, 1]} : vector<1024x2304xf32> to vector<8x2304xf32>
    %add3A_476 = arith.addf %add3A_474, %slice3A_475 : vector<8x2304xf32>
    %max3A_477 = arith.constant 0.000000e+00 : f32
    %max3A_478 = vector.broadcast %max3A_477 : f32 to vector<8x2304xf32>
    %max3A_479 = arith.maximumf %add3A_476, %max3A_478 : vector<8x2304xf32>
    %bitcast_convert_type3A_480 = tpu.bitcast %max3A_479 : vector<8x2304xf32> -> vector<8x2304xi32>
    %swap3A_481 = arith.constant 264 : index
    %swap3A_482 = arith.constant 0 : index
    %swap3A_483 = vector.load %arg6[%swap3A_481, %swap3A_482] : memref<1024x2304xi32, #tpu.memory_space<vmem>>, vector<8x2304xi32>
    tpu.vector_store %arg6[%swap3A_481, %swap3A_482], %bitcast_convert_type3A_480 {strides = array<i32>} : memref<1024x2304xi32, #tpu.memory_space<vmem>>, vector<8x2304xi32>,
    %min3A_484 = arith.minsi %min3A_470, %bitcast_convert_type3A_480 : vector<8x2304xi32>
    %slice3A_485 = vector.extract_strided_slice %get3A_15 {offsets = [272, 0], sizes = [8, 1], strides = [1, 1]} : vector<1024x1xf32> to vector<8x1xf32>
    %add3A_486 = vector.broadcast %get3A_12 : vector<1x2304xf32> to vector<8x2304xf32>
    %add3A_487 = vector.broadcast %slice3A_485 : vector<8x1xf32> to vector<8x2304xf32>
    %add3A_488 = arith.addf %add3A_486, %add3A_487 : vector<8x2304xf32>
    %slice3A_489 = vector.extract_strided_slice %dot_general3A_7 {offsets = [272, 0], sizes = [8, 2304], strides = [1, 1]} : vector<1024x2304xf32> to vector<8x2304xf32>
    %add3A_490 = arith.addf %add3A_488, %slice3A_489 : vector<8x2304xf32>
    %max3A_491 = arith.constant 0.000000e+00 : f32
    %max3A_492 = vector.broadcast %max3A_491 : f32 to vector<8x2304xf32>
    %max3A_493 = arith.maximumf %add3A_490, %max3A_492 : vector<8x2304xf32>
    %bitcast_convert_type3A_494 = tpu.bitcast %max3A_493 : vector<8x2304xf32> -> vector<8x2304xi32>
    %swap3A_495 = arith.constant 272 : index
    %swap3A_496 = arith.constant 0 : index
    %swap3A_497 = vector.load %arg6[%swap3A_495, %swap3A_496] : memref<1024x2304xi32, #tpu.memory_space<vmem>>, vector<8x2304xi32>
    tpu.vector_store %arg6[%swap3A_495, %swap3A_496], %bitcast_convert_type3A_494 {strides = array<i32>} : memref<1024x2304xi32, #tpu.memory_space<vmem>>, vector<8x2304xi32>,
    %min3A_498 = arith.minsi %min3A_484, %bitcast_convert_type3A_494 : vector<8x2304xi32>
    %slice3A_499 = vector.extract_strided_slice %get3A_15 {offsets = [280, 0], sizes = [8, 1], strides = [1, 1]} : vector<1024x1xf32> to vector<8x1xf32>
    %add3A_500 = vector.broadcast %get3A_12 : vector<1x2304xf32> to vector<8x2304xf32>
    %add3A_501 = vector.broadcast %slice3A_499 : vector<8x1xf32> to vector<8x2304xf32>
    %add3A_502 = arith.addf %add3A_500, %add3A_501 : vector<8x2304xf32>
    %slice3A_503 = vector.extract_strided_slice %dot_general3A_7 {offsets = [280, 0], sizes = [8, 2304], strides = [1, 1]} : vector<1024x2304xf32> to vector<8x2304xf32>
    %add3A_504 = arith.addf %add3A_502, %slice3A_503 : vector<8x2304xf32>
    %max3A_505 = arith.constant 0.000000e+00 : f32
    %max3A_506 = vector.broadcast %max3A_505 : f32 to vector<8x2304xf32>
    %max3A_507 = arith.maximumf %add3A_504, %max3A_506 : vector<8x2304xf32>
    %bitcast_convert_type3A_508 = tpu.bitcast %max3A_507 : vector<8x2304xf32> -> vector<8x2304xi32>
    %swap3A_509 = arith.constant 280 : index
    %swap3A_510 = arith.constant 0 : index
    %swap3A_511 = vector.load %arg6[%swap3A_509, %swap3A_510] : memref<1024x2304xi32, #tpu.memory_space<vmem>>, vector<8x2304xi32>
    tpu.vector_store %arg6[%swap3A_509, %swap3A_510], %bitcast_convert_type3A_508 {strides = array<i32>} : memref<1024x2304xi32, #tpu.memory_space<vmem>>, vector<8x2304xi32>,
    %min3A_512 = arith.minsi %min3A_498, %bitcast_convert_type3A_508 : vector<8x2304xi32>
    %slice3A_513 = vector.extract_strided_slice %get3A_15 {offsets = [288, 0], sizes = [8, 1], strides = [1, 1]} : vector<1024x1xf32> to vector<8x1xf32>
    %add3A_514 = vector.broadcast %get3A_12 : vector<1x2304xf32> to vector<8x2304xf32>
    %add3A_515 = vector.broadcast %slice3A_513 : vector<8x1xf32> to vector<8x2304xf32>
    %add3A_516 = arith.addf %add3A_514, %add3A_515 : vector<8x2304xf32>
    %slice3A_517 = vector.extract_strided_slice %dot_general3A_7 {offsets = [288, 0], sizes = [8, 2304], strides = [1, 1]} : vector<1024x2304xf32> to vector<8x2304xf32>
    %add3A_518 = arith.addf %add3A_516, %slice3A_517 : vector<8x2304xf32>
    %max3A_519 = arith.constant 0.000000e+00 : f32
    %max3A_520 = vector.broadcast %max3A_519 : f32 to vector<8x2304xf32>
    %max3A_521 = arith.maximumf %add3A_518, %max3A_520 : vector<8x2304xf32>
    %bitcast_convert_type3A_522 = tpu.bitcast %max3A_521 : vector<8x2304xf32> -> vector<8x2304xi32>
    %swap3A_523 = arith.constant 288 : index
    %swap3A_524 = arith.constant 0 : index
    %swap3A_525 = vector.load %arg6[%swap3A_523, %swap3A_524] : memref<1024x2304xi32, #tpu.memory_space<vmem>>, vector<8x2304xi32>
    tpu.vector_store %arg6[%swap3A_523, %swap3A_524], %bitcast_convert_type3A_522 {strides = array<i32>} : memref<1024x2304xi32, #tpu.memory_space<vmem>>, vector<8x2304xi32>,
    %min3A_526 = arith.minsi %min3A_512, %bitcast_convert_type3A_522 : vector<8x2304xi32>
    %slice3A_527 = vector.extract_strided_slice %get3A_15 {offsets = [296, 0], sizes = [8, 1], strides = [1, 1]} : vector<1024x1xf32> to vector<8x1xf32>
    %add3A_528 = vector.broadcast %get3A_12 : vector<1x2304xf32> to vector<8x2304xf32>
    %add3A_529 = vector.broadcast %slice3A_527 : vector<8x1xf32> to vector<8x2304xf32>
    %add3A_530 = arith.addf %add3A_528, %add3A_529 : vector<8x2304xf32>
    %slice3A_531 = vector.extract_strided_slice %dot_general3A_7 {offsets = [296, 0], sizes = [8, 2304], strides = [1, 1]} : vector<1024x2304xf32> to vector<8x2304xf32>
    %add3A_532 = arith.addf %add3A_530, %slice3A_531 : vector<8x2304xf32>
    %max3A_533 = arith.constant 0.000000e+00 : f32
    %max3A_534 = vector.broadcast %max3A_533 : f32 to vector<8x2304xf32>
    %max3A_535 = arith.maximumf %add3A_532, %max3A_534 : vector<8x2304xf32>
    %bitcast_convert_type3A_536 = tpu.bitcast %max3A_535 : vector<8x2304xf32> -> vector<8x2304xi32>
    %swap3A_537 = arith.constant 296 : index
    %swap3A_538 = arith.constant 0 : index
    %swap3A_539 = vector.load %arg6[%swap3A_537, %swap3A_538] : memref<1024x2304xi32, #tpu.memory_space<vmem>>, vector<8x2304xi32>
    tpu.vector_store %arg6[%swap3A_537, %swap3A_538], %bitcast_convert_type3A_536 {strides = array<i32>} : memref<1024x2304xi32, #tpu.memory_space<vmem>>, vector<8x2304xi32>,
    %min3A_540 = arith.minsi %min3A_526, %bitcast_convert_type3A_536 : vector<8x2304xi32>
    %slice3A_541 = vector.extract_strided_slice %get3A_15 {offsets = [304, 0], sizes = [8, 1], strides = [1, 1]} : vector<1024x1xf32> to vector<8x1xf32>
    %add3A_542 = vector.broadcast %get3A_12 : vector<1x2304xf32> to vector<8x2304xf32>
    %add3A_543 = vector.broadcast %slice3A_541 : vector<8x1xf32> to vector<8x2304xf32>
    %add3A_544 = arith.addf %add3A_542, %add3A_543 : vector<8x2304xf32>
    %slice3A_545 = vector.extract_strided_slice %dot_general3A_7 {offsets = [304, 0], sizes = [8, 2304], strides = [1, 1]} : vector<1024x2304xf32> to vector<8x2304xf32>
    %add3A_546 = arith.addf %add3A_544, %slice3A_545 : vector<8x2304xf32>
    %max3A_547 = arith.constant 0.000000e+00 : f32
    %max3A_548 = vector.broadcast %max3A_547 : f32 to vector<8x2304xf32>
    %max3A_549 = arith.maximumf %add3A_546, %max3A_548 : vector<8x2304xf32>
    %bitcast_convert_type3A_550 = tpu.bitcast %max3A_549 : vector<8x2304xf32> -> vector<8x2304xi32>
    %swap3A_551 = arith.constant 304 : index
    %swap3A_552 = arith.constant 0 : index
    %swap3A_553 = vector.load %arg6[%swap3A_551, %swap3A_552] : memref<1024x2304xi32, #tpu.memory_space<vmem>>, vector<8x2304xi32>
    tpu.vector_store %arg6[%swap3A_551, %swap3A_552], %bitcast_convert_type3A_550 {strides = array<i32>} : memref<1024x2304xi32, #tpu.memory_space<vmem>>, vector<8x2304xi32>,
    %min3A_554 = arith.minsi %min3A_540, %bitcast_convert_type3A_550 : vector<8x2304xi32>
    %slice3A_555 = vector.extract_strided_slice %get3A_15 {offsets = [312, 0], sizes = [8, 1], strides = [1, 1]} : vector<1024x1xf32> to vector<8x1xf32>
    %add3A_556 = vector.broadcast %get3A_12 : vector<1x2304xf32> to vector<8x2304xf32>
    %add3A_557 = vector.broadcast %slice3A_555 : vector<8x1xf32> to vector<8x2304xf32>
    %add3A_558 = arith.addf %add3A_556, %add3A_557 : vector<8x2304xf32>
    %slice3A_559 = vector.extract_strided_slice %dot_general3A_7 {offsets = [312, 0], sizes = [8, 2304], strides = [1, 1]} : vector<1024x2304xf32> to vector<8x2304xf32>
    %add3A_560 = arith.addf %add3A_558, %slice3A_559 : vector<8x2304xf32>
    %max3A_561 = arith.constant 0.000000e+00 : f32
    %max3A_562 = vector.broadcast %max3A_561 : f32 to vector<8x2304xf32>
    %max3A_563 = arith.maximumf %add3A_560, %max3A_562 : vector<8x2304xf32>
    %bitcast_convert_type3A_564 = tpu.bitcast %max3A_563 : vector<8x2304xf32> -> vector<8x2304xi32>
    %swap3A_565 = arith.constant 312 : index
    %swap3A_566 = arith.constant 0 : index
    %swap3A_567 = vector.load %arg6[%swap3A_565, %swap3A_566] : memref<1024x2304xi32, #tpu.memory_space<vmem>>, vector<8x2304xi32>
    tpu.vector_store %arg6[%swap3A_565, %swap3A_566], %bitcast_convert_type3A_564 {strides = array<i32>} : memref<1024x2304xi32, #tpu.memory_space<vmem>>, vector<8x2304xi32>,
    %min3A_568 = arith.minsi %min3A_554, %bitcast_convert_type3A_564 : vector<8x2304xi32>
    %slice3A_569 = vector.extract_strided_slice %get3A_15 {offsets = [320, 0], sizes = [8, 1], strides = [1, 1]} : vector<1024x1xf32> to vector<8x1xf32>
    %add3A_570 = vector.broadcast %get3A_12 : vector<1x2304xf32> to vector<8x2304xf32>
    %add3A_571 = vector.broadcast %slice3A_569 : vector<8x1xf32> to vector<8x2304xf32>
    %add3A_572 = arith.addf %add3A_570, %add3A_571 : vector<8x2304xf32>
    %slice3A_573 = vector.extract_strided_slice %dot_general3A_7 {offsets = [320, 0], sizes = [8, 2304], strides = [1, 1]} : vector<1024x2304xf32> to vector<8x2304xf32>
    %add3A_574 = arith.addf %add3A_572, %slice3A_573 : vector<8x2304xf32>
    %max3A_575 = arith.constant 0.000000e+00 : f32
    %max3A_576 = vector.broadcast %max3A_575 : f32 to vector<8x2304xf32>
    %max3A_577 = arith.maximumf %add3A_574, %max3A_576 : vector<8x2304xf32>
    %bitcast_convert_type3A_578 = tpu.bitcast %max3A_577 : vector<8x2304xf32> -> vector<8x2304xi32>
    %swap3A_579 = arith.constant 320 : index
    %swap3A_580 = arith.constant 0 : index
    %swap3A_581 = vector.load %arg6[%swap3A_579, %swap3A_580] : memref<1024x2304xi32, #tpu.memory_space<vmem>>, vector<8x2304xi32>
    tpu.vector_store %arg6[%swap3A_579, %swap3A_580], %bitcast_convert_type3A_578 {strides = array<i32>} : memref<1024x2304xi32, #tpu.memory_space<vmem>>, vector<8x2304xi32>,
    %min3A_582 = arith.minsi %min3A_568, %bitcast_convert_type3A_578 : vector<8x2304xi32>
    %slice3A_583 = vector.extract_strided_slice %get3A_15 {offsets = [328, 0], sizes = [8, 1], strides = [1, 1]} : vector<1024x1xf32> to vector<8x1xf32>
    %add3A_584 = vector.broadcast %get3A_12 : vector<1x2304xf32> to vector<8x2304xf32>
    %add3A_585 = vector.broadcast %slice3A_583 : vector<8x1xf32> to vector<8x2304xf32>
    %add3A_586 = arith.addf %add3A_584, %add3A_585 : vector<8x2304xf32>
    %slice3A_587 = vector.extract_strided_slice %dot_general3A_7 {offsets = [328, 0], sizes = [8, 2304], strides = [1, 1]} : vector<1024x2304xf32> to vector<8x2304xf32>
    %add3A_588 = arith.addf %add3A_586, %slice3A_587 : vector<8x2304xf32>
    %max3A_589 = arith.constant 0.000000e+00 : f32
    %max3A_590 = vector.broadcast %max3A_589 : f32 to vector<8x2304xf32>
    %max3A_591 = arith.maximumf %add3A_588, %max3A_590 : vector<8x2304xf32>
    %bitcast_convert_type3A_592 = tpu.bitcast %max3A_591 : vector<8x2304xf32> -> vector<8x2304xi32>
    %swap3A_593 = arith.constant 328 : index
    %swap3A_594 = arith.constant 0 : index
    %swap3A_595 = vector.load %arg6[%swap3A_593, %swap3A_594] : memref<1024x2304xi32, #tpu.memory_space<vmem>>, vector<8x2304xi32>
    tpu.vector_store %arg6[%swap3A_593, %swap3A_594], %bitcast_convert_type3A_592 {strides = array<i32>} : memref<1024x2304xi32, #tpu.memory_space<vmem>>, vector<8x2304xi32>,
    %min3A_596 = arith.minsi %min3A_582, %bitcast_convert_type3A_592 : vector<8x2304xi32>
    %slice3A_597 = vector.extract_strided_slice %get3A_15 {offsets = [336, 0], sizes = [8, 1], strides = [1, 1]} : vector<1024x1xf32> to vector<8x1xf32>
    %add3A_598 = vector.broadcast %get3A_12 : vector<1x2304xf32> to vector<8x2304xf32>
    %add3A_599 = vector.broadcast %slice3A_597 : vector<8x1xf32> to vector<8x2304xf32>
    %add3A_600 = arith.addf %add3A_598, %add3A_599 : vector<8x2304xf32>
    %slice3A_601 = vector.extract_strided_slice %dot_general3A_7 {offsets = [336, 0], sizes = [8, 2304], strides = [1, 1]} : vector<1024x2304xf32> to vector<8x2304xf32>
    %add3A_602 = arith.addf %add3A_600, %slice3A_601 : vector<8x2304xf32>
    %max3A_603 = arith.constant 0.000000e+00 : f32
    %max3A_604 = vector.broadcast %max3A_603 : f32 to vector<8x2304xf32>
    %max3A_605 = arith.maximumf %add3A_602, %max3A_604 : vector<8x2304xf32>
    %bitcast_convert_type3A_606 = tpu.bitcast %max3A_605 : vector<8x2304xf32> -> vector<8x2304xi32>
    %swap3A_607 = arith.constant 336 : index
    %swap3A_608 = arith.constant 0 : index
    %swap3A_609 = vector.load %arg6[%swap3A_607, %swap3A_608] : memref<1024x2304xi32, #tpu.memory_space<vmem>>, vector<8x2304xi32>
    tpu.vector_store %arg6[%swap3A_607, %swap3A_608], %bitcast_convert_type3A_606 {strides = array<i32>} : memref<1024x2304xi32, #tpu.memory_space<vmem>>, vector<8x2304xi32>,
    %min3A_610 = arith.minsi %min3A_596, %bitcast_convert_type3A_606 : vector<8x2304xi32>
    %slice3A_611 = vector.extract_strided_slice %get3A_15 {offsets = [344, 0], sizes = [8, 1], strides = [1, 1]} : vector<1024x1xf32> to vector<8x1xf32>
    %add3A_612 = vector.broadcast %get3A_12 : vector<1x2304xf32> to vector<8x2304xf32>
    %add3A_613 = vector.broadcast %slice3A_611 : vector<8x1xf32> to vector<8x2304xf32>
    %add3A_614 = arith.addf %add3A_612, %add3A_613 : vector<8x2304xf32>
    %slice3A_615 = vector.extract_strided_slice %dot_general3A_7 {offsets = [344, 0], sizes = [8, 2304], strides = [1, 1]} : vector<1024x2304xf32> to vector<8x2304xf32>
    %add3A_616 = arith.addf %add3A_614, %slice3A_615 : vector<8x2304xf32>
    %max3A_617 = arith.constant 0.000000e+00 : f32
    %max3A_618 = vector.broadcast %max3A_617 : f32 to vector<8x2304xf32>
    %max3A_619 = arith.maximumf %add3A_616, %max3A_618 : vector<8x2304xf32>
    %bitcast_convert_type3A_620 = tpu.bitcast %max3A_619 : vector<8x2304xf32> -> vector<8x2304xi32>
    %swap3A_621 = arith.constant 344 : index
    %swap3A_622 = arith.constant 0 : index
    %swap3A_623 = vector.load %arg6[%swap3A_621, %swap3A_622] : memref<1024x2304xi32, #tpu.memory_space<vmem>>, vector<8x2304xi32>
    tpu.vector_store %arg6[%swap3A_621, %swap3A_622], %bitcast_convert_type3A_620 {strides = array<i32>} : memref<1024x2304xi32, #tpu.memory_space<vmem>>, vector<8x2304xi32>,
    %min3A_624 = arith.minsi %min3A_610, %bitcast_convert_type3A_620 : vector<8x2304xi32>
    %slice3A_625 = vector.extract_strided_slice %get3A_15 {offsets = [352, 0], sizes = [8, 1], strides = [1, 1]} : vector<1024x1xf32> to vector<8x1xf32>
    %add3A_626 = vector.broadcast %get3A_12 : vector<1x2304xf32> to vector<8x2304xf32>
    %add3A_627 = vector.broadcast %slice3A_625 : vector<8x1xf32> to vector<8x2304xf32>
    %add3A_628 = arith.addf %add3A_626, %add3A_627 : vector<8x2304xf32>
    %slice3A_629 = vector.extract_strided_slice %dot_general3A_7 {offsets = [352, 0], sizes = [8, 2304], strides = [1, 1]} : vector<1024x2304xf32> to vector<8x2304xf32>
    %add3A_630 = arith.addf %add3A_628, %slice3A_629 : vector<8x2304xf32>
    %max3A_631 = arith.constant 0.000000e+00 : f32
    %max3A_632 = vector.broadcast %max3A_631 : f32 to vector<8x2304xf32>
    %max3A_633 = arith.maximumf %add3A_630, %max3A_632 : vector<8x2304xf32>
    %bitcast_convert_type3A_634 = tpu.bitcast %max3A_633 : vector<8x2304xf32> -> vector<8x2304xi32>
    %swap3A_635 = arith.constant 352 : index
    %swap3A_636 = arith.constant 0 : index
    %swap3A_637 = vector.load %arg6[%swap3A_635, %swap3A_636] : memref<1024x2304xi32, #tpu.memory_space<vmem>>, vector<8x2304xi32>
    tpu.vector_store %arg6[%swap3A_635, %swap3A_636], %bitcast_convert_type3A_634 {strides = array<i32>} : memref<1024x2304xi32, #tpu.memory_space<vmem>>, vector<8x2304xi32>,
    %min3A_638 = arith.minsi %min3A_624, %bitcast_convert_type3A_634 : vector<8x2304xi32>
    %slice3A_639 = vector.extract_strided_slice %get3A_15 {offsets = [360, 0], sizes = [8, 1], strides = [1, 1]} : vector<1024x1xf32> to vector<8x1xf32>
    %add3A_640 = vector.broadcast %get3A_12 : vector<1x2304xf32> to vector<8x2304xf32>
    %add3A_641 = vector.broadcast %slice3A_639 : vector<8x1xf32> to vector<8x2304xf32>
    %add3A_642 = arith.addf %add3A_640, %add3A_641 : vector<8x2304xf32>
    %slice3A_643 = vector.extract_strided_slice %dot_general3A_7 {offsets = [360, 0], sizes = [8, 2304], strides = [1, 1]} : vector<1024x2304xf32> to vector<8x2304xf32>
    %add3A_644 = arith.addf %add3A_642, %slice3A_643 : vector<8x2304xf32>
    %max3A_645 = arith.constant 0.000000e+00 : f32
    %max3A_646 = vector.broadcast %max3A_645 : f32 to vector<8x2304xf32>
    %max3A_647 = arith.maximumf %add3A_644, %max3A_646 : vector<8x2304xf32>
    %bitcast_convert_type3A_648 = tpu.bitcast %max3A_647 : vector<8x2304xf32> -> vector<8x2304xi32>
    %swap3A_649 = arith.constant 360 : index
    %swap3A_650 = arith.constant 0 : index
    %swap3A_651 = vector.load %arg6[%swap3A_649, %swap3A_650] : memref<1024x2304xi32, #tpu.memory_space<vmem>>, vector<8x2304xi32>
    tpu.vector_store %arg6[%swap3A_649, %swap3A_650], %bitcast_convert_type3A_648 {strides = array<i32>} : memref<1024x2304xi32, #tpu.memory_space<vmem>>, vector<8x2304xi32>,
    %min3A_652 = arith.minsi %min3A_638, %bitcast_convert_type3A_648 : vector<8x2304xi32>
    %slice3A_653 = vector.extract_strided_slice %get3A_15 {offsets = [368, 0], sizes = [8, 1], strides = [1, 1]} : vector<1024x1xf32> to vector<8x1xf32>
    %add3A_654 = vector.broadcast %get3A_12 : vector<1x2304xf32> to vector<8x2304xf32>
    %add3A_655 = vector.broadcast %slice3A_653 : vector<8x1xf32> to vector<8x2304xf32>
    %add3A_656 = arith.addf %add3A_654, %add3A_655 : vector<8x2304xf32>
    %slice3A_657 = vector.extract_strided_slice %dot_general3A_7 {offsets = [368, 0], sizes = [8, 2304], strides = [1, 1]} : vector<1024x2304xf32> to vector<8x2304xf32>
    %add3A_658 = arith.addf %add3A_656, %slice3A_657 : vector<8x2304xf32>
    %max3A_659 = arith.constant 0.000000e+00 : f32
    %max3A_660 = vector.broadcast %max3A_659 : f32 to vector<8x2304xf32>
    %max3A_661 = arith.maximumf %add3A_658, %max3A_660 : vector<8x2304xf32>
    %bitcast_convert_type3A_662 = tpu.bitcast %max3A_661 : vector<8x2304xf32> -> vector<8x2304xi32>
    %swap3A_663 = arith.constant 368 : index
    %swap3A_664 = arith.constant 0 : index
    %swap3A_665 = vector.load %arg6[%swap3A_663, %swap3A_664] : memref<1024x2304xi32, #tpu.memory_space<vmem>>, vector<8x2304xi32>
    tpu.vector_store %arg6[%swap3A_663, %swap3A_664], %bitcast_convert_type3A_662 {strides = array<i32>} : memref<1024x2304xi32, #tpu.memory_space<vmem>>, vector<8x2304xi32>,
    %min3A_666 = arith.minsi %min3A_652, %bitcast_convert_type3A_662 : vector<8x2304xi32>
    %slice3A_667 = vector.extract_strided_slice %get3A_15 {offsets = [376, 0], sizes = [8, 1], strides = [1, 1]} : vector<1024x1xf32> to vector<8x1xf32>
    %add3A_668 = vector.broadcast %get3A_12 : vector<1x2304xf32> to vector<8x2304xf32>
    %add3A_669 = vector.broadcast %slice3A_667 : vector<8x1xf32> to vector<8x2304xf32>
    %add3A_670 = arith.addf %add3A_668, %add3A_669 : vector<8x2304xf32>
    %slice3A_671 = vector.extract_strided_slice %dot_general3A_7 {offsets = [376, 0], sizes = [8, 2304], strides = [1, 1]} : vector<1024x2304xf32> to vector<8x2304xf32>
    %add3A_672 = arith.addf %add3A_670, %slice3A_671 : vector<8x2304xf32>
    %max3A_673 = arith.constant 0.000000e+00 : f32
    %max3A_674 = vector.broadcast %max3A_673 : f32 to vector<8x2304xf32>
    %max3A_675 = arith.maximumf %add3A_672, %max3A_674 : vector<8x2304xf32>
    %bitcast_convert_type3A_676 = tpu.bitcast %max3A_675 : vector<8x2304xf32> -> vector<8x2304xi32>
    %swap3A_677 = arith.constant 376 : index
    %swap3A_678 = arith.constant 0 : index
    %swap3A_679 = vector.load %arg6[%swap3A_677, %swap3A_678] : memref<1024x2304xi32, #tpu.memory_space<vmem>>, vector<8x2304xi32>
    tpu.vector_store %arg6[%swap3A_677, %swap3A_678], %bitcast_convert_type3A_676 {strides = array<i32>} : memref<1024x2304xi32, #tpu.memory_space<vmem>>, vector<8x2304xi32>,
    %min3A_680 = arith.minsi %min3A_666, %bitcast_convert_type3A_676 : vector<8x2304xi32>
    %slice3A_681 = vector.extract_strided_slice %get3A_15 {offsets = [384, 0], sizes = [8, 1], strides = [1, 1]} : vector<1024x1xf32> to vector<8x1xf32>
    %add3A_682 = vector.broadcast %get3A_12 : vector<1x2304xf32> to vector<8x2304xf32>
    %add3A_683 = vector.broadcast %slice3A_681 : vector<8x1xf32> to vector<8x2304xf32>
    %add3A_684 = arith.addf %add3A_682, %add3A_683 : vector<8x2304xf32>
    %slice3A_685 = vector.extract_strided_slice %dot_general3A_7 {offsets = [384, 0], sizes = [8, 2304], strides = [1, 1]} : vector<1024x2304xf32> to vector<8x2304xf32>
    %add3A_686 = arith.addf %add3A_684, %slice3A_685 : vector<8x2304xf32>
    %max3A_687 = arith.constant 0.000000e+00 : f32
    %max3A_688 = vector.broadcast %max3A_687 : f32 to vector<8x2304xf32>
    %max3A_689 = arith.maximumf %add3A_686, %max3A_688 : vector<8x2304xf32>
    %bitcast_convert_type3A_690 = tpu.bitcast %max3A_689 : vector<8x2304xf32> -> vector<8x2304xi32>
    %swap3A_691 = arith.constant 384 : index
    %swap3A_692 = arith.constant 0 : index
    %swap3A_693 = vector.load %arg6[%swap3A_691, %swap3A_692] : memref<1024x2304xi32, #tpu.memory_space<vmem>>, vector<8x2304xi32>
    tpu.vector_store %arg6[%swap3A_691, %swap3A_692], %bitcast_convert_type3A_690 {strides = array<i32>} : memref<1024x2304xi32, #tpu.memory_space<vmem>>, vector<8x2304xi32>,
    %min3A_694 = arith.minsi %min3A_680, %bitcast_convert_type3A_690 : vector<8x2304xi32>
    %slice3A_695 = vector.extract_strided_slice %get3A_15 {offsets = [392, 0], sizes = [8, 1], strides = [1, 1]} : vector<1024x1xf32> to vector<8x1xf32>
    %add3A_696 = vector.broadcast %get3A_12 : vector<1x2304xf32> to vector<8x2304xf32>
    %add3A_697 = vector.broadcast %slice3A_695 : vector<8x1xf32> to vector<8x2304xf32>
    %add3A_698 = arith.addf %add3A_696, %add3A_697 : vector<8x2304xf32>
    %slice3A_699 = vector.extract_strided_slice %dot_general3A_7 {offsets = [392, 0], sizes = [8, 2304], strides = [1, 1]} : vector<1024x2304xf32> to vector<8x2304xf32>
    %add3A_700 = arith.addf %add3A_698, %slice3A_699 : vector<8x2304xf32>
    %max3A_701 = arith.constant 0.000000e+00 : f32
    %max3A_702 = vector.broadcast %max3A_701 : f32 to vector<8x2304xf32>
    %max3A_703 = arith.maximumf %add3A_700, %max3A_702 : vector<8x2304xf32>
    %bitcast_convert_type3A_704 = tpu.bitcast %max3A_703 : vector<8x2304xf32> -> vector<8x2304xi32>
    %swap3A_705 = arith.constant 392 : index
    %swap3A_706 = arith.constant 0 : index
    %swap3A_707 = vector.load %arg6[%swap3A_705, %swap3A_706] : memref<1024x2304xi32, #tpu.memory_space<vmem>>, vector<8x2304xi32>
    tpu.vector_store %arg6[%swap3A_705, %swap3A_706], %bitcast_convert_type3A_704 {strides = array<i32>} : memref<1024x2304xi32, #tpu.memory_space<vmem>>, vector<8x2304xi32>,
    %min3A_708 = arith.minsi %min3A_694, %bitcast_convert_type3A_704 : vector<8x2304xi32>
    %slice3A_709 = vector.extract_strided_slice %get3A_15 {offsets = [400, 0], sizes = [8, 1], strides = [1, 1]} : vector<1024x1xf32> to vector<8x1xf32>
    %add3A_710 = vector.broadcast %get3A_12 : vector<1x2304xf32> to vector<8x2304xf32>
    %add3A_711 = vector.broadcast %slice3A_709 : vector<8x1xf32> to vector<8x2304xf32>
    %add3A_712 = arith.addf %add3A_710, %add3A_711 : vector<8x2304xf32>
    %slice3A_713 = vector.extract_strided_slice %dot_general3A_7 {offsets = [400, 0], sizes = [8, 2304], strides = [1, 1]} : vector<1024x2304xf32> to vector<8x2304xf32>
    %add3A_714 = arith.addf %add3A_712, %slice3A_713 : vector<8x2304xf32>
    %max3A_715 = arith.constant 0.000000e+00 : f32
    %max3A_716 = vector.broadcast %max3A_715 : f32 to vector<8x2304xf32>
    %max3A_717 = arith.maximumf %add3A_714, %max3A_716 : vector<8x2304xf32>
    %bitcast_convert_type3A_718 = tpu.bitcast %max3A_717 : vector<8x2304xf32> -> vector<8x2304xi32>
    %swap3A_719 = arith.constant 400 : index
    %swap3A_720 = arith.constant 0 : index
    %swap3A_721 = vector.load %arg6[%swap3A_719, %swap3A_720] : memref<1024x2304xi32, #tpu.memory_space<vmem>>, vector<8x2304xi32>
    tpu.vector_store %arg6[%swap3A_719, %swap3A_720], %bitcast_convert_type3A_718 {strides = array<i32>} : memref<1024x2304xi32, #tpu.memory_space<vmem>>, vector<8x2304xi32>,
    %min3A_722 = arith.minsi %min3A_708, %bitcast_convert_type3A_718 : vector<8x2304xi32>
    %slice3A_723 = vector.extract_strided_slice %get3A_15 {offsets = [408, 0], sizes = [8, 1], strides = [1, 1]} : vector<1024x1xf32> to vector<8x1xf32>
    %add3A_724 = vector.broadcast %get3A_12 : vector<1x2304xf32> to vector<8x2304xf32>
    %add3A_725 = vector.broadcast %slice3A_723 : vector<8x1xf32> to vector<8x2304xf32>
    %add3A_726 = arith.addf %add3A_724, %add3A_725 : vector<8x2304xf32>
    %slice3A_727 = vector.extract_strided_slice %dot_general3A_7 {offsets = [408, 0], sizes = [8, 2304], strides = [1, 1]} : vector<1024x2304xf32> to vector<8x2304xf32>
    %add3A_728 = arith.addf %add3A_726, %slice3A_727 : vector<8x2304xf32>
    %max3A_729 = arith.constant 0.000000e+00 : f32
    %max3A_730 = vector.broadcast %max3A_729 : f32 to vector<8x2304xf32>
    %max3A_731 = arith.maximumf %add3A_728, %max3A_730 : vector<8x2304xf32>
    %bitcast_convert_type3A_732 = tpu.bitcast %max3A_731 : vector<8x2304xf32> -> vector<8x2304xi32>
    %swap3A_733 = arith.constant 408 : index
    %swap3A_734 = arith.constant 0 : index
    %swap3A_735 = vector.load %arg6[%swap3A_733, %swap3A_734] : memref<1024x2304xi32, #tpu.memory_space<vmem>>, vector<8x2304xi32>
    tpu.vector_store %arg6[%swap3A_733, %swap3A_734], %bitcast_convert_type3A_732 {strides = array<i32>} : memref<1024x2304xi32, #tpu.memory_space<vmem>>, vector<8x2304xi32>,
    %min3A_736 = arith.minsi %min3A_722, %bitcast_convert_type3A_732 : vector<8x2304xi32>
    %slice3A_737 = vector.extract_strided_slice %get3A_15 {offsets = [416, 0], sizes = [8, 1], strides = [1, 1]} : vector<1024x1xf32> to vector<8x1xf32>
    %add3A_738 = vector.broadcast %get3A_12 : vector<1x2304xf32> to vector<8x2304xf32>
    %add3A_739 = vector.broadcast %slice3A_737 : vector<8x1xf32> to vector<8x2304xf32>
    %add3A_740 = arith.addf %add3A_738, %add3A_739 : vector<8x2304xf32>
    %slice3A_741 = vector.extract_strided_slice %dot_general3A_7 {offsets = [416, 0], sizes = [8, 2304], strides = [1, 1]} : vector<1024x2304xf32> to vector<8x2304xf32>
    %add3A_742 = arith.addf %add3A_740, %slice3A_741 : vector<8x2304xf32>
    %max3A_743 = arith.constant 0.000000e+00 : f32
    %max3A_744 = vector.broadcast %max3A_743 : f32 to vector<8x2304xf32>
    %max3A_745 = arith.maximumf %add3A_742, %max3A_744 : vector<8x2304xf32>
    %bitcast_convert_type3A_746 = tpu.bitcast %max3A_745 : vector<8x2304xf32> -> vector<8x2304xi32>
    %swap3A_747 = arith.constant 416 : index
    %swap3A_748 = arith.constant 0 : index
    %swap3A_749 = vector.load %arg6[%swap3A_747, %swap3A_748] : memref<1024x2304xi32, #tpu.memory_space<vmem>>, vector<8x2304xi32>
    tpu.vector_store %arg6[%swap3A_747, %swap3A_748], %bitcast_convert_type3A_746 {strides = array<i32>} : memref<1024x2304xi32, #tpu.memory_space<vmem>>, vector<8x2304xi32>,
    %min3A_750 = arith.minsi %min3A_736, %bitcast_convert_type3A_746 : vector<8x2304xi32>
    %slice3A_751 = vector.extract_strided_slice %get3A_15 {offsets = [424, 0], sizes = [8, 1], strides = [1, 1]} : vector<1024x1xf32> to vector<8x1xf32>
    %add3A_752 = vector.broadcast %get3A_12 : vector<1x2304xf32> to vector<8x2304xf32>
    %add3A_753 = vector.broadcast %slice3A_751 : vector<8x1xf32> to vector<8x2304xf32>
    %add3A_754 = arith.addf %add3A_752, %add3A_753 : vector<8x2304xf32>
    %slice3A_755 = vector.extract_strided_slice %dot_general3A_7 {offsets = [424, 0], sizes = [8, 2304], strides = [1, 1]} : vector<1024x2304xf32> to vector<8x2304xf32>
    %add3A_756 = arith.addf %add3A_754, %slice3A_755 : vector<8x2304xf32>
    %max3A_757 = arith.constant 0.000000e+00 : f32
    %max3A_758 = vector.broadcast %max3A_757 : f32 to vector<8x2304xf32>
    %max3A_759 = arith.maximumf %add3A_756, %max3A_758 : vector<8x2304xf32>
    %bitcast_convert_type3A_760 = tpu.bitcast %max3A_759 : vector<8x2304xf32> -> vector<8x2304xi32>
    %swap3A_761 = arith.constant 424 : index
    %swap3A_762 = arith.constant 0 : index
    %swap3A_763 = vector.load %arg6[%swap3A_761, %swap3A_762] : memref<1024x2304xi32, #tpu.memory_space<vmem>>, vector<8x2304xi32>
    tpu.vector_store %arg6[%swap3A_761, %swap3A_762], %bitcast_convert_type3A_760 {strides = array<i32>} : memref<1024x2304xi32, #tpu.memory_space<vmem>>, vector<8x2304xi32>,
    %min3A_764 = arith.minsi %min3A_750, %bitcast_convert_type3A_760 : vector<8x2304xi32>
    %slice3A_765 = vector.extract_strided_slice %get3A_15 {offsets = [432, 0], sizes = [8, 1], strides = [1, 1]} : vector<1024x1xf32> to vector<8x1xf32>
    %add3A_766 = vector.broadcast %get3A_12 : vector<1x2304xf32> to vector<8x2304xf32>
    %add3A_767 = vector.broadcast %slice3A_765 : vector<8x1xf32> to vector<8x2304xf32>
    %add3A_768 = arith.addf %add3A_766, %add3A_767 : vector<8x2304xf32>
    %slice3A_769 = vector.extract_strided_slice %dot_general3A_7 {offsets = [432, 0], sizes = [8, 2304], strides = [1, 1]} : vector<1024x2304xf32> to vector<8x2304xf32>
    %add3A_770 = arith.addf %add3A_768, %slice3A_769 : vector<8x2304xf32>
    %max3A_771 = arith.constant 0.000000e+00 : f32
    %max3A_772 = vector.broadcast %max3A_771 : f32 to vector<8x2304xf32>
    %max3A_773 = arith.maximumf %add3A_770, %max3A_772 : vector<8x2304xf32>
    %bitcast_convert_type3A_774 = tpu.bitcast %max3A_773 : vector<8x2304xf32> -> vector<8x2304xi32>
    %swap3A_775 = arith.constant 432 : index
    %swap3A_776 = arith.constant 0 : index
    %swap3A_777 = vector.load %arg6[%swap3A_775, %swap3A_776] : memref<1024x2304xi32, #tpu.memory_space<vmem>>, vector<8x2304xi32>
    tpu.vector_store %arg6[%swap3A_775, %swap3A_776], %bitcast_convert_type3A_774 {strides = array<i32>} : memref<1024x2304xi32, #tpu.memory_space<vmem>>, vector<8x2304xi32>,
    %min3A_778 = arith.minsi %min3A_764, %bitcast_convert_type3A_774 : vector<8x2304xi32>
    %slice3A_779 = vector.extract_strided_slice %get3A_15 {offsets = [440, 0], sizes = [8, 1], strides = [1, 1]} : vector<1024x1xf32> to vector<8x1xf32>
    %add3A_780 = vector.broadcast %get3A_12 : vector<1x2304xf32> to vector<8x2304xf32>
    %add3A_781 = vector.broadcast %slice3A_779 : vector<8x1xf32> to vector<8x2304xf32>
    %add3A_782 = arith.addf %add3A_780, %add3A_781 : vector<8x2304xf32>
    %slice3A_783 = vector.extract_strided_slice %dot_general3A_7 {offsets = [440, 0], sizes = [8, 2304], strides = [1, 1]} : vector<1024x2304xf32> to vector<8x2304xf32>
    %add3A_784 = arith.addf %add3A_782, %slice3A_783 : vector<8x2304xf32>
    %max3A_785 = arith.constant 0.000000e+00 : f32
    %max3A_786 = vector.broadcast %max3A_785 : f32 to vector<8x2304xf32>
    %max3A_787 = arith.maximumf %add3A_784, %max3A_786 : vector<8x2304xf32>
    %bitcast_convert_type3A_788 = tpu.bitcast %max3A_787 : vector<8x2304xf32> -> vector<8x2304xi32>
    %swap3A_789 = arith.constant 440 : index
    %swap3A_790 = arith.constant 0 : index
    %swap3A_791 = vector.load %arg6[%swap3A_789, %swap3A_790] : memref<1024x2304xi32, #tpu.memory_space<vmem>>, vector<8x2304xi32>
    tpu.vector_store %arg6[%swap3A_789, %swap3A_790], %bitcast_convert_type3A_788 {strides = array<i32>} : memref<1024x2304xi32, #tpu.memory_space<vmem>>, vector<8x2304xi32>,
    %min3A_792 = arith.minsi %min3A_778, %bitcast_convert_type3A_788 : vector<8x2304xi32>
    %slice3A_793 = vector.extract_strided_slice %get3A_15 {offsets = [448, 0], sizes = [8, 1], strides = [1, 1]} : vector<1024x1xf32> to vector<8x1xf32>
    %add3A_794 = vector.broadcast %get3A_12 : vector<1x2304xf32> to vector<8x2304xf32>
    %add3A_795 = vector.broadcast %slice3A_793 : vector<8x1xf32> to vector<8x2304xf32>
    %add3A_796 = arith.addf %add3A_794, %add3A_795 : vector<8x2304xf32>
    %slice3A_797 = vector.extract_strided_slice %dot_general3A_7 {offsets = [448, 0], sizes = [8, 2304], strides = [1, 1]} : vector<1024x2304xf32> to vector<8x2304xf32>
    %add3A_798 = arith.addf %add3A_796, %slice3A_797 : vector<8x2304xf32>
    %max3A_799 = arith.constant 0.000000e+00 : f32
    %max3A_800 = vector.broadcast %max3A_799 : f32 to vector<8x2304xf32>
    %max3A_801 = arith.maximumf %add3A_798, %max3A_800 : vector<8x2304xf32>
    %bitcast_convert_type3A_802 = tpu.bitcast %max3A_801 : vector<8x2304xf32> -> vector<8x2304xi32>
    %swap3A_803 = arith.constant 448 : index
    %swap3A_804 = arith.constant 0 : index
    %swap3A_805 = vector.load %arg6[%swap3A_803, %swap3A_804] : memref<1024x2304xi32, #tpu.memory_space<vmem>>, vector<8x2304xi32>
    tpu.vector_store %arg6[%swap3A_803, %swap3A_804], %bitcast_convert_type3A_802 {strides = array<i32>} : memref<1024x2304xi32, #tpu.memory_space<vmem>>, vector<8x2304xi32>,
    %min3A_806 = arith.minsi %min3A_792, %bitcast_convert_type3A_802 : vector<8x2304xi32>
    %slice3A_807 = vector.extract_strided_slice %get3A_15 {offsets = [456, 0], sizes = [8, 1], strides = [1, 1]} : vector<1024x1xf32> to vector<8x1xf32>
    %add3A_808 = vector.broadcast %get3A_12 : vector<1x2304xf32> to vector<8x2304xf32>
    %add3A_809 = vector.broadcast %slice3A_807 : vector<8x1xf32> to vector<8x2304xf32>
    %add3A_810 = arith.addf %add3A_808, %add3A_809 : vector<8x2304xf32>
    %slice3A_811 = vector.extract_strided_slice %dot_general3A_7 {offsets = [456, 0], sizes = [8, 2304], strides = [1, 1]} : vector<1024x2304xf32> to vector<8x2304xf32>
    %add3A_812 = arith.addf %add3A_810, %slice3A_811 : vector<8x2304xf32>
    %max3A_813 = arith.constant 0.000000e+00 : f32
    %max3A_814 = vector.broadcast %max3A_813 : f32 to vector<8x2304xf32>
    %max3A_815 = arith.maximumf %add3A_812, %max3A_814 : vector<8x2304xf32>
    %bitcast_convert_type3A_816 = tpu.bitcast %max3A_815 : vector<8x2304xf32> -> vector<8x2304xi32>
    %swap3A_817 = arith.constant 456 : index
    %swap3A_818 = arith.constant 0 : index
    %swap3A_819 = vector.load %arg6[%swap3A_817, %swap3A_818] : memref<1024x2304xi32, #tpu.memory_space<vmem>>, vector<8x2304xi32>
    tpu.vector_store %arg6[%swap3A_817, %swap3A_818], %bitcast_convert_type3A_816 {strides = array<i32>} : memref<1024x2304xi32, #tpu.memory_space<vmem>>, vector<8x2304xi32>,
    %min3A_820 = arith.minsi %min3A_806, %bitcast_convert_type3A_816 : vector<8x2304xi32>
    %slice3A_821 = vector.extract_strided_slice %get3A_15 {offsets = [464, 0], sizes = [8, 1], strides = [1, 1]} : vector<1024x1xf32> to vector<8x1xf32>
    %add3A_822 = vector.broadcast %get3A_12 : vector<1x2304xf32> to vector<8x2304xf32>
    %add3A_823 = vector.broadcast %slice3A_821 : vector<8x1xf32> to vector<8x2304xf32>
    %add3A_824 = arith.addf %add3A_822, %add3A_823 : vector<8x2304xf32>
    %slice3A_825 = vector.extract_strided_slice %dot_general3A_7 {offsets = [464, 0], sizes = [8, 2304], strides = [1, 1]} : vector<1024x2304xf32> to vector<8x2304xf32>
    %add3A_826 = arith.addf %add3A_824, %slice3A_825 : vector<8x2304xf32>
    %max3A_827 = arith.constant 0.000000e+00 : f32
    %max3A_828 = vector.broadcast %max3A_827 : f32 to vector<8x2304xf32>
    %max3A_829 = arith.maximumf %add3A_826, %max3A_828 : vector<8x2304xf32>
    %bitcast_convert_type3A_830 = tpu.bitcast %max3A_829 : vector<8x2304xf32> -> vector<8x2304xi32>
    %swap3A_831 = arith.constant 464 : index
    %swap3A_832 = arith.constant 0 : index
    %swap3A_833 = vector.load %arg6[%swap3A_831, %swap3A_832] : memref<1024x2304xi32, #tpu.memory_space<vmem>>, vector<8x2304xi32>
    tpu.vector_store %arg6[%swap3A_831, %swap3A_832], %bitcast_convert_type3A_830 {strides = array<i32>} : memref<1024x2304xi32, #tpu.memory_space<vmem>>, vector<8x2304xi32>,
    %min3A_834 = arith.minsi %min3A_820, %bitcast_convert_type3A_830 : vector<8x2304xi32>
    %slice3A_835 = vector.extract_strided_slice %get3A_15 {offsets = [472, 0], sizes = [8, 1], strides = [1, 1]} : vector<1024x1xf32> to vector<8x1xf32>
    %add3A_836 = vector.broadcast %get3A_12 : vector<1x2304xf32> to vector<8x2304xf32>
    %add3A_837 = vector.broadcast %slice3A_835 : vector<8x1xf32> to vector<8x2304xf32>
    %add3A_838 = arith.addf %add3A_836, %add3A_837 : vector<8x2304xf32>
    %slice3A_839 = vector.extract_strided_slice %dot_general3A_7 {offsets = [472, 0], sizes = [8, 2304], strides = [1, 1]} : vector<1024x2304xf32> to vector<8x2304xf32>
    %add3A_840 = arith.addf %add3A_838, %slice3A_839 : vector<8x2304xf32>
    %max3A_841 = arith.constant 0.000000e+00 : f32
    %max3A_842 = vector.broadcast %max3A_841 : f32 to vector<8x2304xf32>
    %max3A_843 = arith.maximumf %add3A_840, %max3A_842 : vector<8x2304xf32>
    %bitcast_convert_type3A_844 = tpu.bitcast %max3A_843 : vector<8x2304xf32> -> vector<8x2304xi32>
    %swap3A_845 = arith.constant 472 : index
    %swap3A_846 = arith.constant 0 : index
    %swap3A_847 = vector.load %arg6[%swap3A_845, %swap3A_846] : memref<1024x2304xi32, #tpu.memory_space<vmem>>, vector<8x2304xi32>
    tpu.vector_store %arg6[%swap3A_845, %swap3A_846], %bitcast_convert_type3A_844 {strides = array<i32>} : memref<1024x2304xi32, #tpu.memory_space<vmem>>, vector<8x2304xi32>,
    %min3A_848 = arith.minsi %min3A_834, %bitcast_convert_type3A_844 : vector<8x2304xi32>
    %slice3A_849 = vector.extract_strided_slice %get3A_15 {offsets = [480, 0], sizes = [8, 1], strides = [1, 1]} : vector<1024x1xf32> to vector<8x1xf32>
    %add3A_850 = vector.broadcast %get3A_12 : vector<1x2304xf32> to vector<8x2304xf32>
    %add3A_851 = vector.broadcast %slice3A_849 : vector<8x1xf32> to vector<8x2304xf32>
    %add3A_852 = arith.addf %add3A_850, %add3A_851 : vector<8x2304xf32>
    %slice3A_853 = vector.extract_strided_slice %dot_general3A_7 {offsets = [480, 0], sizes = [8, 2304], strides = [1, 1]} : vector<1024x2304xf32> to vector<8x2304xf32>
    %add3A_854 = arith.addf %add3A_852, %slice3A_853 : vector<8x2304xf32>
    %max3A_855 = arith.constant 0.000000e+00 : f32
    %max3A_856 = vector.broadcast %max3A_855 : f32 to vector<8x2304xf32>
    %max3A_857 = arith.maximumf %add3A_854, %max3A_856 : vector<8x2304xf32>
    %bitcast_convert_type3A_858 = tpu.bitcast %max3A_857 : vector<8x2304xf32> -> vector<8x2304xi32>
    %swap3A_859 = arith.constant 480 : index
    %swap3A_860 = arith.constant 0 : index
    %swap3A_861 = vector.load %arg6[%swap3A_859, %swap3A_860] : memref<1024x2304xi32, #tpu.memory_space<vmem>>, vector<8x2304xi32>
    tpu.vector_store %arg6[%swap3A_859, %swap3A_860], %bitcast_convert_type3A_858 {strides = array<i32>} : memref<1024x2304xi32, #tpu.memory_space<vmem>>, vector<8x2304xi32>,
    %min3A_862 = arith.minsi %min3A_848, %bitcast_convert_type3A_858 : vector<8x2304xi32>
    %slice3A_863 = vector.extract_strided_slice %get3A_15 {offsets = [488, 0], sizes = [8, 1], strides = [1, 1]} : vector<1024x1xf32> to vector<8x1xf32>
    %add3A_864 = vector.broadcast %get3A_12 : vector<1x2304xf32> to vector<8x2304xf32>
    %add3A_865 = vector.broadcast %slice3A_863 : vector<8x1xf32> to vector<8x2304xf32>
    %add3A_866 = arith.addf %add3A_864, %add3A_865 : vector<8x2304xf32>
    %slice3A_867 = vector.extract_strided_slice %dot_general3A_7 {offsets = [488, 0], sizes = [8, 2304], strides = [1, 1]} : vector<1024x2304xf32> to vector<8x2304xf32>
    %add3A_868 = arith.addf %add3A_866, %slice3A_867 : vector<8x2304xf32>
    %max3A_869 = arith.constant 0.000000e+00 : f32
    %max3A_870 = vector.broadcast %max3A_869 : f32 to vector<8x2304xf32>
    %max3A_871 = arith.maximumf %add3A_868, %max3A_870 : vector<8x2304xf32>
    %bitcast_convert_type3A_872 = tpu.bitcast %max3A_871 : vector<8x2304xf32> -> vector<8x2304xi32>
    %swap3A_873 = arith.constant 488 : index
    %swap3A_874 = arith.constant 0 : index
    %swap3A_875 = vector.load %arg6[%swap3A_873, %swap3A_874] : memref<1024x2304xi32, #tpu.memory_space<vmem>>, vector<8x2304xi32>
    tpu.vector_store %arg6[%swap3A_873, %swap3A_874], %bitcast_convert_type3A_872 {strides = array<i32>} : memref<1024x2304xi32, #tpu.memory_space<vmem>>, vector<8x2304xi32>,
    %min3A_876 = arith.minsi %min3A_862, %bitcast_convert_type3A_872 : vector<8x2304xi32>
    %slice3A_877 = vector.extract_strided_slice %get3A_15 {offsets = [496, 0], sizes = [8, 1], strides = [1, 1]} : vector<1024x1xf32> to vector<8x1xf32>
    %add3A_878 = vector.broadcast %get3A_12 : vector<1x2304xf32> to vector<8x2304xf32>
    %add3A_879 = vector.broadcast %slice3A_877 : vector<8x1xf32> to vector<8x2304xf32>
    %add3A_880 = arith.addf %add3A_878, %add3A_879 : vector<8x2304xf32>
    %slice3A_881 = vector.extract_strided_slice %dot_general3A_7 {offsets = [496, 0], sizes = [8, 2304], strides = [1, 1]} : vector<1024x2304xf32> to vector<8x2304xf32>
    %add3A_882 = arith.addf %add3A_880, %slice3A_881 : vector<8x2304xf32>
    %max3A_883 = arith.constant 0.000000e+00 : f32
    %max3A_884 = vector.broadcast %max3A_883 : f32 to vector<8x2304xf32>
    %max3A_885 = arith.maximumf %add3A_882, %max3A_884 : vector<8x2304xf32>
    %bitcast_convert_type3A_886 = tpu.bitcast %max3A_885 : vector<8x2304xf32> -> vector<8x2304xi32>
    %swap3A_887 = arith.constant 496 : index
    %swap3A_888 = arith.constant 0 : index
    %swap3A_889 = vector.load %arg6[%swap3A_887, %swap3A_888] : memref<1024x2304xi32, #tpu.memory_space<vmem>>, vector<8x2304xi32>
    tpu.vector_store %arg6[%swap3A_887, %swap3A_888], %bitcast_convert_type3A_886 {strides = array<i32>} : memref<1024x2304xi32, #tpu.memory_space<vmem>>, vector<8x2304xi32>,
    %min3A_890 = arith.minsi %min3A_876, %bitcast_convert_type3A_886 : vector<8x2304xi32>
    %slice3A_891 = vector.extract_strided_slice %get3A_15 {offsets = [504, 0], sizes = [8, 1], strides = [1, 1]} : vector<1024x1xf32> to vector<8x1xf32>
    %add3A_892 = vector.broadcast %get3A_12 : vector<1x2304xf32> to vector<8x2304xf32>
    %add3A_893 = vector.broadcast %slice3A_891 : vector<8x1xf32> to vector<8x2304xf32>
    %add3A_894 = arith.addf %add3A_892, %add3A_893 : vector<8x2304xf32>
    %slice3A_895 = vector.extract_strided_slice %dot_general3A_7 {offsets = [504, 0], sizes = [8, 2304], strides = [1, 1]} : vector<1024x2304xf32> to vector<8x2304xf32>
    %add3A_896 = arith.addf %add3A_894, %slice3A_895 : vector<8x2304xf32>
    %max3A_897 = arith.constant 0.000000e+00 : f32
    %max3A_898 = vector.broadcast %max3A_897 : f32 to vector<8x2304xf32>
    %max3A_899 = arith.maximumf %add3A_896, %max3A_898 : vector<8x2304xf32>
    %bitcast_convert_type3A_900 = tpu.bitcast %max3A_899 : vector<8x2304xf32> -> vector<8x2304xi32>
    %swap3A_901 = arith.constant 504 : index
    %swap3A_902 = arith.constant 0 : index
    %swap3A_903 = vector.load %arg6[%swap3A_901, %swap3A_902] : memref<1024x2304xi32, #tpu.memory_space<vmem>>, vector<8x2304xi32>
    tpu.vector_store %arg6[%swap3A_901, %swap3A_902], %bitcast_convert_type3A_900 {strides = array<i32>} : memref<1024x2304xi32, #tpu.memory_space<vmem>>, vector<8x2304xi32>,
    %min3A_904 = arith.minsi %min3A_890, %bitcast_convert_type3A_900 : vector<8x2304xi32>
    %slice3A_905 = vector.extract_strided_slice %get3A_15 {offsets = [512, 0], sizes = [8, 1], strides = [1, 1]} : vector<1024x1xf32> to vector<8x1xf32>
    %add3A_906 = vector.broadcast %get3A_12 : vector<1x2304xf32> to vector<8x2304xf32>
    %add3A_907 = vector.broadcast %slice3A_905 : vector<8x1xf32> to vector<8x2304xf32>
    %add3A_908 = arith.addf %add3A_906, %add3A_907 : vector<8x2304xf32>
    %slice3A_909 = vector.extract_strided_slice %dot_general3A_7 {offsets = [512, 0], sizes = [8, 2304], strides = [1, 1]} : vector<1024x2304xf32> to vector<8x2304xf32>
    %add3A_910 = arith.addf %add3A_908, %slice3A_909 : vector<8x2304xf32>
    %max3A_911 = arith.constant 0.000000e+00 : f32
    %max3A_912 = vector.broadcast %max3A_911 : f32 to vector<8x2304xf32>
    %max3A_913 = arith.maximumf %add3A_910, %max3A_912 : vector<8x2304xf32>
    %bitcast_convert_type3A_914 = tpu.bitcast %max3A_913 : vector<8x2304xf32> -> vector<8x2304xi32>
    %swap3A_915 = arith.constant 512 : index
    %swap3A_916 = arith.constant 0 : index
    %swap3A_917 = vector.load %arg6[%swap3A_915, %swap3A_916] : memref<1024x2304xi32, #tpu.memory_space<vmem>>, vector<8x2304xi32>
    tpu.vector_store %arg6[%swap3A_915, %swap3A_916], %bitcast_convert_type3A_914 {strides = array<i32>} : memref<1024x2304xi32, #tpu.memory_space<vmem>>, vector<8x2304xi32>,
    %min3A_918 = arith.minsi %min3A_904, %bitcast_convert_type3A_914 : vector<8x2304xi32>
    %slice3A_919 = vector.extract_strided_slice %get3A_15 {offsets = [520, 0], sizes = [8, 1], strides = [1, 1]} : vector<1024x1xf32> to vector<8x1xf32>
    %add3A_920 = vector.broadcast %get3A_12 : vector<1x2304xf32> to vector<8x2304xf32>
    %add3A_921 = vector.broadcast %slice3A_919 : vector<8x1xf32> to vector<8x2304xf32>
    %add3A_922 = arith.addf %add3A_920, %add3A_921 : vector<8x2304xf32>
    %slice3A_923 = vector.extract_strided_slice %dot_general3A_7 {offsets = [520, 0], sizes = [8, 2304], strides = [1, 1]} : vector<1024x2304xf32> to vector<8x2304xf32>
    %add3A_924 = arith.addf %add3A_922, %slice3A_923 : vector<8x2304xf32>
    %max3A_925 = arith.constant 0.000000e+00 : f32
    %max3A_926 = vector.broadcast %max3A_925 : f32 to vector<8x2304xf32>
    %max3A_927 = arith.maximumf %add3A_924, %max3A_926 : vector<8x2304xf32>
    %bitcast_convert_type3A_928 = tpu.bitcast %max3A_927 : vector<8x2304xf32> -> vector<8x2304xi32>
    %swap3A_929 = arith.constant 520 : index
    %swap3A_930 = arith.constant 0 : index
    %swap3A_931 = vector.load %arg6[%swap3A_929, %swap3A_930] : memref<1024x2304xi32, #tpu.memory_space<vmem>>, vector<8x2304xi32>
    tpu.vector_store %arg6[%swap3A_929, %swap3A_930], %bitcast_convert_type3A_928 {strides = array<i32>} : memref<1024x2304xi32, #tpu.memory_space<vmem>>, vector<8x2304xi32>,
    %min3A_932 = arith.minsi %min3A_918, %bitcast_convert_type3A_928 : vector<8x2304xi32>
    %slice3A_933 = vector.extract_strided_slice %get3A_15 {offsets = [528, 0], sizes = [8, 1], strides = [1, 1]} : vector<1024x1xf32> to vector<8x1xf32>
    %add3A_934 = vector.broadcast %get3A_12 : vector<1x2304xf32> to vector<8x2304xf32>
    %add3A_935 = vector.broadcast %slice3A_933 : vector<8x1xf32> to vector<8x2304xf32>
    %add3A_936 = arith.addf %add3A_934, %add3A_935 : vector<8x2304xf32>
    %slice3A_937 = vector.extract_strided_slice %dot_general3A_7 {offsets = [528, 0], sizes = [8, 2304], strides = [1, 1]} : vector<1024x2304xf32> to vector<8x2304xf32>
    %add3A_938 = arith.addf %add3A_936, %slice3A_937 : vector<8x2304xf32>
    %max3A_939 = arith.constant 0.000000e+00 : f32
    %max3A_940 = vector.broadcast %max3A_939 : f32 to vector<8x2304xf32>
    %max3A_941 = arith.maximumf %add3A_938, %max3A_940 : vector<8x2304xf32>
    %bitcast_convert_type3A_942 = tpu.bitcast %max3A_941 : vector<8x2304xf32> -> vector<8x2304xi32>
    %swap3A_943 = arith.constant 528 : index
    %swap3A_944 = arith.constant 0 : index
    %swap3A_945 = vector.load %arg6[%swap3A_943, %swap3A_944] : memref<1024x2304xi32, #tpu.memory_space<vmem>>, vector<8x2304xi32>
    tpu.vector_store %arg6[%swap3A_943, %swap3A_944], %bitcast_convert_type3A_942 {strides = array<i32>} : memref<1024x2304xi32, #tpu.memory_space<vmem>>, vector<8x2304xi32>,
    %min3A_946 = arith.minsi %min3A_932, %bitcast_convert_type3A_942 : vector<8x2304xi32>
    %slice3A_947 = vector.extract_strided_slice %get3A_15 {offsets = [536, 0], sizes = [8, 1], strides = [1, 1]} : vector<1024x1xf32> to vector<8x1xf32>
    %add3A_948 = vector.broadcast %get3A_12 : vector<1x2304xf32> to vector<8x2304xf32>
    %add3A_949 = vector.broadcast %slice3A_947 : vector<8x1xf32> to vector<8x2304xf32>
    %add3A_950 = arith.addf %add3A_948, %add3A_949 : vector<8x2304xf32>
    %slice3A_951 = vector.extract_strided_slice %dot_general3A_7 {offsets = [536, 0], sizes = [8, 2304], strides = [1, 1]} : vector<1024x2304xf32> to vector<8x2304xf32>
    %add3A_952 = arith.addf %add3A_950, %slice3A_951 : vector<8x2304xf32>
    %max3A_953 = arith.constant 0.000000e+00 : f32
    %max3A_954 = vector.broadcast %max3A_953 : f32 to vector<8x2304xf32>
    %max3A_955 = arith.maximumf %add3A_952, %max3A_954 : vector<8x2304xf32>
    %bitcast_convert_type3A_956 = tpu.bitcast %max3A_955 : vector<8x2304xf32> -> vector<8x2304xi32>
    %swap3A_957 = arith.constant 536 : index
    %swap3A_958 = arith.constant 0 : index
    %swap3A_959 = vector.load %arg6[%swap3A_957, %swap3A_958] : memref<1024x2304xi32, #tpu.memory_space<vmem>>, vector<8x2304xi32>
    tpu.vector_store %arg6[%swap3A_957, %swap3A_958], %bitcast_convert_type3A_956 {strides = array<i32>} : memref<1024x2304xi32, #tpu.memory_space<vmem>>, vector<8x2304xi32>,
    %min3A_960 = arith.minsi %min3A_946, %bitcast_convert_type3A_956 : vector<8x2304xi32>
    %slice3A_961 = vector.extract_strided_slice %get3A_15 {offsets = [544, 0], sizes = [8, 1], strides = [1, 1]} : vector<1024x1xf32> to vector<8x1xf32>
    %add3A_962 = vector.broadcast %get3A_12 : vector<1x2304xf32> to vector<8x2304xf32>
    %add3A_963 = vector.broadcast %slice3A_961 : vector<8x1xf32> to vector<8x2304xf32>
    %add3A_964 = arith.addf %add3A_962, %add3A_963 : vector<8x2304xf32>
    %slice3A_965 = vector.extract_strided_slice %dot_general3A_7 {offsets = [544, 0], sizes = [8, 2304], strides = [1, 1]} : vector<1024x2304xf32> to vector<8x2304xf32>
    %add3A_966 = arith.addf %add3A_964, %slice3A_965 : vector<8x2304xf32>
    %max3A_967 = arith.constant 0.000000e+00 : f32
    %max3A_968 = vector.broadcast %max3A_967 : f32 to vector<8x2304xf32>
    %max3A_969 = arith.maximumf %add3A_966, %max3A_968 : vector<8x2304xf32>
    %bitcast_convert_type3A_970 = tpu.bitcast %max3A_969 : vector<8x2304xf32> -> vector<8x2304xi32>
    %swap3A_971 = arith.constant 544 : index
    %swap3A_972 = arith.constant 0 : index
    %swap3A_973 = vector.load %arg6[%swap3A_971, %swap3A_972] : memref<1024x2304xi32, #tpu.memory_space<vmem>>, vector<8x2304xi32>
    tpu.vector_store %arg6[%swap3A_971, %swap3A_972], %bitcast_convert_type3A_970 {strides = array<i32>} : memref<1024x2304xi32, #tpu.memory_space<vmem>>, vector<8x2304xi32>,
    %min3A_974 = arith.minsi %min3A_960, %bitcast_convert_type3A_970 : vector<8x2304xi32>
    %slice3A_975 = vector.extract_strided_slice %get3A_15 {offsets = [552, 0], sizes = [8, 1], strides = [1, 1]} : vector<1024x1xf32> to vector<8x1xf32>
    %add3A_976 = vector.broadcast %get3A_12 : vector<1x2304xf32> to vector<8x2304xf32>
    %add3A_977 = vector.broadcast %slice3A_975 : vector<8x1xf32> to vector<8x2304xf32>
    %add3A_978 = arith.addf %add3A_976, %add3A_977 : vector<8x2304xf32>
    %slice3A_979 = vector.extract_strided_slice %dot_general3A_7 {offsets = [552, 0], sizes = [8, 2304], strides = [1, 1]} : vector<1024x2304xf32> to vector<8x2304xf32>
    %add3A_980 = arith.addf %add3A_978, %slice3A_979 : vector<8x2304xf32>
    %max3A_981 = arith.constant 0.000000e+00 : f32
    %max3A_982 = vector.broadcast %max3A_981 : f32 to vector<8x2304xf32>
    %max3A_983 = arith.maximumf %add3A_980, %max3A_982 : vector<8x2304xf32>
    %bitcast_convert_type3A_984 = tpu.bitcast %max3A_983 : vector<8x2304xf32> -> vector<8x2304xi32>
    %swap3A_985 = arith.constant 552 : index
    %swap3A_986 = arith.constant 0 : index
    %swap3A_987 = vector.load %arg6[%swap3A_985, %swap3A_986] : memref<1024x2304xi32, #tpu.memory_space<vmem>>, vector<8x2304xi32>
    tpu.vector_store %arg6[%swap3A_985, %swap3A_986], %bitcast_convert_type3A_984 {strides = array<i32>} : memref<1024x2304xi32, #tpu.memory_space<vmem>>, vector<8x2304xi32>,
    %min3A_988 = arith.minsi %min3A_974, %bitcast_convert_type3A_984 : vector<8x2304xi32>
    %slice3A_989 = vector.extract_strided_slice %get3A_15 {offsets = [560, 0], sizes = [8, 1], strides = [1, 1]} : vector<1024x1xf32> to vector<8x1xf32>
    %add3A_990 = vector.broadcast %get3A_12 : vector<1x2304xf32> to vector<8x2304xf32>
    %add3A_991 = vector.broadcast %slice3A_989 : vector<8x1xf32> to vector<8x2304xf32>
    %add3A_992 = arith.addf %add3A_990, %add3A_991 : vector<8x2304xf32>
    %slice3A_993 = vector.extract_strided_slice %dot_general3A_7 {offsets = [560, 0], sizes = [8, 2304], strides = [1, 1]} : vector<1024x2304xf32> to vector<8x2304xf32>
    %add3A_994 = arith.addf %add3A_992, %slice3A_993 : vector<8x2304xf32>
    %max3A_995 = arith.constant 0.000000e+00 : f32
    %max3A_996 = vector.broadcast %max3A_995 : f32 to vector<8x2304xf32>
    %max3A_997 = arith.maximumf %add3A_994, %max3A_996 : vector<8x2304xf32>
    %bitcast_convert_type3A_998 = tpu.bitcast %max3A_997 : vector<8x2304xf32> -> vector<8x2304xi32>
    %swap3A_999 = arith.constant 560 : index
    %swap3A_1000 = arith.constant 0 : index
    %swap3A_1001 = vector.load %arg6[%swap3A_999, %swap3A_1000] : memref<1024x2304xi32, #tpu.memory_space<vmem>>, vector<8x2304xi32>
    tpu.vector_store %arg6[%swap3A_999, %swap3A_1000], %bitcast_convert_type3A_998 {strides = array<i32>} : memref<1024x2304xi32, #tpu.memory_space<vmem>>, vector<8x2304xi32>,
    %min3A_1002 = arith.minsi %min3A_988, %bitcast_convert_type3A_998 : vector<8x2304xi32>
    %slice3A_1003 = vector.extract_strided_slice %get3A_15 {offsets = [568, 0], sizes = [8, 1], strides = [1, 1]} : vector<1024x1xf32> to vector<8x1xf32>
    %add3A_1004 = vector.broadcast %get3A_12 : vector<1x2304xf32> to vector<8x2304xf32>
    %add3A_1005 = vector.broadcast %slice3A_1003 : vector<8x1xf32> to vector<8x2304xf32>
    %add3A_1006 = arith.addf %add3A_1004, %add3A_1005 : vector<8x2304xf32>
    %slice3A_1007 = vector.extract_strided_slice %dot_general3A_7 {offsets = [568, 0], sizes = [8, 2304], strides = [1, 1]} : vector<1024x2304xf32> to vector<8x2304xf32>
    %add3A_1008 = arith.addf %add3A_1006, %slice3A_1007 : vector<8x2304xf32>
    %max3A_1009 = arith.constant 0.000000e+00 : f32
    %max3A_1010 = vector.broadcast %max3A_1009 : f32 to vector<8x2304xf32>
    %max3A_1011 = arith.maximumf %add3A_1008, %max3A_1010 : vector<8x2304xf32>
    %bitcast_convert_type3A_1012 = tpu.bitcast %max3A_1011 : vector<8x2304xf32> -> vector<8x2304xi32>
    %swap3A_1013 = arith.constant 568 : index
    %swap3A_1014 = arith.constant 0 : index
    %swap3A_1015 = vector.load %arg6[%swap3A_1013, %swap3A_1014] : memref<1024x2304xi32, #tpu.memory_space<vmem>>, vector<8x2304xi32>
    tpu.vector_store %arg6[%swap3A_1013, %swap3A_1014], %bitcast_convert_type3A_1012 {strides = array<i32>} : memref<1024x2304xi32, #tpu.memory_space<vmem>>, vector<8x2304xi32>,
    %min3A_1016 = arith.minsi %min3A_1002, %bitcast_convert_type3A_1012 : vector<8x2304xi32>
    %slice3A_1017 = vector.extract_strided_slice %get3A_15 {offsets = [576, 0], sizes = [8, 1], strides = [1, 1]} : vector<1024x1xf32> to vector<8x1xf32>
    %add3A_1018 = vector.broadcast %get3A_12 : vector<1x2304xf32> to vector<8x2304xf32>
    %add3A_1019 = vector.broadcast %slice3A_1017 : vector<8x1xf32> to vector<8x2304xf32>
    %add3A_1020 = arith.addf %add3A_1018, %add3A_1019 : vector<8x2304xf32>
    %slice3A_1021 = vector.extract_strided_slice %dot_general3A_7 {offsets = [576, 0], sizes = [8, 2304], strides = [1, 1]} : vector<1024x2304xf32> to vector<8x2304xf32>
    %add3A_1022 = arith.addf %add3A_1020, %slice3A_1021 : vector<8x2304xf32>
    %max3A_1023 = arith.constant 0.000000e+00 : f32
    %max3A_1024 = vector.broadcast %max3A_1023 : f32 to vector<8x2304xf32>
    %max3A_1025 = arith.maximumf %add3A_1022, %max3A_1024 : vector<8x2304xf32>
    %bitcast_convert_type3A_1026 = tpu.bitcast %max3A_1025 : vector<8x2304xf32> -> vector<8x2304xi32>
    %swap3A_1027 = arith.constant 576 : index
    %swap3A_1028 = arith.constant 0 : index
    %swap3A_1029 = vector.load %arg6[%swap3A_1027, %swap3A_1028] : memref<1024x2304xi32, #tpu.memory_space<vmem>>, vector<8x2304xi32>
    tpu.vector_store %arg6[%swap3A_1027, %swap3A_1028], %bitcast_convert_type3A_1026 {strides = array<i32>} : memref<1024x2304xi32, #tpu.memory_space<vmem>>, vector<8x2304xi32>,
    %min3A_1030 = arith.minsi %min3A_1016, %bitcast_convert_type3A_1026 : vector<8x2304xi32>
    %slice3A_1031 = vector.extract_strided_slice %get3A_15 {offsets = [584, 0], sizes = [8, 1], strides = [1, 1]} : vector<1024x1xf32> to vector<8x1xf32>
    %add3A_1032 = vector.broadcast %get3A_12 : vector<1x2304xf32> to vector<8x2304xf32>
    %add3A_1033 = vector.broadcast %slice3A_1031 : vector<8x1xf32> to vector<8x2304xf32>
    %add3A_1034 = arith.addf %add3A_1032, %add3A_1033 : vector<8x2304xf32>
    %slice3A_1035 = vector.extract_strided_slice %dot_general3A_7 {offsets = [584, 0], sizes = [8, 2304], strides = [1, 1]} : vector<1024x2304xf32> to vector<8x2304xf32>
    %add3A_1036 = arith.addf %add3A_1034, %slice3A_1035 : vector<8x2304xf32>
    %max3A_1037 = arith.constant 0.000000e+00 : f32
    %max3A_1038 = vector.broadcast %max3A_1037 : f32 to vector<8x2304xf32>
    %max3A_1039 = arith.maximumf %add3A_1036, %max3A_1038 : vector<8x2304xf32>
    %bitcast_convert_type3A_1040 = tpu.bitcast %max3A_1039 : vector<8x2304xf32> -> vector<8x2304xi32>
    %swap3A_1041 = arith.constant 584 : index
    %swap3A_1042 = arith.constant 0 : index
    %swap3A_1043 = vector.load %arg6[%swap3A_1041, %swap3A_1042] : memref<1024x2304xi32, #tpu.memory_space<vmem>>, vector<8x2304xi32>
    tpu.vector_store %arg6[%swap3A_1041, %swap3A_1042], %bitcast_convert_type3A_1040 {strides = array<i32>} : memref<1024x2304xi32, #tpu.memory_space<vmem>>, vector<8x2304xi32>,
    %min3A_1044 = arith.minsi %min3A_1030, %bitcast_convert_type3A_1040 : vector<8x2304xi32>
    %slice3A_1045 = vector.extract_strided_slice %get3A_15 {offsets = [592, 0], sizes = [8, 1], strides = [1, 1]} : vector<1024x1xf32> to vector<8x1xf32>
    %add3A_1046 = vector.broadcast %get3A_12 : vector<1x2304xf32> to vector<8x2304xf32>
    %add3A_1047 = vector.broadcast %slice3A_1045 : vector<8x1xf32> to vector<8x2304xf32>
    %add3A_1048 = arith.addf %add3A_1046, %add3A_1047 : vector<8x2304xf32>
    %slice3A_1049 = vector.extract_strided_slice %dot_general3A_7 {offsets = [592, 0], sizes = [8, 2304], strides = [1, 1]} : vector<1024x2304xf32> to vector<8x2304xf32>
    %add3A_1050 = arith.addf %add3A_1048, %slice3A_1049 : vector<8x2304xf32>
    %max3A_1051 = arith.constant 0.000000e+00 : f32
    %max3A_1052 = vector.broadcast %max3A_1051 : f32 to vector<8x2304xf32>
    %max3A_1053 = arith.maximumf %add3A_1050, %max3A_1052 : vector<8x2304xf32>
    %bitcast_convert_type3A_1054 = tpu.bitcast %max3A_1053 : vector<8x2304xf32> -> vector<8x2304xi32>
    %swap3A_1055 = arith.constant 592 : index
    %swap3A_1056 = arith.constant 0 : index
    %swap3A_1057 = vector.load %arg6[%swap3A_1055, %swap3A_1056] : memref<1024x2304xi32, #tpu.memory_space<vmem>>, vector<8x2304xi32>
    tpu.vector_store %arg6[%swap3A_1055, %swap3A_1056], %bitcast_convert_type3A_1054 {strides = array<i32>} : memref<1024x2304xi32, #tpu.memory_space<vmem>>, vector<8x2304xi32>,
    %min3A_1058 = arith.minsi %min3A_1044, %bitcast_convert_type3A_1054 : vector<8x2304xi32>
    %slice3A_1059 = vector.extract_strided_slice %get3A_15 {offsets = [600, 0], sizes = [8, 1], strides = [1, 1]} : vector<1024x1xf32> to vector<8x1xf32>
    %add3A_1060 = vector.broadcast %get3A_12 : vector<1x2304xf32> to vector<8x2304xf32>
    %add3A_1061 = vector.broadcast %slice3A_1059 : vector<8x1xf32> to vector<8x2304xf32>
    %add3A_1062 = arith.addf %add3A_1060, %add3A_1061 : vector<8x2304xf32>
    %slice3A_1063 = vector.extract_strided_slice %dot_general3A_7 {offsets = [600, 0], sizes = [8, 2304], strides = [1, 1]} : vector<1024x2304xf32> to vector<8x2304xf32>
    %add3A_1064 = arith.addf %add3A_1062, %slice3A_1063 : vector<8x2304xf32>
    %max3A_1065 = arith.constant 0.000000e+00 : f32
    %max3A_1066 = vector.broadcast %max3A_1065 : f32 to vector<8x2304xf32>
    %max3A_1067 = arith.maximumf %add3A_1064, %max3A_1066 : vector<8x2304xf32>
    %bitcast_convert_type3A_1068 = tpu.bitcast %max3A_1067 : vector<8x2304xf32> -> vector<8x2304xi32>
    %swap3A_1069 = arith.constant 600 : index
    %swap3A_1070 = arith.constant 0 : index
    %swap3A_1071 = vector.load %arg6[%swap3A_1069, %swap3A_1070] : memref<1024x2304xi32, #tpu.memory_space<vmem>>, vector<8x2304xi32>
    tpu.vector_store %arg6[%swap3A_1069, %swap3A_1070], %bitcast_convert_type3A_1068 {strides = array<i32>} : memref<1024x2304xi32, #tpu.memory_space<vmem>>, vector<8x2304xi32>,
    %min3A_1072 = arith.minsi %min3A_1058, %bitcast_convert_type3A_1068 : vector<8x2304xi32>
    %slice3A_1073 = vector.extract_strided_slice %get3A_15 {offsets = [608, 0], sizes = [8, 1], strides = [1, 1]} : vector<1024x1xf32> to vector<8x1xf32>
    %add3A_1074 = vector.broadcast %get3A_12 : vector<1x2304xf32> to vector<8x2304xf32>
    %add3A_1075 = vector.broadcast %slice3A_1073 : vector<8x1xf32> to vector<8x2304xf32>
    %add3A_1076 = arith.addf %add3A_1074, %add3A_1075 : vector<8x2304xf32>
    %slice3A_1077 = vector.extract_strided_slice %dot_general3A_7 {offsets = [608, 0], sizes = [8, 2304], strides = [1, 1]} : vector<1024x2304xf32> to vector<8x2304xf32>
    %add3A_1078 = arith.addf %add3A_1076, %slice3A_1077 : vector<8x2304xf32>
    %max3A_1079 = arith.constant 0.000000e+00 : f32
    %max3A_1080 = vector.broadcast %max3A_1079 : f32 to vector<8x2304xf32>
    %max3A_1081 = arith.maximumf %add3A_1078, %max3A_1080 : vector<8x2304xf32>
    %bitcast_convert_type3A_1082 = tpu.bitcast %max3A_1081 : vector<8x2304xf32> -> vector<8x2304xi32>
    %swap3A_1083 = arith.constant 608 : index
    %swap3A_1084 = arith.constant 0 : index
    %swap3A_1085 = vector.load %arg6[%swap3A_1083, %swap3A_1084] : memref<1024x2304xi32, #tpu.memory_space<vmem>>, vector<8x2304xi32>
    tpu.vector_store %arg6[%swap3A_1083, %swap3A_1084], %bitcast_convert_type3A_1082 {strides = array<i32>} : memref<1024x2304xi32, #tpu.memory_space<vmem>>, vector<8x2304xi32>,
    %min3A_1086 = arith.minsi %min3A_1072, %bitcast_convert_type3A_1082 : vector<8x2304xi32>
    %slice3A_1087 = vector.extract_strided_slice %get3A_15 {offsets = [616, 0], sizes = [8, 1], strides = [1, 1]} : vector<1024x1xf32> to vector<8x1xf32>
    %add3A_1088 = vector.broadcast %get3A_12 : vector<1x2304xf32> to vector<8x2304xf32>
    %add3A_1089 = vector.broadcast %slice3A_1087 : vector<8x1xf32> to vector<8x2304xf32>
    %add3A_1090 = arith.addf %add3A_1088, %add3A_1089 : vector<8x2304xf32>
    %slice3A_1091 = vector.extract_strided_slice %dot_general3A_7 {offsets = [616, 0], sizes = [8, 2304], strides = [1, 1]} : vector<1024x2304xf32> to vector<8x2304xf32>
    %add3A_1092 = arith.addf %add3A_1090, %slice3A_1091 : vector<8x2304xf32>
    %max3A_1093 = arith.constant 0.000000e+00 : f32
    %max3A_1094 = vector.broadcast %max3A_1093 : f32 to vector<8x2304xf32>
    %max3A_1095 = arith.maximumf %add3A_1092, %max3A_1094 : vector<8x2304xf32>
    %bitcast_convert_type3A_1096 = tpu.bitcast %max3A_1095 : vector<8x2304xf32> -> vector<8x2304xi32>
    %swap3A_1097 = arith.constant 616 : index
    %swap3A_1098 = arith.constant 0 : index
    %swap3A_1099 = vector.load %arg6[%swap3A_1097, %swap3A_1098] : memref<1024x2304xi32, #tpu.memory_space<vmem>>, vector<8x2304xi32>
    tpu.vector_store %arg6[%swap3A_1097, %swap3A_1098], %bitcast_convert_type3A_1096 {strides = array<i32>} : memref<1024x2304xi32, #tpu.memory_space<vmem>>, vector<8x2304xi32>,
    %min3A_1100 = arith.minsi %min3A_1086, %bitcast_convert_type3A_1096 : vector<8x2304xi32>
    %slice3A_1101 = vector.extract_strided_slice %get3A_15 {offsets = [624, 0], sizes = [8, 1], strides = [1, 1]} : vector<1024x1xf32> to vector<8x1xf32>
    %add3A_1102 = vector.broadcast %get3A_12 : vector<1x2304xf32> to vector<8x2304xf32>
    %add3A_1103 = vector.broadcast %slice3A_1101 : vector<8x1xf32> to vector<8x2304xf32>
    %add3A_1104 = arith.addf %add3A_1102, %add3A_1103 : vector<8x2304xf32>
    %slice3A_1105 = vector.extract_strided_slice %dot_general3A_7 {offsets = [624, 0], sizes = [8, 2304], strides = [1, 1]} : vector<1024x2304xf32> to vector<8x2304xf32>
    %add3A_1106 = arith.addf %add3A_1104, %slice3A_1105 : vector<8x2304xf32>
    %max3A_1107 = arith.constant 0.000000e+00 : f32
    %max3A_1108 = vector.broadcast %max3A_1107 : f32 to vector<8x2304xf32>
    %max3A_1109 = arith.maximumf %add3A_1106, %max3A_1108 : vector<8x2304xf32>
    %bitcast_convert_type3A_1110 = tpu.bitcast %max3A_1109 : vector<8x2304xf32> -> vector<8x2304xi32>
    %swap3A_1111 = arith.constant 624 : index
    %swap3A_1112 = arith.constant 0 : index
    %swap3A_1113 = vector.load %arg6[%swap3A_1111, %swap3A_1112] : memref<1024x2304xi32, #tpu.memory_space<vmem>>, vector<8x2304xi32>
    tpu.vector_store %arg6[%swap3A_1111, %swap3A_1112], %bitcast_convert_type3A_1110 {strides = array<i32>} : memref<1024x2304xi32, #tpu.memory_space<vmem>>, vector<8x2304xi32>,
    %min3A_1114 = arith.minsi %min3A_1100, %bitcast_convert_type3A_1110 : vector<8x2304xi32>
    %slice3A_1115 = vector.extract_strided_slice %get3A_15 {offsets = [632, 0], sizes = [8, 1], strides = [1, 1]} : vector<1024x1xf32> to vector<8x1xf32>
    %add3A_1116 = vector.broadcast %get3A_12 : vector<1x2304xf32> to vector<8x2304xf32>
    %add3A_1117 = vector.broadcast %slice3A_1115 : vector<8x1xf32> to vector<8x2304xf32>
    %add3A_1118 = arith.addf %add3A_1116, %add3A_1117 : vector<8x2304xf32>
    %slice3A_1119 = vector.extract_strided_slice %dot_general3A_7 {offsets = [632, 0], sizes = [8, 2304], strides = [1, 1]} : vector<1024x2304xf32> to vector<8x2304xf32>
    %add3A_1120 = arith.addf %add3A_1118, %slice3A_1119 : vector<8x2304xf32>
    %max3A_1121 = arith.constant 0.000000e+00 : f32
    %max3A_1122 = vector.broadcast %max3A_1121 : f32 to vector<8x2304xf32>
    %max3A_1123 = arith.maximumf %add3A_1120, %max3A_1122 : vector<8x2304xf32>
    %bitcast_convert_type3A_1124 = tpu.bitcast %max3A_1123 : vector<8x2304xf32> -> vector<8x2304xi32>
    %swap3A_1125 = arith.constant 632 : index
    %swap3A_1126 = arith.constant 0 : index
    %swap3A_1127 = vector.load %arg6[%swap3A_1125, %swap3A_1126] : memref<1024x2304xi32, #tpu.memory_space<vmem>>, vector<8x2304xi32>
    tpu.vector_store %arg6[%swap3A_1125, %swap3A_1126], %bitcast_convert_type3A_1124 {strides = array<i32>} : memref<1024x2304xi32, #tpu.memory_space<vmem>>, vector<8x2304xi32>,
    %min3A_1128 = arith.minsi %min3A_1114, %bitcast_convert_type3A_1124 : vector<8x2304xi32>
    %slice3A_1129 = vector.extract_strided_slice %get3A_15 {offsets = [640, 0], sizes = [8, 1], strides = [1, 1]} : vector<1024x1xf32> to vector<8x1xf32>
    %add3A_1130 = vector.broadcast %get3A_12 : vector<1x2304xf32> to vector<8x2304xf32>
    %add3A_1131 = vector.broadcast %slice3A_1129 : vector<8x1xf32> to vector<8x2304xf32>
    %add3A_1132 = arith.addf %add3A_1130, %add3A_1131 : vector<8x2304xf32>
    %slice3A_1133 = vector.extract_strided_slice %dot_general3A_7 {offsets = [640, 0], sizes = [8, 2304], strides = [1, 1]} : vector<1024x2304xf32> to vector<8x2304xf32>
    %add3A_1134 = arith.addf %add3A_1132, %slice3A_1133 : vector<8x2304xf32>
    %max3A_1135 = arith.constant 0.000000e+00 : f32
    %max3A_1136 = vector.broadcast %max3A_1135 : f32 to vector<8x2304xf32>
    %max3A_1137 = arith.maximumf %add3A_1134, %max3A_1136 : vector<8x2304xf32>
    %bitcast_convert_type3A_1138 = tpu.bitcast %max3A_1137 : vector<8x2304xf32> -> vector<8x2304xi32>
    %swap3A_1139 = arith.constant 640 : index
    %swap3A_1140 = arith.constant 0 : index
    %swap3A_1141 = vector.load %arg6[%swap3A_1139, %swap3A_1140] : memref<1024x2304xi32, #tpu.memory_space<vmem>>, vector<8x2304xi32>
    tpu.vector_store %arg6[%swap3A_1139, %swap3A_1140], %bitcast_convert_type3A_1138 {strides = array<i32>} : memref<1024x2304xi32, #tpu.memory_space<vmem>>, vector<8x2304xi32>,
    %min3A_1142 = arith.minsi %min3A_1128, %bitcast_convert_type3A_1138 : vector<8x2304xi32>
    %slice3A_1143 = vector.extract_strided_slice %get3A_15 {offsets = [648, 0], sizes = [8, 1], strides = [1, 1]} : vector<1024x1xf32> to vector<8x1xf32>
    %add3A_1144 = vector.broadcast %get3A_12 : vector<1x2304xf32> to vector<8x2304xf32>
    %add3A_1145 = vector.broadcast %slice3A_1143 : vector<8x1xf32> to vector<8x2304xf32>
    %add3A_1146 = arith.addf %add3A_1144, %add3A_1145 : vector<8x2304xf32>
    %slice3A_1147 = vector.extract_strided_slice %dot_general3A_7 {offsets = [648, 0], sizes = [8, 2304], strides = [1, 1]} : vector<1024x2304xf32> to vector<8x2304xf32>
    %add3A_1148 = arith.addf %add3A_1146, %slice3A_1147 : vector<8x2304xf32>
    %max3A_1149 = arith.constant 0.000000e+00 : f32
    %max3A_1150 = vector.broadcast %max3A_1149 : f32 to vector<8x2304xf32>
    %max3A_1151 = arith.maximumf %add3A_1148, %max3A_1150 : vector<8x2304xf32>
    %bitcast_convert_type3A_1152 = tpu.bitcast %max3A_1151 : vector<8x2304xf32> -> vector<8x2304xi32>
    %swap3A_1153 = arith.constant 648 : index
    %swap3A_1154 = arith.constant 0 : index
    %swap3A_1155 = vector.load %arg6[%swap3A_1153, %swap3A_1154] : memref<1024x2304xi32, #tpu.memory_space<vmem>>, vector<8x2304xi32>
    tpu.vector_store %arg6[%swap3A_1153, %swap3A_1154], %bitcast_convert_type3A_1152 {strides = array<i32>} : memref<1024x2304xi32, #tpu.memory_space<vmem>>, vector<8x2304xi32>,
    %min3A_1156 = arith.minsi %min3A_1142, %bitcast_convert_type3A_1152 : vector<8x2304xi32>
    %slice3A_1157 = vector.extract_strided_slice %get3A_15 {offsets = [656, 0], sizes = [8, 1], strides = [1, 1]} : vector<1024x1xf32> to vector<8x1xf32>
    %add3A_1158 = vector.broadcast %get3A_12 : vector<1x2304xf32> to vector<8x2304xf32>
    %add3A_1159 = vector.broadcast %slice3A_1157 : vector<8x1xf32> to vector<8x2304xf32>
    %add3A_1160 = arith.addf %add3A_1158, %add3A_1159 : vector<8x2304xf32>
    %slice3A_1161 = vector.extract_strided_slice %dot_general3A_7 {offsets = [656, 0], sizes = [8, 2304], strides = [1, 1]} : vector<1024x2304xf32> to vector<8x2304xf32>
    %add3A_1162 = arith.addf %add3A_1160, %slice3A_1161 : vector<8x2304xf32>
    %max3A_1163 = arith.constant 0.000000e+00 : f32
    %max3A_1164 = vector.broadcast %max3A_1163 : f32 to vector<8x2304xf32>
    %max3A_1165 = arith.maximumf %add3A_1162, %max3A_1164 : vector<8x2304xf32>
    %bitcast_convert_type3A_1166 = tpu.bitcast %max3A_1165 : vector<8x2304xf32> -> vector<8x2304xi32>
    %swap3A_1167 = arith.constant 656 : index
    %swap3A_1168 = arith.constant 0 : index
    %swap3A_1169 = vector.load %arg6[%swap3A_1167, %swap3A_1168] : memref<1024x2304xi32, #tpu.memory_space<vmem>>, vector<8x2304xi32>
    tpu.vector_store %arg6[%swap3A_1167, %swap3A_1168], %bitcast_convert_type3A_1166 {strides = array<i32>} : memref<1024x2304xi32, #tpu.memory_space<vmem>>, vector<8x2304xi32>,
    %min3A_1170 = arith.minsi %min3A_1156, %bitcast_convert_type3A_1166 : vector<8x2304xi32>
    %slice3A_1171 = vector.extract_strided_slice %get3A_15 {offsets = [664, 0], sizes = [8, 1], strides = [1, 1]} : vector<1024x1xf32> to vector<8x1xf32>
    %add3A_1172 = vector.broadcast %get3A_12 : vector<1x2304xf32> to vector<8x2304xf32>
    %add3A_1173 = vector.broadcast %slice3A_1171 : vector<8x1xf32> to vector<8x2304xf32>
    %add3A_1174 = arith.addf %add3A_1172, %add3A_1173 : vector<8x2304xf32>
    %slice3A_1175 = vector.extract_strided_slice %dot_general3A_7 {offsets = [664, 0], sizes = [8, 2304], strides = [1, 1]} : vector<1024x2304xf32> to vector<8x2304xf32>
    %add3A_1176 = arith.addf %add3A_1174, %slice3A_1175 : vector<8x2304xf32>
    %max3A_1177 = arith.constant 0.000000e+00 : f32
    %max3A_1178 = vector.broadcast %max3A_1177 : f32 to vector<8x2304xf32>
    %max3A_1179 = arith.maximumf %add3A_1176, %max3A_1178 : vector<8x2304xf32>
    %bitcast_convert_type3A_1180 = tpu.bitcast %max3A_1179 : vector<8x2304xf32> -> vector<8x2304xi32>
    %swap3A_1181 = arith.constant 664 : index
    %swap3A_1182 = arith.constant 0 : index
    %swap3A_1183 = vector.load %arg6[%swap3A_1181, %swap3A_1182] : memref<1024x2304xi32, #tpu.memory_space<vmem>>, vector<8x2304xi32>
    tpu.vector_store %arg6[%swap3A_1181, %swap3A_1182], %bitcast_convert_type3A_1180 {strides = array<i32>} : memref<1024x2304xi32, #tpu.memory_space<vmem>>, vector<8x2304xi32>,
    %min3A_1184 = arith.minsi %min3A_1170, %bitcast_convert_type3A_1180 : vector<8x2304xi32>
    %slice3A_1185 = vector.extract_strided_slice %get3A_15 {offsets = [672, 0], sizes = [8, 1], strides = [1, 1]} : vector<1024x1xf32> to vector<8x1xf32>
    %add3A_1186 = vector.broadcast %get3A_12 : vector<1x2304xf32> to vector<8x2304xf32>
    %add3A_1187 = vector.broadcast %slice3A_1185 : vector<8x1xf32> to vector<8x2304xf32>
    %add3A_1188 = arith.addf %add3A_1186, %add3A_1187 : vector<8x2304xf32>
    %slice3A_1189 = vector.extract_strided_slice %dot_general3A_7 {offsets = [672, 0], sizes = [8, 2304], strides = [1, 1]} : vector<1024x2304xf32> to vector<8x2304xf32>
    %add3A_1190 = arith.addf %add3A_1188, %slice3A_1189 : vector<8x2304xf32>
    %max3A_1191 = arith.constant 0.000000e+00 : f32
    %max3A_1192 = vector.broadcast %max3A_1191 : f32 to vector<8x2304xf32>
    %max3A_1193 = arith.maximumf %add3A_1190, %max3A_1192 : vector<8x2304xf32>
    %bitcast_convert_type3A_1194 = tpu.bitcast %max3A_1193 : vector<8x2304xf32> -> vector<8x2304xi32>
    %swap3A_1195 = arith.constant 672 : index
    %swap3A_1196 = arith.constant 0 : index
    %swap3A_1197 = vector.load %arg6[%swap3A_1195, %swap3A_1196] : memref<1024x2304xi32, #tpu.memory_space<vmem>>, vector<8x2304xi32>
    tpu.vector_store %arg6[%swap3A_1195, %swap3A_1196], %bitcast_convert_type3A_1194 {strides = array<i32>} : memref<1024x2304xi32, #tpu.memory_space<vmem>>, vector<8x2304xi32>,
    %min3A_1198 = arith.minsi %min3A_1184, %bitcast_convert_type3A_1194 : vector<8x2304xi32>
    %slice3A_1199 = vector.extract_strided_slice %get3A_15 {offsets = [680, 0], sizes = [8, 1], strides = [1, 1]} : vector<1024x1xf32> to vector<8x1xf32>
    %add3A_1200 = vector.broadcast %get3A_12 : vector<1x2304xf32> to vector<8x2304xf32>
    %add3A_1201 = vector.broadcast %slice3A_1199 : vector<8x1xf32> to vector<8x2304xf32>
    %add3A_1202 = arith.addf %add3A_1200, %add3A_1201 : vector<8x2304xf32>
    %slice3A_1203 = vector.extract_strided_slice %dot_general3A_7 {offsets = [680, 0], sizes = [8, 2304], strides = [1, 1]} : vector<1024x2304xf32> to vector<8x2304xf32>
    %add3A_1204 = arith.addf %add3A_1202, %slice3A_1203 : vector<8x2304xf32>
    %max3A_1205 = arith.constant 0.000000e+00 : f32
    %max3A_1206 = vector.broadcast %max3A_1205 : f32 to vector<8x2304xf32>
    %max3A_1207 = arith.maximumf %add3A_1204, %max3A_1206 : vector<8x2304xf32>
    %bitcast_convert_type3A_1208 = tpu.bitcast %max3A_1207 : vector<8x2304xf32> -> vector<8x2304xi32>
    %swap3A_1209 = arith.constant 680 : index
    %swap3A_1210 = arith.constant 0 : index
    %swap3A_1211 = vector.load %arg6[%swap3A_1209, %swap3A_1210] : memref<1024x2304xi32, #tpu.memory_space<vmem>>, vector<8x2304xi32>
    tpu.vector_store %arg6[%swap3A_1209, %swap3A_1210], %bitcast_convert_type3A_1208 {strides = array<i32>} : memref<1024x2304xi32, #tpu.memory_space<vmem>>, vector<8x2304xi32>,
    %min3A_1212 = arith.minsi %min3A_1198, %bitcast_convert_type3A_1208 : vector<8x2304xi32>
    %slice3A_1213 = vector.extract_strided_slice %get3A_15 {offsets = [688, 0], sizes = [8, 1], strides = [1, 1]} : vector<1024x1xf32> to vector<8x1xf32>
    %add3A_1214 = vector.broadcast %get3A_12 : vector<1x2304xf32> to vector<8x2304xf32>
    %add3A_1215 = vector.broadcast %slice3A_1213 : vector<8x1xf32> to vector<8x2304xf32>
    %add3A_1216 = arith.addf %add3A_1214, %add3A_1215 : vector<8x2304xf32>
    %slice3A_1217 = vector.extract_strided_slice %dot_general3A_7 {offsets = [688, 0], sizes = [8, 2304], strides = [1, 1]} : vector<1024x2304xf32> to vector<8x2304xf32>
    %add3A_1218 = arith.addf %add3A_1216, %slice3A_1217 : vector<8x2304xf32>
    %max3A_1219 = arith.constant 0.000000e+00 : f32
    %max3A_1220 = vector.broadcast %max3A_1219 : f32 to vector<8x2304xf32>
    %max3A_1221 = arith.maximumf %add3A_1218, %max3A_1220 : vector<8x2304xf32>
    %bitcast_convert_type3A_1222 = tpu.bitcast %max3A_1221 : vector<8x2304xf32> -> vector<8x2304xi32>
    %swap3A_1223 = arith.constant 688 : index
    %swap3A_1224 = arith.constant 0 : index
    %swap3A_1225 = vector.load %arg6[%swap3A_1223, %swap3A_1224] : memref<1024x2304xi32, #tpu.memory_space<vmem>>, vector<8x2304xi32>
    tpu.vector_store %arg6[%swap3A_1223, %swap3A_1224], %bitcast_convert_type3A_1222 {strides = array<i32>} : memref<1024x2304xi32, #tpu.memory_space<vmem>>, vector<8x2304xi32>,
    %min3A_1226 = arith.minsi %min3A_1212, %bitcast_convert_type3A_1222 : vector<8x2304xi32>
    %slice3A_1227 = vector.extract_strided_slice %get3A_15 {offsets = [696, 0], sizes = [8, 1], strides = [1, 1]} : vector<1024x1xf32> to vector<8x1xf32>
    %add3A_1228 = vector.broadcast %get3A_12 : vector<1x2304xf32> to vector<8x2304xf32>
    %add3A_1229 = vector.broadcast %slice3A_1227 : vector<8x1xf32> to vector<8x2304xf32>
    %add3A_1230 = arith.addf %add3A_1228, %add3A_1229 : vector<8x2304xf32>
    %slice3A_1231 = vector.extract_strided_slice %dot_general3A_7 {offsets = [696, 0], sizes = [8, 2304], strides = [1, 1]} : vector<1024x2304xf32> to vector<8x2304xf32>
    %add3A_1232 = arith.addf %add3A_1230, %slice3A_1231 : vector<8x2304xf32>
    %max3A_1233 = arith.constant 0.000000e+00 : f32
    %max3A_1234 = vector.broadcast %max3A_1233 : f32 to vector<8x2304xf32>
    %max3A_1235 = arith.maximumf %add3A_1232, %max3A_1234 : vector<8x2304xf32>
    %bitcast_convert_type3A_1236 = tpu.bitcast %max3A_1235 : vector<8x2304xf32> -> vector<8x2304xi32>
    %swap3A_1237 = arith.constant 696 : index
    %swap3A_1238 = arith.constant 0 : index
    %swap3A_1239 = vector.load %arg6[%swap3A_1237, %swap3A_1238] : memref<1024x2304xi32, #tpu.memory_space<vmem>>, vector<8x2304xi32>
    tpu.vector_store %arg6[%swap3A_1237, %swap3A_1238], %bitcast_convert_type3A_1236 {strides = array<i32>} : memref<1024x2304xi32, #tpu.memory_space<vmem>>, vector<8x2304xi32>,
    %min3A_1240 = arith.minsi %min3A_1226, %bitcast_convert_type3A_1236 : vector<8x2304xi32>
    %slice3A_1241 = vector.extract_strided_slice %get3A_15 {offsets = [704, 0], sizes = [8, 1], strides = [1, 1]} : vector<1024x1xf32> to vector<8x1xf32>
    %add3A_1242 = vector.broadcast %get3A_12 : vector<1x2304xf32> to vector<8x2304xf32>
    %add3A_1243 = vector.broadcast %slice3A_1241 : vector<8x1xf32> to vector<8x2304xf32>
    %add3A_1244 = arith.addf %add3A_1242, %add3A_1243 : vector<8x2304xf32>
    %slice3A_1245 = vector.extract_strided_slice %dot_general3A_7 {offsets = [704, 0], sizes = [8, 2304], strides = [1, 1]} : vector<1024x2304xf32> to vector<8x2304xf32>
    %add3A_1246 = arith.addf %add3A_1244, %slice3A_1245 : vector<8x2304xf32>
    %max3A_1247 = arith.constant 0.000000e+00 : f32
    %max3A_1248 = vector.broadcast %max3A_1247 : f32 to vector<8x2304xf32>
    %max3A_1249 = arith.maximumf %add3A_1246, %max3A_1248 : vector<8x2304xf32>
    %bitcast_convert_type3A_1250 = tpu.bitcast %max3A_1249 : vector<8x2304xf32> -> vector<8x2304xi32>
    %swap3A_1251 = arith.constant 704 : index
    %swap3A_1252 = arith.constant 0 : index
    %swap3A_1253 = vector.load %arg6[%swap3A_1251, %swap3A_1252] : memref<1024x2304xi32, #tpu.memory_space<vmem>>, vector<8x2304xi32>
    tpu.vector_store %arg6[%swap3A_1251, %swap3A_1252], %bitcast_convert_type3A_1250 {strides = array<i32>} : memref<1024x2304xi32, #tpu.memory_space<vmem>>, vector<8x2304xi32>,
    %min3A_1254 = arith.minsi %min3A_1240, %bitcast_convert_type3A_1250 : vector<8x2304xi32>
    %slice3A_1255 = vector.extract_strided_slice %get3A_15 {offsets = [712, 0], sizes = [8, 1], strides = [1, 1]} : vector<1024x1xf32> to vector<8x1xf32>
    %add3A_1256 = vector.broadcast %get3A_12 : vector<1x2304xf32> to vector<8x2304xf32>
    %add3A_1257 = vector.broadcast %slice3A_1255 : vector<8x1xf32> to vector<8x2304xf32>
    %add3A_1258 = arith.addf %add3A_1256, %add3A_1257 : vector<8x2304xf32>
    %slice3A_1259 = vector.extract_strided_slice %dot_general3A_7 {offsets = [712, 0], sizes = [8, 2304], strides = [1, 1]} : vector<1024x2304xf32> to vector<8x2304xf32>
    %add3A_1260 = arith.addf %add3A_1258, %slice3A_1259 : vector<8x2304xf32>
    %max3A_1261 = arith.constant 0.000000e+00 : f32
    %max3A_1262 = vector.broadcast %max3A_1261 : f32 to vector<8x2304xf32>
    %max3A_1263 = arith.maximumf %add3A_1260, %max3A_1262 : vector<8x2304xf32>
    %bitcast_convert_type3A_1264 = tpu.bitcast %max3A_1263 : vector<8x2304xf32> -> vector<8x2304xi32>
    %swap3A_1265 = arith.constant 712 : index
    %swap3A_1266 = arith.constant 0 : index
    %swap3A_1267 = vector.load %arg6[%swap3A_1265, %swap3A_1266] : memref<1024x2304xi32, #tpu.memory_space<vmem>>, vector<8x2304xi32>
    tpu.vector_store %arg6[%swap3A_1265, %swap3A_1266], %bitcast_convert_type3A_1264 {strides = array<i32>} : memref<1024x2304xi32, #tpu.memory_space<vmem>>, vector<8x2304xi32>,
    %min3A_1268 = arith.minsi %min3A_1254, %bitcast_convert_type3A_1264 : vector<8x2304xi32>
    %slice3A_1269 = vector.extract_strided_slice %get3A_15 {offsets = [720, 0], sizes = [8, 1], strides = [1, 1]} : vector<1024x1xf32> to vector<8x1xf32>
    %add3A_1270 = vector.broadcast %get3A_12 : vector<1x2304xf32> to vector<8x2304xf32>
    %add3A_1271 = vector.broadcast %slice3A_1269 : vector<8x1xf32> to vector<8x2304xf32>
    %add3A_1272 = arith.addf %add3A_1270, %add3A_1271 : vector<8x2304xf32>
    %slice3A_1273 = vector.extract_strided_slice %dot_general3A_7 {offsets = [720, 0], sizes = [8, 2304], strides = [1, 1]} : vector<1024x2304xf32> to vector<8x2304xf32>
    %add3A_1274 = arith.addf %add3A_1272, %slice3A_1273 : vector<8x2304xf32>
    %max3A_1275 = arith.constant 0.000000e+00 : f32
    %max3A_1276 = vector.broadcast %max3A_1275 : f32 to vector<8x2304xf32>
    %max3A_1277 = arith.maximumf %add3A_1274, %max3A_1276 : vector<8x2304xf32>
    %bitcast_convert_type3A_1278 = tpu.bitcast %max3A_1277 : vector<8x2304xf32> -> vector<8x2304xi32>
    %swap3A_1279 = arith.constant 720 : index
    %swap3A_1280 = arith.constant 0 : index
    %swap3A_1281 = vector.load %arg6[%swap3A_1279, %swap3A_1280] : memref<1024x2304xi32, #tpu.memory_space<vmem>>, vector<8x2304xi32>
    tpu.vector_store %arg6[%swap3A_1279, %swap3A_1280], %bitcast_convert_type3A_1278 {strides = array<i32>} : memref<1024x2304xi32, #tpu.memory_space<vmem>>, vector<8x2304xi32>,
    %min3A_1282 = arith.minsi %min3A_1268, %bitcast_convert_type3A_1278 : vector<8x2304xi32>
    %slice3A_1283 = vector.extract_strided_slice %get3A_15 {offsets = [728, 0], sizes = [8, 1], strides = [1, 1]} : vector<1024x1xf32> to vector<8x1xf32>
    %add3A_1284 = vector.broadcast %get3A_12 : vector<1x2304xf32> to vector<8x2304xf32>
    %add3A_1285 = vector.broadcast %slice3A_1283 : vector<8x1xf32> to vector<8x2304xf32>
    %add3A_1286 = arith.addf %add3A_1284, %add3A_1285 : vector<8x2304xf32>
    %slice3A_1287 = vector.extract_strided_slice %dot_general3A_7 {offsets = [728, 0], sizes = [8, 2304], strides = [1, 1]} : vector<1024x2304xf32> to vector<8x2304xf32>
    %add3A_1288 = arith.addf %add3A_1286, %slice3A_1287 : vector<8x2304xf32>
    %max3A_1289 = arith.constant 0.000000e+00 : f32
    %max3A_1290 = vector.broadcast %max3A_1289 : f32 to vector<8x2304xf32>
    %max3A_1291 = arith.maximumf %add3A_1288, %max3A_1290 : vector<8x2304xf32>
    %bitcast_convert_type3A_1292 = tpu.bitcast %max3A_1291 : vector<8x2304xf32> -> vector<8x2304xi32>
    %swap3A_1293 = arith.constant 728 : index
    %swap3A_1294 = arith.constant 0 : index
    %swap3A_1295 = vector.load %arg6[%swap3A_1293, %swap3A_1294] : memref<1024x2304xi32, #tpu.memory_space<vmem>>, vector<8x2304xi32>
    tpu.vector_store %arg6[%swap3A_1293, %swap3A_1294], %bitcast_convert_type3A_1292 {strides = array<i32>} : memref<1024x2304xi32, #tpu.memory_space<vmem>>, vector<8x2304xi32>,
    %min3A_1296 = arith.minsi %min3A_1282, %bitcast_convert_type3A_1292 : vector<8x2304xi32>
    %slice3A_1297 = vector.extract_strided_slice %get3A_15 {offsets = [736, 0], sizes = [8, 1], strides = [1, 1]} : vector<1024x1xf32> to vector<8x1xf32>
    %add3A_1298 = vector.broadcast %get3A_12 : vector<1x2304xf32> to vector<8x2304xf32>
    %add3A_1299 = vector.broadcast %slice3A_1297 : vector<8x1xf32> to vector<8x2304xf32>
    %add3A_1300 = arith.addf %add3A_1298, %add3A_1299 : vector<8x2304xf32>
    %slice3A_1301 = vector.extract_strided_slice %dot_general3A_7 {offsets = [736, 0], sizes = [8, 2304], strides = [1, 1]} : vector<1024x2304xf32> to vector<8x2304xf32>
    %add3A_1302 = arith.addf %add3A_1300, %slice3A_1301 : vector<8x2304xf32>
    %max3A_1303 = arith.constant 0.000000e+00 : f32
    %max3A_1304 = vector.broadcast %max3A_1303 : f32 to vector<8x2304xf32>
    %max3A_1305 = arith.maximumf %add3A_1302, %max3A_1304 : vector<8x2304xf32>
    %bitcast_convert_type3A_1306 = tpu.bitcast %max3A_1305 : vector<8x2304xf32> -> vector<8x2304xi32>
    %swap3A_1307 = arith.constant 736 : index
    %swap3A_1308 = arith.constant 0 : index
    %swap3A_1309 = vector.load %arg6[%swap3A_1307, %swap3A_1308] : memref<1024x2304xi32, #tpu.memory_space<vmem>>, vector<8x2304xi32>
    tpu.vector_store %arg6[%swap3A_1307, %swap3A_1308], %bitcast_convert_type3A_1306 {strides = array<i32>} : memref<1024x2304xi32, #tpu.memory_space<vmem>>, vector<8x2304xi32>,
    %min3A_1310 = arith.minsi %min3A_1296, %bitcast_convert_type3A_1306 : vector<8x2304xi32>
    %slice3A_1311 = vector.extract_strided_slice %get3A_15 {offsets = [744, 0], sizes = [8, 1], strides = [1, 1]} : vector<1024x1xf32> to vector<8x1xf32>
    %add3A_1312 = vector.broadcast %get3A_12 : vector<1x2304xf32> to vector<8x2304xf32>
    %add3A_1313 = vector.broadcast %slice3A_1311 : vector<8x1xf32> to vector<8x2304xf32>
    %add3A_1314 = arith.addf %add3A_1312, %add3A_1313 : vector<8x2304xf32>
    %slice3A_1315 = vector.extract_strided_slice %dot_general3A_7 {offsets = [744, 0], sizes = [8, 2304], strides = [1, 1]} : vector<1024x2304xf32> to vector<8x2304xf32>
    %add3A_1316 = arith.addf %add3A_1314, %slice3A_1315 : vector<8x2304xf32>
    %max3A_1317 = arith.constant 0.000000e+00 : f32
    %max3A_1318 = vector.broadcast %max3A_1317 : f32 to vector<8x2304xf32>
    %max3A_1319 = arith.maximumf %add3A_1316, %max3A_1318 : vector<8x2304xf32>
    %bitcast_convert_type3A_1320 = tpu.bitcast %max3A_1319 : vector<8x2304xf32> -> vector<8x2304xi32>
    %swap3A_1321 = arith.constant 744 : index
    %swap3A_1322 = arith.constant 0 : index
    %swap3A_1323 = vector.load %arg6[%swap3A_1321, %swap3A_1322] : memref<1024x2304xi32, #tpu.memory_space<vmem>>, vector<8x2304xi32>
    tpu.vector_store %arg6[%swap3A_1321, %swap3A_1322], %bitcast_convert_type3A_1320 {strides = array<i32>} : memref<1024x2304xi32, #tpu.memory_space<vmem>>, vector<8x2304xi32>,
    %min3A_1324 = arith.minsi %min3A_1310, %bitcast_convert_type3A_1320 : vector<8x2304xi32>
    %slice3A_1325 = vector.extract_strided_slice %get3A_15 {offsets = [752, 0], sizes = [8, 1], strides = [1, 1]} : vector<1024x1xf32> to vector<8x1xf32>
    %add3A_1326 = vector.broadcast %get3A_12 : vector<1x2304xf32> to vector<8x2304xf32>
    %add3A_1327 = vector.broadcast %slice3A_1325 : vector<8x1xf32> to vector<8x2304xf32>
    %add3A_1328 = arith.addf %add3A_1326, %add3A_1327 : vector<8x2304xf32>
    %slice3A_1329 = vector.extract_strided_slice %dot_general3A_7 {offsets = [752, 0], sizes = [8, 2304], strides = [1, 1]} : vector<1024x2304xf32> to vector<8x2304xf32>
    %add3A_1330 = arith.addf %add3A_1328, %slice3A_1329 : vector<8x2304xf32>
    %max3A_1331 = arith.constant 0.000000e+00 : f32
    %max3A_1332 = vector.broadcast %max3A_1331 : f32 to vector<8x2304xf32>
    %max3A_1333 = arith.maximumf %add3A_1330, %max3A_1332 : vector<8x2304xf32>
    %bitcast_convert_type3A_1334 = tpu.bitcast %max3A_1333 : vector<8x2304xf32> -> vector<8x2304xi32>
    %swap3A_1335 = arith.constant 752 : index
    %swap3A_1336 = arith.constant 0 : index
    %swap3A_1337 = vector.load %arg6[%swap3A_1335, %swap3A_1336] : memref<1024x2304xi32, #tpu.memory_space<vmem>>, vector<8x2304xi32>
    tpu.vector_store %arg6[%swap3A_1335, %swap3A_1336], %bitcast_convert_type3A_1334 {strides = array<i32>} : memref<1024x2304xi32, #tpu.memory_space<vmem>>, vector<8x2304xi32>,
    %min3A_1338 = arith.minsi %min3A_1324, %bitcast_convert_type3A_1334 : vector<8x2304xi32>
    %slice3A_1339 = vector.extract_strided_slice %get3A_15 {offsets = [760, 0], sizes = [8, 1], strides = [1, 1]} : vector<1024x1xf32> to vector<8x1xf32>
    %add3A_1340 = vector.broadcast %get3A_12 : vector<1x2304xf32> to vector<8x2304xf32>
    %add3A_1341 = vector.broadcast %slice3A_1339 : vector<8x1xf32> to vector<8x2304xf32>
    %add3A_1342 = arith.addf %add3A_1340, %add3A_1341 : vector<8x2304xf32>
    %slice3A_1343 = vector.extract_strided_slice %dot_general3A_7 {offsets = [760, 0], sizes = [8, 2304], strides = [1, 1]} : vector<1024x2304xf32> to vector<8x2304xf32>
    %add3A_1344 = arith.addf %add3A_1342, %slice3A_1343 : vector<8x2304xf32>
    %max3A_1345 = arith.constant 0.000000e+00 : f32
    %max3A_1346 = vector.broadcast %max3A_1345 : f32 to vector<8x2304xf32>
    %max3A_1347 = arith.maximumf %add3A_1344, %max3A_1346 : vector<8x2304xf32>
    %bitcast_convert_type3A_1348 = tpu.bitcast %max3A_1347 : vector<8x2304xf32> -> vector<8x2304xi32>
    %swap3A_1349 = arith.constant 760 : index
    %swap3A_1350 = arith.constant 0 : index
    %swap3A_1351 = vector.load %arg6[%swap3A_1349, %swap3A_1350] : memref<1024x2304xi32, #tpu.memory_space<vmem>>, vector<8x2304xi32>
    tpu.vector_store %arg6[%swap3A_1349, %swap3A_1350], %bitcast_convert_type3A_1348 {strides = array<i32>} : memref<1024x2304xi32, #tpu.memory_space<vmem>>, vector<8x2304xi32>,
    %min3A_1352 = arith.minsi %min3A_1338, %bitcast_convert_type3A_1348 : vector<8x2304xi32>
    %slice3A_1353 = vector.extract_strided_slice %get3A_15 {offsets = [768, 0], sizes = [8, 1], strides = [1, 1]} : vector<1024x1xf32> to vector<8x1xf32>
    %add3A_1354 = vector.broadcast %get3A_12 : vector<1x2304xf32> to vector<8x2304xf32>
    %add3A_1355 = vector.broadcast %slice3A_1353 : vector<8x1xf32> to vector<8x2304xf32>
    %add3A_1356 = arith.addf %add3A_1354, %add3A_1355 : vector<8x2304xf32>
    %slice3A_1357 = vector.extract_strided_slice %dot_general3A_7 {offsets = [768, 0], sizes = [8, 2304], strides = [1, 1]} : vector<1024x2304xf32> to vector<8x2304xf32>
    %add3A_1358 = arith.addf %add3A_1356, %slice3A_1357 : vector<8x2304xf32>
    %max3A_1359 = arith.constant 0.000000e+00 : f32
    %max3A_1360 = vector.broadcast %max3A_1359 : f32 to vector<8x2304xf32>
    %max3A_1361 = arith.maximumf %add3A_1358, %max3A_1360 : vector<8x2304xf32>
    %bitcast_convert_type3A_1362 = tpu.bitcast %max3A_1361 : vector<8x2304xf32> -> vector<8x2304xi32>
    %swap3A_1363 = arith.constant 768 : index
    %swap3A_1364 = arith.constant 0 : index
    %swap3A_1365 = vector.load %arg6[%swap3A_1363, %swap3A_1364] : memref<1024x2304xi32, #tpu.memory_space<vmem>>, vector<8x2304xi32>
    tpu.vector_store %arg6[%swap3A_1363, %swap3A_1364], %bitcast_convert_type3A_1362 {strides = array<i32>} : memref<1024x2304xi32, #tpu.memory_space<vmem>>, vector<8x2304xi32>,
    %min3A_1366 = arith.minsi %min3A_1352, %bitcast_convert_type3A_1362 : vector<8x2304xi32>
    %slice3A_1367 = vector.extract_strided_slice %get3A_15 {offsets = [776, 0], sizes = [8, 1], strides = [1, 1]} : vector<1024x1xf32> to vector<8x1xf32>
    %add3A_1368 = vector.broadcast %get3A_12 : vector<1x2304xf32> to vector<8x2304xf32>
    %add3A_1369 = vector.broadcast %slice3A_1367 : vector<8x1xf32> to vector<8x2304xf32>
    %add3A_1370 = arith.addf %add3A_1368, %add3A_1369 : vector<8x2304xf32>
    %slice3A_1371 = vector.extract_strided_slice %dot_general3A_7 {offsets = [776, 0], sizes = [8, 2304], strides = [1, 1]} : vector<1024x2304xf32> to vector<8x2304xf32>
    %add3A_1372 = arith.addf %add3A_1370, %slice3A_1371 : vector<8x2304xf32>
    %max3A_1373 = arith.constant 0.000000e+00 : f32
    %max3A_1374 = vector.broadcast %max3A_1373 : f32 to vector<8x2304xf32>
    %max3A_1375 = arith.maximumf %add3A_1372, %max3A_1374 : vector<8x2304xf32>
    %bitcast_convert_type3A_1376 = tpu.bitcast %max3A_1375 : vector<8x2304xf32> -> vector<8x2304xi32>
    %swap3A_1377 = arith.constant 776 : index
    %swap3A_1378 = arith.constant 0 : index
    %swap3A_1379 = vector.load %arg6[%swap3A_1377, %swap3A_1378] : memref<1024x2304xi32, #tpu.memory_space<vmem>>, vector<8x2304xi32>
    tpu.vector_store %arg6[%swap3A_1377, %swap3A_1378], %bitcast_convert_type3A_1376 {strides = array<i32>} : memref<1024x2304xi32, #tpu.memory_space<vmem>>, vector<8x2304xi32>,
    %min3A_1380 = arith.minsi %min3A_1366, %bitcast_convert_type3A_1376 : vector<8x2304xi32>
    %slice3A_1381 = vector.extract_strided_slice %get3A_15 {offsets = [784, 0], sizes = [8, 1], strides = [1, 1]} : vector<1024x1xf32> to vector<8x1xf32>
    %add3A_1382 = vector.broadcast %get3A_12 : vector<1x2304xf32> to vector<8x2304xf32>
    %add3A_1383 = vector.broadcast %slice3A_1381 : vector<8x1xf32> to vector<8x2304xf32>
    %add3A_1384 = arith.addf %add3A_1382, %add3A_1383 : vector<8x2304xf32>
    %slice3A_1385 = vector.extract_strided_slice %dot_general3A_7 {offsets = [784, 0], sizes = [8, 2304], strides = [1, 1]} : vector<1024x2304xf32> to vector<8x2304xf32>
    %add3A_1386 = arith.addf %add3A_1384, %slice3A_1385 : vector<8x2304xf32>
    %max3A_1387 = arith.constant 0.000000e+00 : f32
    %max3A_1388 = vector.broadcast %max3A_1387 : f32 to vector<8x2304xf32>
    %max3A_1389 = arith.maximumf %add3A_1386, %max3A_1388 : vector<8x2304xf32>
    %bitcast_convert_type3A_1390 = tpu.bitcast %max3A_1389 : vector<8x2304xf32> -> vector<8x2304xi32>
    %swap3A_1391 = arith.constant 784 : index
    %swap3A_1392 = arith.constant 0 : index
    %swap3A_1393 = vector.load %arg6[%swap3A_1391, %swap3A_1392] : memref<1024x2304xi32, #tpu.memory_space<vmem>>, vector<8x2304xi32>
    tpu.vector_store %arg6[%swap3A_1391, %swap3A_1392], %bitcast_convert_type3A_1390 {strides = array<i32>} : memref<1024x2304xi32, #tpu.memory_space<vmem>>, vector<8x2304xi32>,
    %min3A_1394 = arith.minsi %min3A_1380, %bitcast_convert_type3A_1390 : vector<8x2304xi32>
    %slice3A_1395 = vector.extract_strided_slice %get3A_15 {offsets = [792, 0], sizes = [8, 1], strides = [1, 1]} : vector<1024x1xf32> to vector<8x1xf32>
    %add3A_1396 = vector.broadcast %get3A_12 : vector<1x2304xf32> to vector<8x2304xf32>
    %add3A_1397 = vector.broadcast %slice3A_1395 : vector<8x1xf32> to vector<8x2304xf32>
    %add3A_1398 = arith.addf %add3A_1396, %add3A_1397 : vector<8x2304xf32>
    %slice3A_1399 = vector.extract_strided_slice %dot_general3A_7 {offsets = [792, 0], sizes = [8, 2304], strides = [1, 1]} : vector<1024x2304xf32> to vector<8x2304xf32>
    %add3A_1400 = arith.addf %add3A_1398, %slice3A_1399 : vector<8x2304xf32>
    %max3A_1401 = arith.constant 0.000000e+00 : f32
    %max3A_1402 = vector.broadcast %max3A_1401 : f32 to vector<8x2304xf32>
    %max3A_1403 = arith.maximumf %add3A_1400, %max3A_1402 : vector<8x2304xf32>
    %bitcast_convert_type3A_1404 = tpu.bitcast %max3A_1403 : vector<8x2304xf32> -> vector<8x2304xi32>
    %swap3A_1405 = arith.constant 792 : index
    %swap3A_1406 = arith.constant 0 : index
    %swap3A_1407 = vector.load %arg6[%swap3A_1405, %swap3A_1406] : memref<1024x2304xi32, #tpu.memory_space<vmem>>, vector<8x2304xi32>
    tpu.vector_store %arg6[%swap3A_1405, %swap3A_1406], %bitcast_convert_type3A_1404 {strides = array<i32>} : memref<1024x2304xi32, #tpu.memory_space<vmem>>, vector<8x2304xi32>,
    %min3A_1408 = arith.minsi %min3A_1394, %bitcast_convert_type3A_1404 : vector<8x2304xi32>
    %slice3A_1409 = vector.extract_strided_slice %get3A_15 {offsets = [800, 0], sizes = [8, 1], strides = [1, 1]} : vector<1024x1xf32> to vector<8x1xf32>
    %add3A_1410 = vector.broadcast %get3A_12 : vector<1x2304xf32> to vector<8x2304xf32>
    %add3A_1411 = vector.broadcast %slice3A_1409 : vector<8x1xf32> to vector<8x2304xf32>
    %add3A_1412 = arith.addf %add3A_1410, %add3A_1411 : vector<8x2304xf32>
    %slice3A_1413 = vector.extract_strided_slice %dot_general3A_7 {offsets = [800, 0], sizes = [8, 2304], strides = [1, 1]} : vector<1024x2304xf32> to vector<8x2304xf32>
    %add3A_1414 = arith.addf %add3A_1412, %slice3A_1413 : vector<8x2304xf32>
    %max3A_1415 = arith.constant 0.000000e+00 : f32
    %max3A_1416 = vector.broadcast %max3A_1415 : f32 to vector<8x2304xf32>
    %max3A_1417 = arith.maximumf %add3A_1414, %max3A_1416 : vector<8x2304xf32>
    %bitcast_convert_type3A_1418 = tpu.bitcast %max3A_1417 : vector<8x2304xf32> -> vector<8x2304xi32>
    %swap3A_1419 = arith.constant 800 : index
    %swap3A_1420 = arith.constant 0 : index
    %swap3A_1421 = vector.load %arg6[%swap3A_1419, %swap3A_1420] : memref<1024x2304xi32, #tpu.memory_space<vmem>>, vector<8x2304xi32>
    tpu.vector_store %arg6[%swap3A_1419, %swap3A_1420], %bitcast_convert_type3A_1418 {strides = array<i32>} : memref<1024x2304xi32, #tpu.memory_space<vmem>>, vector<8x2304xi32>,
    %min3A_1422 = arith.minsi %min3A_1408, %bitcast_convert_type3A_1418 : vector<8x2304xi32>
    %slice3A_1423 = vector.extract_strided_slice %get3A_15 {offsets = [808, 0], sizes = [8, 1], strides = [1, 1]} : vector<1024x1xf32> to vector<8x1xf32>
    %add3A_1424 = vector.broadcast %get3A_12 : vector<1x2304xf32> to vector<8x2304xf32>
    %add3A_1425 = vector.broadcast %slice3A_1423 : vector<8x1xf32> to vector<8x2304xf32>
    %add3A_1426 = arith.addf %add3A_1424, %add3A_1425 : vector<8x2304xf32>
    %slice3A_1427 = vector.extract_strided_slice %dot_general3A_7 {offsets = [808, 0], sizes = [8, 2304], strides = [1, 1]} : vector<1024x2304xf32> to vector<8x2304xf32>
    %add3A_1428 = arith.addf %add3A_1426, %slice3A_1427 : vector<8x2304xf32>
    %max3A_1429 = arith.constant 0.000000e+00 : f32
    %max3A_1430 = vector.broadcast %max3A_1429 : f32 to vector<8x2304xf32>
    %max3A_1431 = arith.maximumf %add3A_1428, %max3A_1430 : vector<8x2304xf32>
    %bitcast_convert_type3A_1432 = tpu.bitcast %max3A_1431 : vector<8x2304xf32> -> vector<8x2304xi32>
    %swap3A_1433 = arith.constant 808 : index
    %swap3A_1434 = arith.constant 0 : index
    %swap3A_1435 = vector.load %arg6[%swap3A_1433, %swap3A_1434] : memref<1024x2304xi32, #tpu.memory_space<vmem>>, vector<8x2304xi32>
    tpu.vector_store %arg6[%swap3A_1433, %swap3A_1434], %bitcast_convert_type3A_1432 {strides = array<i32>} : memref<1024x2304xi32, #tpu.memory_space<vmem>>, vector<8x2304xi32>,
    %min3A_1436 = arith.minsi %min3A_1422, %bitcast_convert_type3A_1432 : vector<8x2304xi32>
    %slice3A_1437 = vector.extract_strided_slice %get3A_15 {offsets = [816, 0], sizes = [8, 1], strides = [1, 1]} : vector<1024x1xf32> to vector<8x1xf32>
    %add3A_1438 = vector.broadcast %get3A_12 : vector<1x2304xf32> to vector<8x2304xf32>
    %add3A_1439 = vector.broadcast %slice3A_1437 : vector<8x1xf32> to vector<8x2304xf32>
    %add3A_1440 = arith.addf %add3A_1438, %add3A_1439 : vector<8x2304xf32>
    %slice3A_1441 = vector.extract_strided_slice %dot_general3A_7 {offsets = [816, 0], sizes = [8, 2304], strides = [1, 1]} : vector<1024x2304xf32> to vector<8x2304xf32>
    %add3A_1442 = arith.addf %add3A_1440, %slice3A_1441 : vector<8x2304xf32>
    %max3A_1443 = arith.constant 0.000000e+00 : f32
    %max3A_1444 = vector.broadcast %max3A_1443 : f32 to vector<8x2304xf32>
    %max3A_1445 = arith.maximumf %add3A_1442, %max3A_1444 : vector<8x2304xf32>
    %bitcast_convert_type3A_1446 = tpu.bitcast %max3A_1445 : vector<8x2304xf32> -> vector<8x2304xi32>
    %swap3A_1447 = arith.constant 816 : index
    %swap3A_1448 = arith.constant 0 : index
    %swap3A_1449 = vector.load %arg6[%swap3A_1447, %swap3A_1448] : memref<1024x2304xi32, #tpu.memory_space<vmem>>, vector<8x2304xi32>
    tpu.vector_store %arg6[%swap3A_1447, %swap3A_1448], %bitcast_convert_type3A_1446 {strides = array<i32>} : memref<1024x2304xi32, #tpu.memory_space<vmem>>, vector<8x2304xi32>,
    %min3A_1450 = arith.minsi %min3A_1436, %bitcast_convert_type3A_1446 : vector<8x2304xi32>
    %slice3A_1451 = vector.extract_strided_slice %get3A_15 {offsets = [824, 0], sizes = [8, 1], strides = [1, 1]} : vector<1024x1xf32> to vector<8x1xf32>
    %add3A_1452 = vector.broadcast %get3A_12 : vector<1x2304xf32> to vector<8x2304xf32>
    %add3A_1453 = vector.broadcast %slice3A_1451 : vector<8x1xf32> to vector<8x2304xf32>
    %add3A_1454 = arith.addf %add3A_1452, %add3A_1453 : vector<8x2304xf32>
    %slice3A_1455 = vector.extract_strided_slice %dot_general3A_7 {offsets = [824, 0], sizes = [8, 2304], strides = [1, 1]} : vector<1024x2304xf32> to vector<8x2304xf32>
    %add3A_1456 = arith.addf %add3A_1454, %slice3A_1455 : vector<8x2304xf32>
    %max3A_1457 = arith.constant 0.000000e+00 : f32
    %max3A_1458 = vector.broadcast %max3A_1457 : f32 to vector<8x2304xf32>
    %max3A_1459 = arith.maximumf %add3A_1456, %max3A_1458 : vector<8x2304xf32>
    %bitcast_convert_type3A_1460 = tpu.bitcast %max3A_1459 : vector<8x2304xf32> -> vector<8x2304xi32>
    %swap3A_1461 = arith.constant 824 : index
    %swap3A_1462 = arith.constant 0 : index
    %swap3A_1463 = vector.load %arg6[%swap3A_1461, %swap3A_1462] : memref<1024x2304xi32, #tpu.memory_space<vmem>>, vector<8x2304xi32>
    tpu.vector_store %arg6[%swap3A_1461, %swap3A_1462], %bitcast_convert_type3A_1460 {strides = array<i32>} : memref<1024x2304xi32, #tpu.memory_space<vmem>>, vector<8x2304xi32>,
    %min3A_1464 = arith.minsi %min3A_1450, %bitcast_convert_type3A_1460 : vector<8x2304xi32>
    %slice3A_1465 = vector.extract_strided_slice %get3A_15 {offsets = [832, 0], sizes = [8, 1], strides = [1, 1]} : vector<1024x1xf32> to vector<8x1xf32>
    %add3A_1466 = vector.broadcast %get3A_12 : vector<1x2304xf32> to vector<8x2304xf32>
    %add3A_1467 = vector.broadcast %slice3A_1465 : vector<8x1xf32> to vector<8x2304xf32>
    %add3A_1468 = arith.addf %add3A_1466, %add3A_1467 : vector<8x2304xf32>
    %slice3A_1469 = vector.extract_strided_slice %dot_general3A_7 {offsets = [832, 0], sizes = [8, 2304], strides = [1, 1]} : vector<1024x2304xf32> to vector<8x2304xf32>
    %add3A_1470 = arith.addf %add3A_1468, %slice3A_1469 : vector<8x2304xf32>
    %max3A_1471 = arith.constant 0.000000e+00 : f32
    %max3A_1472 = vector.broadcast %max3A_1471 : f32 to vector<8x2304xf32>
    %max3A_1473 = arith.maximumf %add3A_1470, %max3A_1472 : vector<8x2304xf32>
    %bitcast_convert_type3A_1474 = tpu.bitcast %max3A_1473 : vector<8x2304xf32> -> vector<8x2304xi32>
    %swap3A_1475 = arith.constant 832 : index
    %swap3A_1476 = arith.constant 0 : index
    %swap3A_1477 = vector.load %arg6[%swap3A_1475, %swap3A_1476] : memref<1024x2304xi32, #tpu.memory_space<vmem>>, vector<8x2304xi32>
    tpu.vector_store %arg6[%swap3A_1475, %swap3A_1476], %bitcast_convert_type3A_1474 {strides = array<i32>} : memref<1024x2304xi32, #tpu.memory_space<vmem>>, vector<8x2304xi32>,
    %min3A_1478 = arith.minsi %min3A_1464, %bitcast_convert_type3A_1474 : vector<8x2304xi32>
    %slice3A_1479 = vector.extract_strided_slice %get3A_15 {offsets = [840, 0], sizes = [8, 1], strides = [1, 1]} : vector<1024x1xf32> to vector<8x1xf32>
    %add3A_1480 = vector.broadcast %get3A_12 : vector<1x2304xf32> to vector<8x2304xf32>
    %add3A_1481 = vector.broadcast %slice3A_1479 : vector<8x1xf32> to vector<8x2304xf32>
    %add3A_1482 = arith.addf %add3A_1480, %add3A_1481 : vector<8x2304xf32>
    %slice3A_1483 = vector.extract_strided_slice %dot_general3A_7 {offsets = [840, 0], sizes = [8, 2304], strides = [1, 1]} : vector<1024x2304xf32> to vector<8x2304xf32>
    %add3A_1484 = arith.addf %add3A_1482, %slice3A_1483 : vector<8x2304xf32>
    %max3A_1485 = arith.constant 0.000000e+00 : f32
    %max3A_1486 = vector.broadcast %max3A_1485 : f32 to vector<8x2304xf32>
    %max3A_1487 = arith.maximumf %add3A_1484, %max3A_1486 : vector<8x2304xf32>
    %bitcast_convert_type3A_1488 = tpu.bitcast %max3A_1487 : vector<8x2304xf32> -> vector<8x2304xi32>
    %swap3A_1489 = arith.constant 840 : index
    %swap3A_1490 = arith.constant 0 : index
    %swap3A_1491 = vector.load %arg6[%swap3A_1489, %swap3A_1490] : memref<1024x2304xi32, #tpu.memory_space<vmem>>, vector<8x2304xi32>
    tpu.vector_store %arg6[%swap3A_1489, %swap3A_1490], %bitcast_convert_type3A_1488 {strides = array<i32>} : memref<1024x2304xi32, #tpu.memory_space<vmem>>, vector<8x2304xi32>,
    %min3A_1492 = arith.minsi %min3A_1478, %bitcast_convert_type3A_1488 : vector<8x2304xi32>
    %slice3A_1493 = vector.extract_strided_slice %get3A_15 {offsets = [848, 0], sizes = [8, 1], strides = [1, 1]} : vector<1024x1xf32> to vector<8x1xf32>
    %add3A_1494 = vector.broadcast %get3A_12 : vector<1x2304xf32> to vector<8x2304xf32>
    %add3A_1495 = vector.broadcast %slice3A_1493 : vector<8x1xf32> to vector<8x2304xf32>
    %add3A_1496 = arith.addf %add3A_1494, %add3A_1495 : vector<8x2304xf32>
    %slice3A_1497 = vector.extract_strided_slice %dot_general3A_7 {offsets = [848, 0], sizes = [8, 2304], strides = [1, 1]} : vector<1024x2304xf32> to vector<8x2304xf32>
    %add3A_1498 = arith.addf %add3A_1496, %slice3A_1497 : vector<8x2304xf32>
    %max3A_1499 = arith.constant 0.000000e+00 : f32
    %max3A_1500 = vector.broadcast %max3A_1499 : f32 to vector<8x2304xf32>
    %max3A_1501 = arith.maximumf %add3A_1498, %max3A_1500 : vector<8x2304xf32>
    %bitcast_convert_type3A_1502 = tpu.bitcast %max3A_1501 : vector<8x2304xf32> -> vector<8x2304xi32>
    %swap3A_1503 = arith.constant 848 : index
    %swap3A_1504 = arith.constant 0 : index
    %swap3A_1505 = vector.load %arg6[%swap3A_1503, %swap3A_1504] : memref<1024x2304xi32, #tpu.memory_space<vmem>>, vector<8x2304xi32>
    tpu.vector_store %arg6[%swap3A_1503, %swap3A_1504], %bitcast_convert_type3A_1502 {strides = array<i32>} : memref<1024x2304xi32, #tpu.memory_space<vmem>>, vector<8x2304xi32>,
    %min3A_1506 = arith.minsi %min3A_1492, %bitcast_convert_type3A_1502 : vector<8x2304xi32>
    %slice3A_1507 = vector.extract_strided_slice %get3A_15 {offsets = [856, 0], sizes = [8, 1], strides = [1, 1]} : vector<1024x1xf32> to vector<8x1xf32>
    %add3A_1508 = vector.broadcast %get3A_12 : vector<1x2304xf32> to vector<8x2304xf32>
    %add3A_1509 = vector.broadcast %slice3A_1507 : vector<8x1xf32> to vector<8x2304xf32>
    %add3A_1510 = arith.addf %add3A_1508, %add3A_1509 : vector<8x2304xf32>
    %slice3A_1511 = vector.extract_strided_slice %dot_general3A_7 {offsets = [856, 0], sizes = [8, 2304], strides = [1, 1]} : vector<1024x2304xf32> to vector<8x2304xf32>
    %add3A_1512 = arith.addf %add3A_1510, %slice3A_1511 : vector<8x2304xf32>
    %max3A_1513 = arith.constant 0.000000e+00 : f32
    %max3A_1514 = vector.broadcast %max3A_1513 : f32 to vector<8x2304xf32>
    %max3A_1515 = arith.maximumf %add3A_1512, %max3A_1514 : vector<8x2304xf32>
    %bitcast_convert_type3A_1516 = tpu.bitcast %max3A_1515 : vector<8x2304xf32> -> vector<8x2304xi32>
    %swap3A_1517 = arith.constant 856 : index
    %swap3A_1518 = arith.constant 0 : index
    %swap3A_1519 = vector.load %arg6[%swap3A_1517, %swap3A_1518] : memref<1024x2304xi32, #tpu.memory_space<vmem>>, vector<8x2304xi32>
    tpu.vector_store %arg6[%swap3A_1517, %swap3A_1518], %bitcast_convert_type3A_1516 {strides = array<i32>} : memref<1024x2304xi32, #tpu.memory_space<vmem>>, vector<8x2304xi32>,
    %min3A_1520 = arith.minsi %min3A_1506, %bitcast_convert_type3A_1516 : vector<8x2304xi32>
    %slice3A_1521 = vector.extract_strided_slice %get3A_15 {offsets = [864, 0], sizes = [8, 1], strides = [1, 1]} : vector<1024x1xf32> to vector<8x1xf32>
    %add3A_1522 = vector.broadcast %get3A_12 : vector<1x2304xf32> to vector<8x2304xf32>
    %add3A_1523 = vector.broadcast %slice3A_1521 : vector<8x1xf32> to vector<8x2304xf32>
    %add3A_1524 = arith.addf %add3A_1522, %add3A_1523 : vector<8x2304xf32>
    %slice3A_1525 = vector.extract_strided_slice %dot_general3A_7 {offsets = [864, 0], sizes = [8, 2304], strides = [1, 1]} : vector<1024x2304xf32> to vector<8x2304xf32>
    %add3A_1526 = arith.addf %add3A_1524, %slice3A_1525 : vector<8x2304xf32>
    %max3A_1527 = arith.constant 0.000000e+00 : f32
    %max3A_1528 = vector.broadcast %max3A_1527 : f32 to vector<8x2304xf32>
    %max3A_1529 = arith.maximumf %add3A_1526, %max3A_1528 : vector<8x2304xf32>
    %bitcast_convert_type3A_1530 = tpu.bitcast %max3A_1529 : vector<8x2304xf32> -> vector<8x2304xi32>
    %swap3A_1531 = arith.constant 864 : index
    %swap3A_1532 = arith.constant 0 : index
    %swap3A_1533 = vector.load %arg6[%swap3A_1531, %swap3A_1532] : memref<1024x2304xi32, #tpu.memory_space<vmem>>, vector<8x2304xi32>
    tpu.vector_store %arg6[%swap3A_1531, %swap3A_1532], %bitcast_convert_type3A_1530 {strides = array<i32>} : memref<1024x2304xi32, #tpu.memory_space<vmem>>, vector<8x2304xi32>,
    %min3A_1534 = arith.minsi %min3A_1520, %bitcast_convert_type3A_1530 : vector<8x2304xi32>
    %slice3A_1535 = vector.extract_strided_slice %get3A_15 {offsets = [872, 0], sizes = [8, 1], strides = [1, 1]} : vector<1024x1xf32> to vector<8x1xf32>
    %add3A_1536 = vector.broadcast %get3A_12 : vector<1x2304xf32> to vector<8x2304xf32>
    %add3A_1537 = vector.broadcast %slice3A_1535 : vector<8x1xf32> to vector<8x2304xf32>
    %add3A_1538 = arith.addf %add3A_1536, %add3A_1537 : vector<8x2304xf32>
    %slice3A_1539 = vector.extract_strided_slice %dot_general3A_7 {offsets = [872, 0], sizes = [8, 2304], strides = [1, 1]} : vector<1024x2304xf32> to vector<8x2304xf32>
    %add3A_1540 = arith.addf %add3A_1538, %slice3A_1539 : vector<8x2304xf32>
    %max3A_1541 = arith.constant 0.000000e+00 : f32
    %max3A_1542 = vector.broadcast %max3A_1541 : f32 to vector<8x2304xf32>
    %max3A_1543 = arith.maximumf %add3A_1540, %max3A_1542 : vector<8x2304xf32>
    %bitcast_convert_type3A_1544 = tpu.bitcast %max3A_1543 : vector<8x2304xf32> -> vector<8x2304xi32>
    %swap3A_1545 = arith.constant 872 : index
    %swap3A_1546 = arith.constant 0 : index
    %swap3A_1547 = vector.load %arg6[%swap3A_1545, %swap3A_1546] : memref<1024x2304xi32, #tpu.memory_space<vmem>>, vector<8x2304xi32>
    tpu.vector_store %arg6[%swap3A_1545, %swap3A_1546], %bitcast_convert_type3A_1544 {strides = array<i32>} : memref<1024x2304xi32, #tpu.memory_space<vmem>>, vector<8x2304xi32>,
    %min3A_1548 = arith.minsi %min3A_1534, %bitcast_convert_type3A_1544 : vector<8x2304xi32>
    %slice3A_1549 = vector.extract_strided_slice %get3A_15 {offsets = [880, 0], sizes = [8, 1], strides = [1, 1]} : vector<1024x1xf32> to vector<8x1xf32>
    %add3A_1550 = vector.broadcast %get3A_12 : vector<1x2304xf32> to vector<8x2304xf32>
    %add3A_1551 = vector.broadcast %slice3A_1549 : vector<8x1xf32> to vector<8x2304xf32>
    %add3A_1552 = arith.addf %add3A_1550, %add3A_1551 : vector<8x2304xf32>
    %slice3A_1553 = vector.extract_strided_slice %dot_general3A_7 {offsets = [880, 0], sizes = [8, 2304], strides = [1, 1]} : vector<1024x2304xf32> to vector<8x2304xf32>
    %add3A_1554 = arith.addf %add3A_1552, %slice3A_1553 : vector<8x2304xf32>
    %max3A_1555 = arith.constant 0.000000e+00 : f32
    %max3A_1556 = vector.broadcast %max3A_1555 : f32 to vector<8x2304xf32>
    %max3A_1557 = arith.maximumf %add3A_1554, %max3A_1556 : vector<8x2304xf32>
    %bitcast_convert_type3A_1558 = tpu.bitcast %max3A_1557 : vector<8x2304xf32> -> vector<8x2304xi32>
    %swap3A_1559 = arith.constant 880 : index
    %swap3A_1560 = arith.constant 0 : index
    %swap3A_1561 = vector.load %arg6[%swap3A_1559, %swap3A_1560] : memref<1024x2304xi32, #tpu.memory_space<vmem>>, vector<8x2304xi32>
    tpu.vector_store %arg6[%swap3A_1559, %swap3A_1560], %bitcast_convert_type3A_1558 {strides = array<i32>} : memref<1024x2304xi32, #tpu.memory_space<vmem>>, vector<8x2304xi32>,
    %min3A_1562 = arith.minsi %min3A_1548, %bitcast_convert_type3A_1558 : vector<8x2304xi32>
    %slice3A_1563 = vector.extract_strided_slice %get3A_15 {offsets = [888, 0], sizes = [8, 1], strides = [1, 1]} : vector<1024x1xf32> to vector<8x1xf32>
    %add3A_1564 = vector.broadcast %get3A_12 : vector<1x2304xf32> to vector<8x2304xf32>
    %add3A_1565 = vector.broadcast %slice3A_1563 : vector<8x1xf32> to vector<8x2304xf32>
    %add3A_1566 = arith.addf %add3A_1564, %add3A_1565 : vector<8x2304xf32>
    %slice3A_1567 = vector.extract_strided_slice %dot_general3A_7 {offsets = [888, 0], sizes = [8, 2304], strides = [1, 1]} : vector<1024x2304xf32> to vector<8x2304xf32>
    %add3A_1568 = arith.addf %add3A_1566, %slice3A_1567 : vector<8x2304xf32>
    %max3A_1569 = arith.constant 0.000000e+00 : f32
    %max3A_1570 = vector.broadcast %max3A_1569 : f32 to vector<8x2304xf32>
    %max3A_1571 = arith.maximumf %add3A_1568, %max3A_1570 : vector<8x2304xf32>
    %bitcast_convert_type3A_1572 = tpu.bitcast %max3A_1571 : vector<8x2304xf32> -> vector<8x2304xi32>
    %swap3A_1573 = arith.constant 888 : index
    %swap3A_1574 = arith.constant 0 : index
    %swap3A_1575 = vector.load %arg6[%swap3A_1573, %swap3A_1574] : memref<1024x2304xi32, #tpu.memory_space<vmem>>, vector<8x2304xi32>
    tpu.vector_store %arg6[%swap3A_1573, %swap3A_1574], %bitcast_convert_type3A_1572 {strides = array<i32>} : memref<1024x2304xi32, #tpu.memory_space<vmem>>, vector<8x2304xi32>,
    %min3A_1576 = arith.minsi %min3A_1562, %bitcast_convert_type3A_1572 : vector<8x2304xi32>
    %slice3A_1577 = vector.extract_strided_slice %get3A_15 {offsets = [896, 0], sizes = [8, 1], strides = [1, 1]} : vector<1024x1xf32> to vector<8x1xf32>
    %add3A_1578 = vector.broadcast %get3A_12 : vector<1x2304xf32> to vector<8x2304xf32>
    %add3A_1579 = vector.broadcast %slice3A_1577 : vector<8x1xf32> to vector<8x2304xf32>
    %add3A_1580 = arith.addf %add3A_1578, %add3A_1579 : vector<8x2304xf32>
    %slice3A_1581 = vector.extract_strided_slice %dot_general3A_7 {offsets = [896, 0], sizes = [8, 2304], strides = [1, 1]} : vector<1024x2304xf32> to vector<8x2304xf32>
    %add3A_1582 = arith.addf %add3A_1580, %slice3A_1581 : vector<8x2304xf32>
    %max3A_1583 = arith.constant 0.000000e+00 : f32
    %max3A_1584 = vector.broadcast %max3A_1583 : f32 to vector<8x2304xf32>
    %max3A_1585 = arith.maximumf %add3A_1582, %max3A_1584 : vector<8x2304xf32>
    %bitcast_convert_type3A_1586 = tpu.bitcast %max3A_1585 : vector<8x2304xf32> -> vector<8x2304xi32>
    %swap3A_1587 = arith.constant 896 : index
    %swap3A_1588 = arith.constant 0 : index
    %swap3A_1589 = vector.load %arg6[%swap3A_1587, %swap3A_1588] : memref<1024x2304xi32, #tpu.memory_space<vmem>>, vector<8x2304xi32>
    tpu.vector_store %arg6[%swap3A_1587, %swap3A_1588], %bitcast_convert_type3A_1586 {strides = array<i32>} : memref<1024x2304xi32, #tpu.memory_space<vmem>>, vector<8x2304xi32>,
    %min3A_1590 = arith.minsi %min3A_1576, %bitcast_convert_type3A_1586 : vector<8x2304xi32>
    %slice3A_1591 = vector.extract_strided_slice %get3A_15 {offsets = [904, 0], sizes = [8, 1], strides = [1, 1]} : vector<1024x1xf32> to vector<8x1xf32>
    %add3A_1592 = vector.broadcast %get3A_12 : vector<1x2304xf32> to vector<8x2304xf32>
    %add3A_1593 = vector.broadcast %slice3A_1591 : vector<8x1xf32> to vector<8x2304xf32>
    %add3A_1594 = arith.addf %add3A_1592, %add3A_1593 : vector<8x2304xf32>
    %slice3A_1595 = vector.extract_strided_slice %dot_general3A_7 {offsets = [904, 0], sizes = [8, 2304], strides = [1, 1]} : vector<1024x2304xf32> to vector<8x2304xf32>
    %add3A_1596 = arith.addf %add3A_1594, %slice3A_1595 : vector<8x2304xf32>
    %max3A_1597 = arith.constant 0.000000e+00 : f32
    %max3A_1598 = vector.broadcast %max3A_1597 : f32 to vector<8x2304xf32>
    %max3A_1599 = arith.maximumf %add3A_1596, %max3A_1598 : vector<8x2304xf32>
    %bitcast_convert_type3A_1600 = tpu.bitcast %max3A_1599 : vector<8x2304xf32> -> vector<8x2304xi32>
    %swap3A_1601 = arith.constant 904 : index
    %swap3A_1602 = arith.constant 0 : index
    %swap3A_1603 = vector.load %arg6[%swap3A_1601, %swap3A_1602] : memref<1024x2304xi32, #tpu.memory_space<vmem>>, vector<8x2304xi32>
    tpu.vector_store %arg6[%swap3A_1601, %swap3A_1602], %bitcast_convert_type3A_1600 {strides = array<i32>} : memref<1024x2304xi32, #tpu.memory_space<vmem>>, vector<8x2304xi32>,
    %min3A_1604 = arith.minsi %min3A_1590, %bitcast_convert_type3A_1600 : vector<8x2304xi32>
    %slice3A_1605 = vector.extract_strided_slice %get3A_15 {offsets = [912, 0], sizes = [8, 1], strides = [1, 1]} : vector<1024x1xf32> to vector<8x1xf32>
    %add3A_1606 = vector.broadcast %get3A_12 : vector<1x2304xf32> to vector<8x2304xf32>
    %add3A_1607 = vector.broadcast %slice3A_1605 : vector<8x1xf32> to vector<8x2304xf32>
    %add3A_1608 = arith.addf %add3A_1606, %add3A_1607 : vector<8x2304xf32>
    %slice3A_1609 = vector.extract_strided_slice %dot_general3A_7 {offsets = [912, 0], sizes = [8, 2304], strides = [1, 1]} : vector<1024x2304xf32> to vector<8x2304xf32>
    %add3A_1610 = arith.addf %add3A_1608, %slice3A_1609 : vector<8x2304xf32>
    %max3A_1611 = arith.constant 0.000000e+00 : f32
    %max3A_1612 = vector.broadcast %max3A_1611 : f32 to vector<8x2304xf32>
    %max3A_1613 = arith.maximumf %add3A_1610, %max3A_1612 : vector<8x2304xf32>
    %bitcast_convert_type3A_1614 = tpu.bitcast %max3A_1613 : vector<8x2304xf32> -> vector<8x2304xi32>
    %swap3A_1615 = arith.constant 912 : index
    %swap3A_1616 = arith.constant 0 : index
    %swap3A_1617 = vector.load %arg6[%swap3A_1615, %swap3A_1616] : memref<1024x2304xi32, #tpu.memory_space<vmem>>, vector<8x2304xi32>
    tpu.vector_store %arg6[%swap3A_1615, %swap3A_1616], %bitcast_convert_type3A_1614 {strides = array<i32>} : memref<1024x2304xi32, #tpu.memory_space<vmem>>, vector<8x2304xi32>,
    %min3A_1618 = arith.minsi %min3A_1604, %bitcast_convert_type3A_1614 : vector<8x2304xi32>
    %slice3A_1619 = vector.extract_strided_slice %get3A_15 {offsets = [920, 0], sizes = [8, 1], strides = [1, 1]} : vector<1024x1xf32> to vector<8x1xf32>
    %add3A_1620 = vector.broadcast %get3A_12 : vector<1x2304xf32> to vector<8x2304xf32>
    %add3A_1621 = vector.broadcast %slice3A_1619 : vector<8x1xf32> to vector<8x2304xf32>
    %add3A_1622 = arith.addf %add3A_1620, %add3A_1621 : vector<8x2304xf32>
    %slice3A_1623 = vector.extract_strided_slice %dot_general3A_7 {offsets = [920, 0], sizes = [8, 2304], strides = [1, 1]} : vector<1024x2304xf32> to vector<8x2304xf32>
    %add3A_1624 = arith.addf %add3A_1622, %slice3A_1623 : vector<8x2304xf32>
    %max3A_1625 = arith.constant 0.000000e+00 : f32
    %max3A_1626 = vector.broadcast %max3A_1625 : f32 to vector<8x2304xf32>
    %max3A_1627 = arith.maximumf %add3A_1624, %max3A_1626 : vector<8x2304xf32>
    %bitcast_convert_type3A_1628 = tpu.bitcast %max3A_1627 : vector<8x2304xf32> -> vector<8x2304xi32>
    %swap3A_1629 = arith.constant 920 : index
    %swap3A_1630 = arith.constant 0 : index
    %swap3A_1631 = vector.load %arg6[%swap3A_1629, %swap3A_1630] : memref<1024x2304xi32, #tpu.memory_space<vmem>>, vector<8x2304xi32>
    tpu.vector_store %arg6[%swap3A_1629, %swap3A_1630], %bitcast_convert_type3A_1628 {strides = array<i32>} : memref<1024x2304xi32, #tpu.memory_space<vmem>>, vector<8x2304xi32>,
    %min3A_1632 = arith.minsi %min3A_1618, %bitcast_convert_type3A_1628 : vector<8x2304xi32>
    %slice3A_1633 = vector.extract_strided_slice %get3A_15 {offsets = [928, 0], sizes = [8, 1], strides = [1, 1]} : vector<1024x1xf32> to vector<8x1xf32>
    %add3A_1634 = vector.broadcast %get3A_12 : vector<1x2304xf32> to vector<8x2304xf32>
    %add3A_1635 = vector.broadcast %slice3A_1633 : vector<8x1xf32> to vector<8x2304xf32>
    %add3A_1636 = arith.addf %add3A_1634, %add3A_1635 : vector<8x2304xf32>
    %slice3A_1637 = vector.extract_strided_slice %dot_general3A_7 {offsets = [928, 0], sizes = [8, 2304], strides = [1, 1]} : vector<1024x2304xf32> to vector<8x2304xf32>
    %add3A_1638 = arith.addf %add3A_1636, %slice3A_1637 : vector<8x2304xf32>
    %max3A_1639 = arith.constant 0.000000e+00 : f32
    %max3A_1640 = vector.broadcast %max3A_1639 : f32 to vector<8x2304xf32>
    %max3A_1641 = arith.maximumf %add3A_1638, %max3A_1640 : vector<8x2304xf32>
    %bitcast_convert_type3A_1642 = tpu.bitcast %max3A_1641 : vector<8x2304xf32> -> vector<8x2304xi32>
    %swap3A_1643 = arith.constant 928 : index
    %swap3A_1644 = arith.constant 0 : index
    %swap3A_1645 = vector.load %arg6[%swap3A_1643, %swap3A_1644] : memref<1024x2304xi32, #tpu.memory_space<vmem>>, vector<8x2304xi32>
    tpu.vector_store %arg6[%swap3A_1643, %swap3A_1644], %bitcast_convert_type3A_1642 {strides = array<i32>} : memref<1024x2304xi32, #tpu.memory_space<vmem>>, vector<8x2304xi32>,
    %min3A_1646 = arith.minsi %min3A_1632, %bitcast_convert_type3A_1642 : vector<8x2304xi32>
    %slice3A_1647 = vector.extract_strided_slice %get3A_15 {offsets = [936, 0], sizes = [8, 1], strides = [1, 1]} : vector<1024x1xf32> to vector<8x1xf32>
    %add3A_1648 = vector.broadcast %get3A_12 : vector<1x2304xf32> to vector<8x2304xf32>
    %add3A_1649 = vector.broadcast %slice3A_1647 : vector<8x1xf32> to vector<8x2304xf32>
    %add3A_1650 = arith.addf %add3A_1648, %add3A_1649 : vector<8x2304xf32>
    %slice3A_1651 = vector.extract_strided_slice %dot_general3A_7 {offsets = [936, 0], sizes = [8, 2304], strides = [1, 1]} : vector<1024x2304xf32> to vector<8x2304xf32>
    %add3A_1652 = arith.addf %add3A_1650, %slice3A_1651 : vector<8x2304xf32>
    %max3A_1653 = arith.constant 0.000000e+00 : f32
    %max3A_1654 = vector.broadcast %max3A_1653 : f32 to vector<8x2304xf32>
    %max3A_1655 = arith.maximumf %add3A_1652, %max3A_1654 : vector<8x2304xf32>
    %bitcast_convert_type3A_1656 = tpu.bitcast %max3A_1655 : vector<8x2304xf32> -> vector<8x2304xi32>
    %swap3A_1657 = arith.constant 936 : index
    %swap3A_1658 = arith.constant 0 : index
    %swap3A_1659 = vector.load %arg6[%swap3A_1657, %swap3A_1658] : memref<1024x2304xi32, #tpu.memory_space<vmem>>, vector<8x2304xi32>
    tpu.vector_store %arg6[%swap3A_1657, %swap3A_1658], %bitcast_convert_type3A_1656 {strides = array<i32>} : memref<1024x2304xi32, #tpu.memory_space<vmem>>, vector<8x2304xi32>,
    %min3A_1660 = arith.minsi %min3A_1646, %bitcast_convert_type3A_1656 : vector<8x2304xi32>
    %slice3A_1661 = vector.extract_strided_slice %get3A_15 {offsets = [944, 0], sizes = [8, 1], strides = [1, 1]} : vector<1024x1xf32> to vector<8x1xf32>
    %add3A_1662 = vector.broadcast %get3A_12 : vector<1x2304xf32> to vector<8x2304xf32>
    %add3A_1663 = vector.broadcast %slice3A_1661 : vector<8x1xf32> to vector<8x2304xf32>
    %add3A_1664 = arith.addf %add3A_1662, %add3A_1663 : vector<8x2304xf32>
    %slice3A_1665 = vector.extract_strided_slice %dot_general3A_7 {offsets = [944, 0], sizes = [8, 2304], strides = [1, 1]} : vector<1024x2304xf32> to vector<8x2304xf32>
    %add3A_1666 = arith.addf %add3A_1664, %slice3A_1665 : vector<8x2304xf32>
    %max3A_1667 = arith.constant 0.000000e+00 : f32
    %max3A_1668 = vector.broadcast %max3A_1667 : f32 to vector<8x2304xf32>
    %max3A_1669 = arith.maximumf %add3A_1666, %max3A_1668 : vector<8x2304xf32>
    %bitcast_convert_type3A_1670 = tpu.bitcast %max3A_1669 : vector<8x2304xf32> -> vector<8x2304xi32>
    %swap3A_1671 = arith.constant 944 : index
    %swap3A_1672 = arith.constant 0 : index
    %swap3A_1673 = vector.load %arg6[%swap3A_1671, %swap3A_1672] : memref<1024x2304xi32, #tpu.memory_space<vmem>>, vector<8x2304xi32>
    tpu.vector_store %arg6[%swap3A_1671, %swap3A_1672], %bitcast_convert_type3A_1670 {strides = array<i32>} : memref<1024x2304xi32, #tpu.memory_space<vmem>>, vector<8x2304xi32>,
    %min3A_1674 = arith.minsi %min3A_1660, %bitcast_convert_type3A_1670 : vector<8x2304xi32>
    %slice3A_1675 = vector.extract_strided_slice %get3A_15 {offsets = [952, 0], sizes = [8, 1], strides = [1, 1]} : vector<1024x1xf32> to vector<8x1xf32>
    %add3A_1676 = vector.broadcast %get3A_12 : vector<1x2304xf32> to vector<8x2304xf32>
    %add3A_1677 = vector.broadcast %slice3A_1675 : vector<8x1xf32> to vector<8x2304xf32>
    %add3A_1678 = arith.addf %add3A_1676, %add3A_1677 : vector<8x2304xf32>
    %slice3A_1679 = vector.extract_strided_slice %dot_general3A_7 {offsets = [952, 0], sizes = [8, 2304], strides = [1, 1]} : vector<1024x2304xf32> to vector<8x2304xf32>
    %add3A_1680 = arith.addf %add3A_1678, %slice3A_1679 : vector<8x2304xf32>
    %max3A_1681 = arith.constant 0.000000e+00 : f32
    %max3A_1682 = vector.broadcast %max3A_1681 : f32 to vector<8x2304xf32>
    %max3A_1683 = arith.maximumf %add3A_1680, %max3A_1682 : vector<8x2304xf32>
    %bitcast_convert_type3A_1684 = tpu.bitcast %max3A_1683 : vector<8x2304xf32> -> vector<8x2304xi32>
    %swap3A_1685 = arith.constant 952 : index
    %swap3A_1686 = arith.constant 0 : index
    %swap3A_1687 = vector.load %arg6[%swap3A_1685, %swap3A_1686] : memref<1024x2304xi32, #tpu.memory_space<vmem>>, vector<8x2304xi32>
    tpu.vector_store %arg6[%swap3A_1685, %swap3A_1686], %bitcast_convert_type3A_1684 {strides = array<i32>} : memref<1024x2304xi32, #tpu.memory_space<vmem>>, vector<8x2304xi32>,
    %min3A_1688 = arith.minsi %min3A_1674, %bitcast_convert_type3A_1684 : vector<8x2304xi32>
    %slice3A_1689 = vector.extract_strided_slice %get3A_15 {offsets = [960, 0], sizes = [8, 1], strides = [1, 1]} : vector<1024x1xf32> to vector<8x1xf32>
    %add3A_1690 = vector.broadcast %get3A_12 : vector<1x2304xf32> to vector<8x2304xf32>
    %add3A_1691 = vector.broadcast %slice3A_1689 : vector<8x1xf32> to vector<8x2304xf32>
    %add3A_1692 = arith.addf %add3A_1690, %add3A_1691 : vector<8x2304xf32>
    %slice3A_1693 = vector.extract_strided_slice %dot_general3A_7 {offsets = [960, 0], sizes = [8, 2304], strides = [1, 1]} : vector<1024x2304xf32> to vector<8x2304xf32>
    %add3A_1694 = arith.addf %add3A_1692, %slice3A_1693 : vector<8x2304xf32>
    %max3A_1695 = arith.constant 0.000000e+00 : f32
    %max3A_1696 = vector.broadcast %max3A_1695 : f32 to vector<8x2304xf32>
    %max3A_1697 = arith.maximumf %add3A_1694, %max3A_1696 : vector<8x2304xf32>
    %bitcast_convert_type3A_1698 = tpu.bitcast %max3A_1697 : vector<8x2304xf32> -> vector<8x2304xi32>
    %swap3A_1699 = arith.constant 960 : index
    %swap3A_1700 = arith.constant 0 : index
    %swap3A_1701 = vector.load %arg6[%swap3A_1699, %swap3A_1700] : memref<1024x2304xi32, #tpu.memory_space<vmem>>, vector<8x2304xi32>
    tpu.vector_store %arg6[%swap3A_1699, %swap3A_1700], %bitcast_convert_type3A_1698 {strides = array<i32>} : memref<1024x2304xi32, #tpu.memory_space<vmem>>, vector<8x2304xi32>,
    %min3A_1702 = arith.minsi %min3A_1688, %bitcast_convert_type3A_1698 : vector<8x2304xi32>
    %slice3A_1703 = vector.extract_strided_slice %get3A_15 {offsets = [968, 0], sizes = [8, 1], strides = [1, 1]} : vector<1024x1xf32> to vector<8x1xf32>
    %add3A_1704 = vector.broadcast %get3A_12 : vector<1x2304xf32> to vector<8x2304xf32>
    %add3A_1705 = vector.broadcast %slice3A_1703 : vector<8x1xf32> to vector<8x2304xf32>
    %add3A_1706 = arith.addf %add3A_1704, %add3A_1705 : vector<8x2304xf32>
    %slice3A_1707 = vector.extract_strided_slice %dot_general3A_7 {offsets = [968, 0], sizes = [8, 2304], strides = [1, 1]} : vector<1024x2304xf32> to vector<8x2304xf32>
    %add3A_1708 = arith.addf %add3A_1706, %slice3A_1707 : vector<8x2304xf32>
    %max3A_1709 = arith.constant 0.000000e+00 : f32
    %max3A_1710 = vector.broadcast %max3A_1709 : f32 to vector<8x2304xf32>
    %max3A_1711 = arith.maximumf %add3A_1708, %max3A_1710 : vector<8x2304xf32>
    %bitcast_convert_type3A_1712 = tpu.bitcast %max3A_1711 : vector<8x2304xf32> -> vector<8x2304xi32>
    %swap3A_1713 = arith.constant 968 : index
    %swap3A_1714 = arith.constant 0 : index
    %swap3A_1715 = vector.load %arg6[%swap3A_1713, %swap3A_1714] : memref<1024x2304xi32, #tpu.memory_space<vmem>>, vector<8x2304xi32>
    tpu.vector_store %arg6[%swap3A_1713, %swap3A_1714], %bitcast_convert_type3A_1712 {strides = array<i32>} : memref<1024x2304xi32, #tpu.memory_space<vmem>>, vector<8x2304xi32>,
    %min3A_1716 = arith.minsi %min3A_1702, %bitcast_convert_type3A_1712 : vector<8x2304xi32>
    %slice3A_1717 = vector.extract_strided_slice %get3A_15 {offsets = [976, 0], sizes = [8, 1], strides = [1, 1]} : vector<1024x1xf32> to vector<8x1xf32>
    %add3A_1718 = vector.broadcast %get3A_12 : vector<1x2304xf32> to vector<8x2304xf32>
    %add3A_1719 = vector.broadcast %slice3A_1717 : vector<8x1xf32> to vector<8x2304xf32>
    %add3A_1720 = arith.addf %add3A_1718, %add3A_1719 : vector<8x2304xf32>
    %slice3A_1721 = vector.extract_strided_slice %dot_general3A_7 {offsets = [976, 0], sizes = [8, 2304], strides = [1, 1]} : vector<1024x2304xf32> to vector<8x2304xf32>
    %add3A_1722 = arith.addf %add3A_1720, %slice3A_1721 : vector<8x2304xf32>
    %max3A_1723 = arith.constant 0.000000e+00 : f32
    %max3A_1724 = vector.broadcast %max3A_1723 : f32 to vector<8x2304xf32>
    %max3A_1725 = arith.maximumf %add3A_1722, %max3A_1724 : vector<8x2304xf32>
    %bitcast_convert_type3A_1726 = tpu.bitcast %max3A_1725 : vector<8x2304xf32> -> vector<8x2304xi32>
    %swap3A_1727 = arith.constant 976 : index
    %swap3A_1728 = arith.constant 0 : index
    %swap3A_1729 = vector.load %arg6[%swap3A_1727, %swap3A_1728] : memref<1024x2304xi32, #tpu.memory_space<vmem>>, vector<8x2304xi32>
    tpu.vector_store %arg6[%swap3A_1727, %swap3A_1728], %bitcast_convert_type3A_1726 {strides = array<i32>} : memref<1024x2304xi32, #tpu.memory_space<vmem>>, vector<8x2304xi32>,
    %min3A_1730 = arith.minsi %min3A_1716, %bitcast_convert_type3A_1726 : vector<8x2304xi32>
    %slice3A_1731 = vector.extract_strided_slice %get3A_15 {offsets = [984, 0], sizes = [8, 1], strides = [1, 1]} : vector<1024x1xf32> to vector<8x1xf32>
    %add3A_1732 = vector.broadcast %get3A_12 : vector<1x2304xf32> to vector<8x2304xf32>
    %add3A_1733 = vector.broadcast %slice3A_1731 : vector<8x1xf32> to vector<8x2304xf32>
    %add3A_1734 = arith.addf %add3A_1732, %add3A_1733 : vector<8x2304xf32>
    %slice3A_1735 = vector.extract_strided_slice %dot_general3A_7 {offsets = [984, 0], sizes = [8, 2304], strides = [1, 1]} : vector<1024x2304xf32> to vector<8x2304xf32>
    %add3A_1736 = arith.addf %add3A_1734, %slice3A_1735 : vector<8x2304xf32>
    %max3A_1737 = arith.constant 0.000000e+00 : f32
    %max3A_1738 = vector.broadcast %max3A_1737 : f32 to vector<8x2304xf32>
    %max3A_1739 = arith.maximumf %add3A_1736, %max3A_1738 : vector<8x2304xf32>
    %bitcast_convert_type3A_1740 = tpu.bitcast %max3A_1739 : vector<8x2304xf32> -> vector<8x2304xi32>
    %swap3A_1741 = arith.constant 984 : index
    %swap3A_1742 = arith.constant 0 : index
    %swap3A_1743 = vector.load %arg6[%swap3A_1741, %swap3A_1742] : memref<1024x2304xi32, #tpu.memory_space<vmem>>, vector<8x2304xi32>
    tpu.vector_store %arg6[%swap3A_1741, %swap3A_1742], %bitcast_convert_type3A_1740 {strides = array<i32>} : memref<1024x2304xi32, #tpu.memory_space<vmem>>, vector<8x2304xi32>,
    %min3A_1744 = arith.minsi %min3A_1730, %bitcast_convert_type3A_1740 : vector<8x2304xi32>
    %slice3A_1745 = vector.extract_strided_slice %get3A_15 {offsets = [992, 0], sizes = [8, 1], strides = [1, 1]} : vector<1024x1xf32> to vector<8x1xf32>
    %add3A_1746 = vector.broadcast %get3A_12 : vector<1x2304xf32> to vector<8x2304xf32>
    %add3A_1747 = vector.broadcast %slice3A_1745 : vector<8x1xf32> to vector<8x2304xf32>
    %add3A_1748 = arith.addf %add3A_1746, %add3A_1747 : vector<8x2304xf32>
    %slice3A_1749 = vector.extract_strided_slice %dot_general3A_7 {offsets = [992, 0], sizes = [8, 2304], strides = [1, 1]} : vector<1024x2304xf32> to vector<8x2304xf32>
    %add3A_1750 = arith.addf %add3A_1748, %slice3A_1749 : vector<8x2304xf32>
    %max3A_1751 = arith.constant 0.000000e+00 : f32
    %max3A_1752 = vector.broadcast %max3A_1751 : f32 to vector<8x2304xf32>
    %max3A_1753 = arith.maximumf %add3A_1750, %max3A_1752 : vector<8x2304xf32>
    %bitcast_convert_type3A_1754 = tpu.bitcast %max3A_1753 : vector<8x2304xf32> -> vector<8x2304xi32>
    %swap3A_1755 = arith.constant 992 : index
    %swap3A_1756 = arith.constant 0 : index
    %swap3A_1757 = vector.load %arg6[%swap3A_1755, %swap3A_1756] : memref<1024x2304xi32, #tpu.memory_space<vmem>>, vector<8x2304xi32>
    tpu.vector_store %arg6[%swap3A_1755, %swap3A_1756], %bitcast_convert_type3A_1754 {strides = array<i32>} : memref<1024x2304xi32, #tpu.memory_space<vmem>>, vector<8x2304xi32>,
    %min3A_1758 = arith.minsi %min3A_1744, %bitcast_convert_type3A_1754 : vector<8x2304xi32>
    %slice3A_1759 = vector.extract_strided_slice %get3A_15 {offsets = [1000, 0], sizes = [8, 1], strides = [1, 1]} : vector<1024x1xf32> to vector<8x1xf32>
    %add3A_1760 = vector.broadcast %get3A_12 : vector<1x2304xf32> to vector<8x2304xf32>
    %add3A_1761 = vector.broadcast %slice3A_1759 : vector<8x1xf32> to vector<8x2304xf32>
    %add3A_1762 = arith.addf %add3A_1760, %add3A_1761 : vector<8x2304xf32>
    %slice3A_1763 = vector.extract_strided_slice %dot_general3A_7 {offsets = [1000, 0], sizes = [8, 2304], strides = [1, 1]} : vector<1024x2304xf32> to vector<8x2304xf32>
    %add3A_1764 = arith.addf %add3A_1762, %slice3A_1763 : vector<8x2304xf32>
    %max3A_1765 = arith.constant 0.000000e+00 : f32
    %max3A_1766 = vector.broadcast %max3A_1765 : f32 to vector<8x2304xf32>
    %max3A_1767 = arith.maximumf %add3A_1764, %max3A_1766 : vector<8x2304xf32>
    %bitcast_convert_type3A_1768 = tpu.bitcast %max3A_1767 : vector<8x2304xf32> -> vector<8x2304xi32>
    %swap3A_1769 = arith.constant 1000 : index
    %swap3A_1770 = arith.constant 0 : index
    %swap3A_1771 = vector.load %arg6[%swap3A_1769, %swap3A_1770] : memref<1024x2304xi32, #tpu.memory_space<vmem>>, vector<8x2304xi32>
    tpu.vector_store %arg6[%swap3A_1769, %swap3A_1770], %bitcast_convert_type3A_1768 {strides = array<i32>} : memref<1024x2304xi32, #tpu.memory_space<vmem>>, vector<8x2304xi32>,
    %min3A_1772 = arith.minsi %min3A_1758, %bitcast_convert_type3A_1768 : vector<8x2304xi32>
    %slice3A_1773 = vector.extract_strided_slice %get3A_15 {offsets = [1008, 0], sizes = [8, 1], strides = [1, 1]} : vector<1024x1xf32> to vector<8x1xf32>
    %add3A_1774 = vector.broadcast %get3A_12 : vector<1x2304xf32> to vector<8x2304xf32>
    %add3A_1775 = vector.broadcast %slice3A_1773 : vector<8x1xf32> to vector<8x2304xf32>
    %add3A_1776 = arith.addf %add3A_1774, %add3A_1775 : vector<8x2304xf32>
    %slice3A_1777 = vector.extract_strided_slice %dot_general3A_7 {offsets = [1008, 0], sizes = [8, 2304], strides = [1, 1]} : vector<1024x2304xf32> to vector<8x2304xf32>
    %add3A_1778 = arith.addf %add3A_1776, %slice3A_1777 : vector<8x2304xf32>
    %max3A_1779 = arith.constant 0.000000e+00 : f32
    %max3A_1780 = vector.broadcast %max3A_1779 : f32 to vector<8x2304xf32>
    %max3A_1781 = arith.maximumf %add3A_1778, %max3A_1780 : vector<8x2304xf32>
    %bitcast_convert_type3A_1782 = tpu.bitcast %max3A_1781 : vector<8x2304xf32> -> vector<8x2304xi32>
    %swap3A_1783 = arith.constant 1008 : index
    %swap3A_1784 = arith.constant 0 : index
    %swap3A_1785 = vector.load %arg6[%swap3A_1783, %swap3A_1784] : memref<1024x2304xi32, #tpu.memory_space<vmem>>, vector<8x2304xi32>
    tpu.vector_store %arg6[%swap3A_1783, %swap3A_1784], %bitcast_convert_type3A_1782 {strides = array<i32>} : memref<1024x2304xi32, #tpu.memory_space<vmem>>, vector<8x2304xi32>,
    %min3A_1786 = arith.minsi %min3A_1772, %bitcast_convert_type3A_1782 : vector<8x2304xi32>
    %slice3A_1787 = vector.extract_strided_slice %get3A_15 {offsets = [1016, 0], sizes = [8, 1], strides = [1, 1]} : vector<1024x1xf32> to vector<8x1xf32>
    %add3A_1788 = vector.broadcast %get3A_12 : vector<1x2304xf32> to vector<8x2304xf32>
    %add3A_1789 = vector.broadcast %slice3A_1787 : vector<8x1xf32> to vector<8x2304xf32>
    %add3A_1790 = arith.addf %add3A_1788, %add3A_1789 : vector<8x2304xf32>
    %slice3A_1791 = vector.extract_strided_slice %dot_general3A_7 {offsets = [1016, 0], sizes = [8, 2304], strides = [1, 1]} : vector<1024x2304xf32> to vector<8x2304xf32>
    %add3A_1792 = arith.addf %add3A_1790, %slice3A_1791 : vector<8x2304xf32>
    %max3A_1793 = arith.constant 0.000000e+00 : f32
    %max3A_1794 = vector.broadcast %max3A_1793 : f32 to vector<8x2304xf32>
    %max3A_1795 = arith.maximumf %add3A_1792, %max3A_1794 : vector<8x2304xf32>
    %bitcast_convert_type3A_1796 = tpu.bitcast %max3A_1795 : vector<8x2304xf32> -> vector<8x2304xi32>
    %swap3A_1797 = arith.constant 1016 : index
    %swap3A_1798 = arith.constant 0 : index
    %swap3A_1799 = vector.load %arg6[%swap3A_1797, %swap3A_1798] : memref<1024x2304xi32, #tpu.memory_space<vmem>>, vector<8x2304xi32>
    tpu.vector_store %arg6[%swap3A_1797, %swap3A_1798], %bitcast_convert_type3A_1796 {strides = array<i32>} : memref<1024x2304xi32, #tpu.memory_space<vmem>>, vector<8x2304xi32>,
    %min3A_1800 = arith.minsi %min3A_1786, %bitcast_convert_type3A_1796 : vector<8x2304xi32>
    %reduce_min3A = arith.constant dense<2147483647> : vector<2304xi32>
    %reduce_min3A_1801 = vector.multi_reduction <minsi>, %min3A_1800, %reduce_min3A [0] : vector<8x2304xi32> to vector<2304xi32>
    %broadcast_in_dim3A = vector.shape_cast %reduce_min3A_1801 : vector<2304xi32> to vector<1x2304xi32>
    %bitcast_convert_type3A_1802 = tpu.bitcast %broadcast_in_dim3A : vector<1x2304xi32> -> vector<1x2304xf32>
    %sqrt3A = math.sqrt %bitcast_convert_type3A_1802 : vector<1x2304xf32>
    %mul3A = arith.mulf %sqrt3A, %sqrt3A : vector<1x2304xf32>
    %bitcast_convert_type3A_1803 = tpu.bitcast %mul3A : vector<1x2304xf32> -> vector<1x2304xi32>
    %broadcast_in_dim3A_1804 = arith.constant -1 : i32
    %broadcast_in_dim3A_1805 = vector.broadcast %broadcast_in_dim3A_1804 : i32 to vector<1x2304xi32>
    %add3A_1806 = arith.constant -3 : i32
    %add3A_1807 = vector.broadcast %add3A_1806 : i32 to vector<1x2304xi32>
    %add3A_1808 = arith.addi %bitcast_convert_type3A_1803, %add3A_1807 : vector<1x2304xi32>
    %bitcast_convert_type3A_1809 = tpu.bitcast %add3A_1808 : vector<1x2304xi32> -> vector<1x2304xf32>
    %sqrt3A_1810 = math.sqrt %bitcast_convert_type3A_1809 : vector<1x2304xf32>
    %eq3A = arith.cmpf oeq, %sqrt3A_1810, %sqrt3A : vector<1x2304xf32>
    %max3A_1811 = arith.maxsi %broadcast_in_dim3A_1805, %add3A_1808 : vector<1x2304xi32>
    %select_n3A = arith.select %eq3A, %max3A_1811, %broadcast_in_dim3A_1805 : vector<1x2304xi1>, vector<1x2304xi32>
    %add3A_1812 = arith.constant -2 : i32
    %add3A_1813 = vector.broadcast %add3A_1812 : i32 to vector<1x2304xi32>
    %add3A_1814 = arith.addi %bitcast_convert_type3A_1803, %add3A_1813 : vector<1x2304xi32>
    %bitcast_convert_type3A_1815 = tpu.bitcast %add3A_1814 : vector<1x2304xi32> -> vector<1x2304xf32>
    %sqrt3A_1816 = math.sqrt %bitcast_convert_type3A_1815 : vector<1x2304xf32>
    %eq3A_1817 = arith.cmpf oeq, %sqrt3A_1816, %sqrt3A : vector<1x2304xf32>
    %max3A_1818 = arith.maxsi %select_n3A, %add3A_1814 : vector<1x2304xi32>
    %select_n3A_1819 = arith.select %eq3A_1817, %max3A_1818, %select_n3A : vector<1x2304xi1>, vector<1x2304xi32>
    %add3A_1820 = arith.constant -1 : i32
    %add3A_1821 = vector.broadcast %add3A_1820 : i32 to vector<1x2304xi32>
    %add3A_1822 = arith.addi %bitcast_convert_type3A_1803, %add3A_1821 : vector<1x2304xi32>
    %bitcast_convert_type3A_1823 = tpu.bitcast %add3A_1822 : vector<1x2304xi32> -> vector<1x2304xf32>
    %sqrt3A_1824 = math.sqrt %bitcast_convert_type3A_1823 : vector<1x2304xf32>
    %eq3A_1825 = arith.cmpf oeq, %sqrt3A_1824, %sqrt3A : vector<1x2304xf32>
    %max3A_1826 = arith.maxsi %select_n3A_1819, %add3A_1822 : vector<1x2304xi32>
    %select_n3A_1827 = arith.select %eq3A_1825, %max3A_1826, %select_n3A_1819 : vector<1x2304xi1>, vector<1x2304xi32>
    %add3A_1828 = arith.constant 0 : i32
    %add3A_1829 = vector.broadcast %add3A_1828 : i32 to vector<1x2304xi32>
    %add3A_1830 = arith.addi %bitcast_convert_type3A_1803, %add3A_1829 : vector<1x2304xi32>
    %bitcast_convert_type3A_1831 = tpu.bitcast %add3A_1830 : vector<1x2304xi32> -> vector<1x2304xf32>
    %sqrt3A_1832 = math.sqrt %bitcast_convert_type3A_1831 : vector<1x2304xf32>
    %eq3A_1833 = arith.cmpf oeq, %sqrt3A_1832, %sqrt3A : vector<1x2304xf32>
    %max3A_1834 = arith.maxsi %select_n3A_1827, %add3A_1830 : vector<1x2304xi32>
    %select_n3A_1835 = arith.select %eq3A_1833, %max3A_1834, %select_n3A_1827 : vector<1x2304xi1>, vector<1x2304xi32>
    %add3A_1836 = arith.constant 1 : i32
    %add3A_1837 = vector.broadcast %add3A_1836 : i32 to vector<1x2304xi32>
    %add3A_1838 = arith.addi %bitcast_convert_type3A_1803, %add3A_1837 : vector<1x2304xi32>
    %bitcast_convert_type3A_1839 = tpu.bitcast %add3A_1838 : vector<1x2304xi32> -> vector<1x2304xf32>
    %sqrt3A_1840 = math.sqrt %bitcast_convert_type3A_1839 : vector<1x2304xf32>
    %eq3A_1841 = arith.cmpf oeq, %sqrt3A_1840, %sqrt3A : vector<1x2304xf32>
    %max3A_1842 = arith.maxsi %select_n3A_1835, %add3A_1838 : vector<1x2304xi32>
    %select_n3A_1843 = arith.select %eq3A_1841, %max3A_1842, %select_n3A_1835 : vector<1x2304xi1>, vector<1x2304xi32>
    %add3A_1844 = arith.constant 2 : i32
    %add3A_1845 = vector.broadcast %add3A_1844 : i32 to vector<1x2304xi32>
    %add3A_1846 = arith.addi %bitcast_convert_type3A_1803, %add3A_1845 : vector<1x2304xi32>
    %bitcast_convert_type3A_1847 = tpu.bitcast %add3A_1846 : vector<1x2304xi32> -> vector<1x2304xf32>
    %sqrt3A_1848 = math.sqrt %bitcast_convert_type3A_1847 : vector<1x2304xf32>
    %eq3A_1849 = arith.cmpf oeq, %sqrt3A_1848, %sqrt3A : vector<1x2304xf32>
    %max3A_1850 = arith.maxsi %select_n3A_1843, %add3A_1846 : vector<1x2304xi32>
    %select_n3A_1851 = arith.select %eq3A_1849, %max3A_1850, %select_n3A_1843 : vector<1x2304xi1>, vector<1x2304xi32>
    %add3A_1852 = arith.constant 3 : i32
    %add3A_1853 = vector.broadcast %add3A_1852 : i32 to vector<1x2304xi32>
    %add3A_1854 = arith.addi %bitcast_convert_type3A_1803, %add3A_1853 : vector<1x2304xi32>
    %bitcast_convert_type3A_1855 = tpu.bitcast %add3A_1854 : vector<1x2304xi32> -> vector<1x2304xf32>
    %sqrt3A_1856 = math.sqrt %bitcast_convert_type3A_1855 : vector<1x2304xf32>
    %eq3A_1857 = arith.cmpf oeq, %sqrt3A_1856, %sqrt3A : vector<1x2304xf32>
    %max3A_1858 = arith.maxsi %select_n3A_1851, %add3A_1854 : vector<1x2304xi32>
    %select_n3A_1859 = arith.select %eq3A_1857, %max3A_1858, %select_n3A_1851 : vector<1x2304xi1>, vector<1x2304xi32>
    %add3A_1860 = arith.constant 4 : i32
    %add3A_1861 = vector.broadcast %add3A_1860 : i32 to vector<1x2304xi32>
    %add3A_1862 = arith.addi %bitcast_convert_type3A_1803, %add3A_1861 : vector<1x2304xi32>
    %bitcast_convert_type3A_1863 = tpu.bitcast %add3A_1862 : vector<1x2304xi32> -> vector<1x2304xf32>
    %sqrt3A_1864 = math.sqrt %bitcast_convert_type3A_1863 : vector<1x2304xf32>
    %eq3A_1865 = arith.cmpf oeq, %sqrt3A_1864, %sqrt3A : vector<1x2304xf32>
    %max3A_1866 = arith.maxsi %select_n3A_1859, %add3A_1862 : vector<1x2304xi32>
    %select_n3A_1867 = arith.select %eq3A_1865, %max3A_1866, %select_n3A_1859 : vector<1x2304xi1>, vector<1x2304xi32>
    %broadcast_in_dim3A_1868 = arith.constant 1048576 : i32
    %broadcast_in_dim3A_1869 = vector.broadcast %broadcast_in_dim3A_1868 : i32 to vector<8x2304xi32>
    %get3A_1870 = arith.constant 1016 : index
    %get3A_1871 = arith.constant 0 : index
    %get3A_1872 = vector.load %arg6[%get3A_1870, %get3A_1871] : memref<1024x2304xi32, #tpu.memory_space<vmem>>, vector<8x2304xi32>
    %le3A = vector.broadcast %select_n3A_1867 : vector<1x2304xi32> to vector<8x2304xi32>
    %le3A_1873 = arith.cmpi sle, %get3A_1872, %le3A : vector<8x2304xi32>
    %jit3A = arith.constant 127 : i32
    %broadcast_in_dim3A_1874 = vector.broadcast %jit3A : i32 to vector<8x2304xi32>
    %select_n3A_1875 = arith.select %le3A_1873, %broadcast_in_dim3A_1874, %broadcast_in_dim3A_1869 : vector<8x2304xi1>, vector<8x2304xi32>
    %get3A_1876 = arith.constant 1008 : index
    %get3A_1877 = arith.constant 0 : index
    %get3A_1878 = vector.load %arg6[%get3A_1876, %get3A_1877] : memref<1024x2304xi32, #tpu.memory_space<vmem>>, vector<8x2304xi32>
    %le3A_1879 = vector.broadcast %select_n3A_1867 : vector<1x2304xi32> to vector<8x2304xi32>
    %le3A_1880 = arith.cmpi sle, %get3A_1878, %le3A_1879 : vector<8x2304xi32>
    %jit3A_1881 = arith.constant 126 : i32
    %broadcast_in_dim3A_1882 = vector.broadcast %jit3A_1881 : i32 to vector<8x2304xi32>
    %select_n3A_1883 = arith.select %le3A_1880, %broadcast_in_dim3A_1882, %select_n3A_1875 : vector<8x2304xi1>, vector<8x2304xi32>
    %get3A_1884 = arith.constant 1000 : index
    %get3A_1885 = arith.constant 0 : index
    %get3A_1886 = vector.load %arg6[%get3A_1884, %get3A_1885] : memref<1024x2304xi32, #tpu.memory_space<vmem>>, vector<8x2304xi32>
    %le3A_1887 = vector.broadcast %select_n3A_1867 : vector<1x2304xi32> to vector<8x2304xi32>
    %le3A_1888 = arith.cmpi sle, %get3A_1886, %le3A_1887 : vector<8x2304xi32>
    %jit3A_1889 = arith.constant 125 : i32
    %broadcast_in_dim3A_1890 = vector.broadcast %jit3A_1889 : i32 to vector<8x2304xi32>
    %select_n3A_1891 = arith.select %le3A_1888, %broadcast_in_dim3A_1890, %select_n3A_1883 : vector<8x2304xi1>, vector<8x2304xi32>
    %get3A_1892 = arith.constant 992 : index
    %get3A_1893 = arith.constant 0 : index
    %get3A_1894 = vector.load %arg6[%get3A_1892, %get3A_1893] : memref<1024x2304xi32, #tpu.memory_space<vmem>>, vector<8x2304xi32>
    %le3A_1895 = vector.broadcast %select_n3A_1867 : vector<1x2304xi32> to vector<8x2304xi32>
    %le3A_1896 = arith.cmpi sle, %get3A_1894, %le3A_1895 : vector<8x2304xi32>
    %jit3A_1897 = arith.constant 124 : i32
    %broadcast_in_dim3A_1898 = vector.broadcast %jit3A_1897 : i32 to vector<8x2304xi32>
    %select_n3A_1899 = arith.select %le3A_1896, %broadcast_in_dim3A_1898, %select_n3A_1891 : vector<8x2304xi1>, vector<8x2304xi32>
    %get3A_1900 = arith.constant 984 : index
    %get3A_1901 = arith.constant 0 : index
    %get3A_1902 = vector.load %arg6[%get3A_1900, %get3A_1901] : memref<1024x2304xi32, #tpu.memory_space<vmem>>, vector<8x2304xi32>
    %le3A_1903 = vector.broadcast %select_n3A_1867 : vector<1x2304xi32> to vector<8x2304xi32>
    %le3A_1904 = arith.cmpi sle, %get3A_1902, %le3A_1903 : vector<8x2304xi32>
    %jit3A_1905 = arith.constant 123 : i32
    %broadcast_in_dim3A_1906 = vector.broadcast %jit3A_1905 : i32 to vector<8x2304xi32>
    %select_n3A_1907 = arith.select %le3A_1904, %broadcast_in_dim3A_1906, %select_n3A_1899 : vector<8x2304xi1>, vector<8x2304xi32>
    %get3A_1908 = arith.constant 976 : index
    %get3A_1909 = arith.constant 0 : index
    %get3A_1910 = vector.load %arg6[%get3A_1908, %get3A_1909] : memref<1024x2304xi32, #tpu.memory_space<vmem>>, vector<8x2304xi32>
    %le3A_1911 = vector.broadcast %select_n3A_1867 : vector<1x2304xi32> to vector<8x2304xi32>
    %le3A_1912 = arith.cmpi sle, %get3A_1910, %le3A_1911 : vector<8x2304xi32>
    %jit3A_1913 = arith.constant 122 : i32
    %broadcast_in_dim3A_1914 = vector.broadcast %jit3A_1913 : i32 to vector<8x2304xi32>
    %select_n3A_1915 = arith.select %le3A_1912, %broadcast_in_dim3A_1914, %select_n3A_1907 : vector<8x2304xi1>, vector<8x2304xi32>
    %get3A_1916 = arith.constant 968 : index
    %get3A_1917 = arith.constant 0 : index
    %get3A_1918 = vector.load %arg6[%get3A_1916, %get3A_1917] : memref<1024x2304xi32, #tpu.memory_space<vmem>>, vector<8x2304xi32>
    %le3A_1919 = vector.broadcast %select_n3A_1867 : vector<1x2304xi32> to vector<8x2304xi32>
    %le3A_1920 = arith.cmpi sle, %get3A_1918, %le3A_1919 : vector<8x2304xi32>
    %jit3A_1921 = arith.constant 121 : i32
    %broadcast_in_dim3A_1922 = vector.broadcast %jit3A_1921 : i32 to vector<8x2304xi32>
    %select_n3A_1923 = arith.select %le3A_1920, %broadcast_in_dim3A_1922, %select_n3A_1915 : vector<8x2304xi1>, vector<8x2304xi32>
    %get3A_1924 = arith.constant 960 : index
    %get3A_1925 = arith.constant 0 : index
    %get3A_1926 = vector.load %arg6[%get3A_1924, %get3A_1925] : memref<1024x2304xi32, #tpu.memory_space<vmem>>, vector<8x2304xi32>
    %le3A_1927 = vector.broadcast %select_n3A_1867 : vector<1x2304xi32> to vector<8x2304xi32>
    %le3A_1928 = arith.cmpi sle, %get3A_1926, %le3A_1927 : vector<8x2304xi32>
    %jit3A_1929 = arith.constant 120 : i32
    %broadcast_in_dim3A_1930 = vector.broadcast %jit3A_1929 : i32 to vector<8x2304xi32>
    %select_n3A_1931 = arith.select %le3A_1928, %broadcast_in_dim3A_1930, %select_n3A_1923 : vector<8x2304xi1>, vector<8x2304xi32>
    %get3A_1932 = arith.constant 952 : index
    %get3A_1933 = arith.constant 0 : index
    %get3A_1934 = vector.load %arg6[%get3A_1932, %get3A_1933] : memref<1024x2304xi32, #tpu.memory_space<vmem>>, vector<8x2304xi32>
    %le3A_1935 = vector.broadcast %select_n3A_1867 : vector<1x2304xi32> to vector<8x2304xi32>
    %le3A_1936 = arith.cmpi sle, %get3A_1934, %le3A_1935 : vector<8x2304xi32>
    %jit3A_1937 = arith.constant 119 : i32
    %broadcast_in_dim3A_1938 = vector.broadcast %jit3A_1937 : i32 to vector<8x2304xi32>
    %select_n3A_1939 = arith.select %le3A_1936, %broadcast_in_dim3A_1938, %select_n3A_1931 : vector<8x2304xi1>, vector<8x2304xi32>
    %get3A_1940 = arith.constant 944 : index
    %get3A_1941 = arith.constant 0 : index
    %get3A_1942 = vector.load %arg6[%get3A_1940, %get3A_1941] : memref<1024x2304xi32, #tpu.memory_space<vmem>>, vector<8x2304xi32>
    %le3A_1943 = vector.broadcast %select_n3A_1867 : vector<1x2304xi32> to vector<8x2304xi32>
    %le3A_1944 = arith.cmpi sle, %get3A_1942, %le3A_1943 : vector<8x2304xi32>
    %jit3A_1945 = arith.constant 118 : i32
    %broadcast_in_dim3A_1946 = vector.broadcast %jit3A_1945 : i32 to vector<8x2304xi32>
    %select_n3A_1947 = arith.select %le3A_1944, %broadcast_in_dim3A_1946, %select_n3A_1939 : vector<8x2304xi1>, vector<8x2304xi32>
    %get3A_1948 = arith.constant 936 : index
    %get3A_1949 = arith.constant 0 : index
    %get3A_1950 = vector.load %arg6[%get3A_1948, %get3A_1949] : memref<1024x2304xi32, #tpu.memory_space<vmem>>, vector<8x2304xi32>
    %le3A_1951 = vector.broadcast %select_n3A_1867 : vector<1x2304xi32> to vector<8x2304xi32>
    %le3A_1952 = arith.cmpi sle, %get3A_1950, %le3A_1951 : vector<8x2304xi32>
    %jit3A_1953 = arith.constant 117 : i32
    %broadcast_in_dim3A_1954 = vector.broadcast %jit3A_1953 : i32 to vector<8x2304xi32>
    %select_n3A_1955 = arith.select %le3A_1952, %broadcast_in_dim3A_1954, %select_n3A_1947 : vector<8x2304xi1>, vector<8x2304xi32>
    %get3A_1956 = arith.constant 928 : index
    %get3A_1957 = arith.constant 0 : index
    %get3A_1958 = vector.load %arg6[%get3A_1956, %get3A_1957] : memref<1024x2304xi32, #tpu.memory_space<vmem>>, vector<8x2304xi32>
    %le3A_1959 = vector.broadcast %select_n3A_1867 : vector<1x2304xi32> to vector<8x2304xi32>
    %le3A_1960 = arith.cmpi sle, %get3A_1958, %le3A_1959 : vector<8x2304xi32>
    %jit3A_1961 = arith.constant 116 : i32
    %broadcast_in_dim3A_1962 = vector.broadcast %jit3A_1961 : i32 to vector<8x2304xi32>
    %select_n3A_1963 = arith.select %le3A_1960, %broadcast_in_dim3A_1962, %select_n3A_1955 : vector<8x2304xi1>, vector<8x2304xi32>
    %get3A_1964 = arith.constant 920 : index
    %get3A_1965 = arith.constant 0 : index
    %get3A_1966 = vector.load %arg6[%get3A_1964, %get3A_1965] : memref<1024x2304xi32, #tpu.memory_space<vmem>>, vector<8x2304xi32>
    %le3A_1967 = vector.broadcast %select_n3A_1867 : vector<1x2304xi32> to vector<8x2304xi32>
    %le3A_1968 = arith.cmpi sle, %get3A_1966, %le3A_1967 : vector<8x2304xi32>
    %jit3A_1969 = arith.constant 115 : i32
    %broadcast_in_dim3A_1970 = vector.broadcast %jit3A_1969 : i32 to vector<8x2304xi32>
    %select_n3A_1971 = arith.select %le3A_1968, %broadcast_in_dim3A_1970, %select_n3A_1963 : vector<8x2304xi1>, vector<8x2304xi32>
    %get3A_1972 = arith.constant 912 : index
    %get3A_1973 = arith.constant 0 : index
    %get3A_1974 = vector.load %arg6[%get3A_1972, %get3A_1973] : memref<1024x2304xi32, #tpu.memory_space<vmem>>, vector<8x2304xi32>
    %le3A_1975 = vector.broadcast %select_n3A_1867 : vector<1x2304xi32> to vector<8x2304xi32>
    %le3A_1976 = arith.cmpi sle, %get3A_1974, %le3A_1975 : vector<8x2304xi32>
    %jit3A_1977 = arith.constant 114 : i32
    %broadcast_in_dim3A_1978 = vector.broadcast %jit3A_1977 : i32 to vector<8x2304xi32>
    %select_n3A_1979 = arith.select %le3A_1976, %broadcast_in_dim3A_1978, %select_n3A_1971 : vector<8x2304xi1>, vector<8x2304xi32>
    %get3A_1980 = arith.constant 904 : index
    %get3A_1981 = arith.constant 0 : index
    %get3A_1982 = vector.load %arg6[%get3A_1980, %get3A_1981] : memref<1024x2304xi32, #tpu.memory_space<vmem>>, vector<8x2304xi32>
    %le3A_1983 = vector.broadcast %select_n3A_1867 : vector<1x2304xi32> to vector<8x2304xi32>
    %le3A_1984 = arith.cmpi sle, %get3A_1982, %le3A_1983 : vector<8x2304xi32>
    %jit3A_1985 = arith.constant 113 : i32
    %broadcast_in_dim3A_1986 = vector.broadcast %jit3A_1985 : i32 to vector<8x2304xi32>
    %select_n3A_1987 = arith.select %le3A_1984, %broadcast_in_dim3A_1986, %select_n3A_1979 : vector<8x2304xi1>, vector<8x2304xi32>
    %get3A_1988 = arith.constant 896 : index
    %get3A_1989 = arith.constant 0 : index
    %get3A_1990 = vector.load %arg6[%get3A_1988, %get3A_1989] : memref<1024x2304xi32, #tpu.memory_space<vmem>>, vector<8x2304xi32>
    %le3A_1991 = vector.broadcast %select_n3A_1867 : vector<1x2304xi32> to vector<8x2304xi32>
    %le3A_1992 = arith.cmpi sle, %get3A_1990, %le3A_1991 : vector<8x2304xi32>
    %jit3A_1993 = arith.constant 112 : i32
    %broadcast_in_dim3A_1994 = vector.broadcast %jit3A_1993 : i32 to vector<8x2304xi32>
    %select_n3A_1995 = arith.select %le3A_1992, %broadcast_in_dim3A_1994, %select_n3A_1987 : vector<8x2304xi1>, vector<8x2304xi32>
    %get3A_1996 = arith.constant 888 : index
    %get3A_1997 = arith.constant 0 : index
    %get3A_1998 = vector.load %arg6[%get3A_1996, %get3A_1997] : memref<1024x2304xi32, #tpu.memory_space<vmem>>, vector<8x2304xi32>
    %le3A_1999 = vector.broadcast %select_n3A_1867 : vector<1x2304xi32> to vector<8x2304xi32>
    %le3A_2000 = arith.cmpi sle, %get3A_1998, %le3A_1999 : vector<8x2304xi32>
    %jit3A_2001 = arith.constant 111 : i32
    %broadcast_in_dim3A_2002 = vector.broadcast %jit3A_2001 : i32 to vector<8x2304xi32>
    %select_n3A_2003 = arith.select %le3A_2000, %broadcast_in_dim3A_2002, %select_n3A_1995 : vector<8x2304xi1>, vector<8x2304xi32>
    %get3A_2004 = arith.constant 880 : index
    %get3A_2005 = arith.constant 0 : index
    %get3A_2006 = vector.load %arg6[%get3A_2004, %get3A_2005] : memref<1024x2304xi32, #tpu.memory_space<vmem>>, vector<8x2304xi32>
    %le3A_2007 = vector.broadcast %select_n3A_1867 : vector<1x2304xi32> to vector<8x2304xi32>
    %le3A_2008 = arith.cmpi sle, %get3A_2006, %le3A_2007 : vector<8x2304xi32>
    %jit3A_2009 = arith.constant 110 : i32
    %broadcast_in_dim3A_2010 = vector.broadcast %jit3A_2009 : i32 to vector<8x2304xi32>
    %select_n3A_2011 = arith.select %le3A_2008, %broadcast_in_dim3A_2010, %select_n3A_2003 : vector<8x2304xi1>, vector<8x2304xi32>
    %get3A_2012 = arith.constant 872 : index
    %get3A_2013 = arith.constant 0 : index
    %get3A_2014 = vector.load %arg6[%get3A_2012, %get3A_2013] : memref<1024x2304xi32, #tpu.memory_space<vmem>>, vector<8x2304xi32>
    %le3A_2015 = vector.broadcast %select_n3A_1867 : vector<1x2304xi32> to vector<8x2304xi32>
    %le3A_2016 = arith.cmpi sle, %get3A_2014, %le3A_2015 : vector<8x2304xi32>
    %jit3A_2017 = arith.constant 109 : i32
    %broadcast_in_dim3A_2018 = vector.broadcast %jit3A_2017 : i32 to vector<8x2304xi32>
    %select_n3A_2019 = arith.select %le3A_2016, %broadcast_in_dim3A_2018, %select_n3A_2011 : vector<8x2304xi1>, vector<8x2304xi32>
    %get3A_2020 = arith.constant 864 : index
    %get3A_2021 = arith.constant 0 : index
    %get3A_2022 = vector.load %arg6[%get3A_2020, %get3A_2021] : memref<1024x2304xi32, #tpu.memory_space<vmem>>, vector<8x2304xi32>
    %le3A_2023 = vector.broadcast %select_n3A_1867 : vector<1x2304xi32> to vector<8x2304xi32>
    %le3A_2024 = arith.cmpi sle, %get3A_2022, %le3A_2023 : vector<8x2304xi32>
    %jit3A_2025 = arith.constant 108 : i32
    %broadcast_in_dim3A_2026 = vector.broadcast %jit3A_2025 : i32 to vector<8x2304xi32>
    %select_n3A_2027 = arith.select %le3A_2024, %broadcast_in_dim3A_2026, %select_n3A_2019 : vector<8x2304xi1>, vector<8x2304xi32>
    %get3A_2028 = arith.constant 856 : index
    %get3A_2029 = arith.constant 0 : index
    %get3A_2030 = vector.load %arg6[%get3A_2028, %get3A_2029] : memref<1024x2304xi32, #tpu.memory_space<vmem>>, vector<8x2304xi32>
    %le3A_2031 = vector.broadcast %select_n3A_1867 : vector<1x2304xi32> to vector<8x2304xi32>
    %le3A_2032 = arith.cmpi sle, %get3A_2030, %le3A_2031 : vector<8x2304xi32>
    %jit3A_2033 = arith.constant 107 : i32
    %broadcast_in_dim3A_2034 = vector.broadcast %jit3A_2033 : i32 to vector<8x2304xi32>
    %select_n3A_2035 = arith.select %le3A_2032, %broadcast_in_dim3A_2034, %select_n3A_2027 : vector<8x2304xi1>, vector<8x2304xi32>
    %get3A_2036 = arith.constant 848 : index
    %get3A_2037 = arith.constant 0 : index
    %get3A_2038 = vector.load %arg6[%get3A_2036, %get3A_2037] : memref<1024x2304xi32, #tpu.memory_space<vmem>>, vector<8x2304xi32>
    %le3A_2039 = vector.broadcast %select_n3A_1867 : vector<1x2304xi32> to vector<8x2304xi32>
    %le3A_2040 = arith.cmpi sle, %get3A_2038, %le3A_2039 : vector<8x2304xi32>
    %jit3A_2041 = arith.constant 106 : i32
    %broadcast_in_dim3A_2042 = vector.broadcast %jit3A_2041 : i32 to vector<8x2304xi32>
    %select_n3A_2043 = arith.select %le3A_2040, %broadcast_in_dim3A_2042, %select_n3A_2035 : vector<8x2304xi1>, vector<8x2304xi32>
    %get3A_2044 = arith.constant 840 : index
    %get3A_2045 = arith.constant 0 : index
    %get3A_2046 = vector.load %arg6[%get3A_2044, %get3A_2045] : memref<1024x2304xi32, #tpu.memory_space<vmem>>, vector<8x2304xi32>
    %le3A_2047 = vector.broadcast %select_n3A_1867 : vector<1x2304xi32> to vector<8x2304xi32>
    %le3A_2048 = arith.cmpi sle, %get3A_2046, %le3A_2047 : vector<8x2304xi32>
    %jit3A_2049 = arith.constant 105 : i32
    %broadcast_in_dim3A_2050 = vector.broadcast %jit3A_2049 : i32 to vector<8x2304xi32>
    %select_n3A_2051 = arith.select %le3A_2048, %broadcast_in_dim3A_2050, %select_n3A_2043 : vector<8x2304xi1>, vector<8x2304xi32>
    %get3A_2052 = arith.constant 832 : index
    %get3A_2053 = arith.constant 0 : index
    %get3A_2054 = vector.load %arg6[%get3A_2052, %get3A_2053] : memref<1024x2304xi32, #tpu.memory_space<vmem>>, vector<8x2304xi32>
    %le3A_2055 = vector.broadcast %select_n3A_1867 : vector<1x2304xi32> to vector<8x2304xi32>
    %le3A_2056 = arith.cmpi sle, %get3A_2054, %le3A_2055 : vector<8x2304xi32>
    %jit3A_2057 = arith.constant 104 : i32
    %broadcast_in_dim3A_2058 = vector.broadcast %jit3A_2057 : i32 to vector<8x2304xi32>
    %select_n3A_2059 = arith.select %le3A_2056, %broadcast_in_dim3A_2058, %select_n3A_2051 : vector<8x2304xi1>, vector<8x2304xi32>
    %get3A_2060 = arith.constant 824 : index
    %get3A_2061 = arith.constant 0 : index
    %get3A_2062 = vector.load %arg6[%get3A_2060, %get3A_2061] : memref<1024x2304xi32, #tpu.memory_space<vmem>>, vector<8x2304xi32>
    %le3A_2063 = vector.broadcast %select_n3A_1867 : vector<1x2304xi32> to vector<8x2304xi32>
    %le3A_2064 = arith.cmpi sle, %get3A_2062, %le3A_2063 : vector<8x2304xi32>
    %jit3A_2065 = arith.constant 103 : i32
    %broadcast_in_dim3A_2066 = vector.broadcast %jit3A_2065 : i32 to vector<8x2304xi32>
    %select_n3A_2067 = arith.select %le3A_2064, %broadcast_in_dim3A_2066, %select_n3A_2059 : vector<8x2304xi1>, vector<8x2304xi32>
    %get3A_2068 = arith.constant 816 : index
    %get3A_2069 = arith.constant 0 : index
    %get3A_2070 = vector.load %arg6[%get3A_2068, %get3A_2069] : memref<1024x2304xi32, #tpu.memory_space<vmem>>, vector<8x2304xi32>
    %le3A_2071 = vector.broadcast %select_n3A_1867 : vector<1x2304xi32> to vector<8x2304xi32>
    %le3A_2072 = arith.cmpi sle, %get3A_2070, %le3A_2071 : vector<8x2304xi32>
    %jit3A_2073 = arith.constant 102 : i32
    %broadcast_in_dim3A_2074 = vector.broadcast %jit3A_2073 : i32 to vector<8x2304xi32>
    %select_n3A_2075 = arith.select %le3A_2072, %broadcast_in_dim3A_2074, %select_n3A_2067 : vector<8x2304xi1>, vector<8x2304xi32>
    %get3A_2076 = arith.constant 808 : index
    %get3A_2077 = arith.constant 0 : index
    %get3A_2078 = vector.load %arg6[%get3A_2076, %get3A_2077] : memref<1024x2304xi32, #tpu.memory_space<vmem>>, vector<8x2304xi32>
    %le3A_2079 = vector.broadcast %select_n3A_1867 : vector<1x2304xi32> to vector<8x2304xi32>
    %le3A_2080 = arith.cmpi sle, %get3A_2078, %le3A_2079 : vector<8x2304xi32>
    %jit3A_2081 = arith.constant 101 : i32
    %broadcast_in_dim3A_2082 = vector.broadcast %jit3A_2081 : i32 to vector<8x2304xi32>
    %select_n3A_2083 = arith.select %le3A_2080, %broadcast_in_dim3A_2082, %select_n3A_2075 : vector<8x2304xi1>, vector<8x2304xi32>
    %get3A_2084 = arith.constant 800 : index
    %get3A_2085 = arith.constant 0 : index
    %get3A_2086 = vector.load %arg6[%get3A_2084, %get3A_2085] : memref<1024x2304xi32, #tpu.memory_space<vmem>>, vector<8x2304xi32>
    %le3A_2087 = vector.broadcast %select_n3A_1867 : vector<1x2304xi32> to vector<8x2304xi32>
    %le3A_2088 = arith.cmpi sle, %get3A_2086, %le3A_2087 : vector<8x2304xi32>
    %jit3A_2089 = arith.constant 100 : i32
    %broadcast_in_dim3A_2090 = vector.broadcast %jit3A_2089 : i32 to vector<8x2304xi32>
    %select_n3A_2091 = arith.select %le3A_2088, %broadcast_in_dim3A_2090, %select_n3A_2083 : vector<8x2304xi1>, vector<8x2304xi32>
    %get3A_2092 = arith.constant 792 : index
    %get3A_2093 = arith.constant 0 : index
    %get3A_2094 = vector.load %arg6[%get3A_2092, %get3A_2093] : memref<1024x2304xi32, #tpu.memory_space<vmem>>, vector<8x2304xi32>
    %le3A_2095 = vector.broadcast %select_n3A_1867 : vector<1x2304xi32> to vector<8x2304xi32>
    %le3A_2096 = arith.cmpi sle, %get3A_2094, %le3A_2095 : vector<8x2304xi32>
    %jit3A_2097 = arith.constant 99 : i32
    %broadcast_in_dim3A_2098 = vector.broadcast %jit3A_2097 : i32 to vector<8x2304xi32>
    %select_n3A_2099 = arith.select %le3A_2096, %broadcast_in_dim3A_2098, %select_n3A_2091 : vector<8x2304xi1>, vector<8x2304xi32>
    %get3A_2100 = arith.constant 784 : index
    %get3A_2101 = arith.constant 0 : index
    %get3A_2102 = vector.load %arg6[%get3A_2100, %get3A_2101] : memref<1024x2304xi32, #tpu.memory_space<vmem>>, vector<8x2304xi32>
    %le3A_2103 = vector.broadcast %select_n3A_1867 : vector<1x2304xi32> to vector<8x2304xi32>
    %le3A_2104 = arith.cmpi sle, %get3A_2102, %le3A_2103 : vector<8x2304xi32>
    %jit3A_2105 = arith.constant 98 : i32
    %broadcast_in_dim3A_2106 = vector.broadcast %jit3A_2105 : i32 to vector<8x2304xi32>
    %select_n3A_2107 = arith.select %le3A_2104, %broadcast_in_dim3A_2106, %select_n3A_2099 : vector<8x2304xi1>, vector<8x2304xi32>
    %get3A_2108 = arith.constant 776 : index
    %get3A_2109 = arith.constant 0 : index
    %get3A_2110 = vector.load %arg6[%get3A_2108, %get3A_2109] : memref<1024x2304xi32, #tpu.memory_space<vmem>>, vector<8x2304xi32>
    %le3A_2111 = vector.broadcast %select_n3A_1867 : vector<1x2304xi32> to vector<8x2304xi32>
    %le3A_2112 = arith.cmpi sle, %get3A_2110, %le3A_2111 : vector<8x2304xi32>
    %jit3A_2113 = arith.constant 97 : i32
    %broadcast_in_dim3A_2114 = vector.broadcast %jit3A_2113 : i32 to vector<8x2304xi32>
    %select_n3A_2115 = arith.select %le3A_2112, %broadcast_in_dim3A_2114, %select_n3A_2107 : vector<8x2304xi1>, vector<8x2304xi32>
    %get3A_2116 = arith.constant 768 : index
    %get3A_2117 = arith.constant 0 : index
    %get3A_2118 = vector.load %arg6[%get3A_2116, %get3A_2117] : memref<1024x2304xi32, #tpu.memory_space<vmem>>, vector<8x2304xi32>
    %le3A_2119 = vector.broadcast %select_n3A_1867 : vector<1x2304xi32> to vector<8x2304xi32>
    %le3A_2120 = arith.cmpi sle, %get3A_2118, %le3A_2119 : vector<8x2304xi32>
    %jit3A_2121 = arith.constant 96 : i32
    %broadcast_in_dim3A_2122 = vector.broadcast %jit3A_2121 : i32 to vector<8x2304xi32>
    %select_n3A_2123 = arith.select %le3A_2120, %broadcast_in_dim3A_2122, %select_n3A_2115 : vector<8x2304xi1>, vector<8x2304xi32>
    %get3A_2124 = arith.constant 760 : index
    %get3A_2125 = arith.constant 0 : index
    %get3A_2126 = vector.load %arg6[%get3A_2124, %get3A_2125] : memref<1024x2304xi32, #tpu.memory_space<vmem>>, vector<8x2304xi32>
    %le3A_2127 = vector.broadcast %select_n3A_1867 : vector<1x2304xi32> to vector<8x2304xi32>
    %le3A_2128 = arith.cmpi sle, %get3A_2126, %le3A_2127 : vector<8x2304xi32>
    %jit3A_2129 = arith.constant 95 : i32
    %broadcast_in_dim3A_2130 = vector.broadcast %jit3A_2129 : i32 to vector<8x2304xi32>
    %select_n3A_2131 = arith.select %le3A_2128, %broadcast_in_dim3A_2130, %select_n3A_2123 : vector<8x2304xi1>, vector<8x2304xi32>
    %get3A_2132 = arith.constant 752 : index
    %get3A_2133 = arith.constant 0 : index
    %get3A_2134 = vector.load %arg6[%get3A_2132, %get3A_2133] : memref<1024x2304xi32, #tpu.memory_space<vmem>>, vector<8x2304xi32>
    %le3A_2135 = vector.broadcast %select_n3A_1867 : vector<1x2304xi32> to vector<8x2304xi32>
    %le3A_2136 = arith.cmpi sle, %get3A_2134, %le3A_2135 : vector<8x2304xi32>
    %jit3A_2137 = arith.constant 94 : i32
    %broadcast_in_dim3A_2138 = vector.broadcast %jit3A_2137 : i32 to vector<8x2304xi32>
    %select_n3A_2139 = arith.select %le3A_2136, %broadcast_in_dim3A_2138, %select_n3A_2131 : vector<8x2304xi1>, vector<8x2304xi32>
    %get3A_2140 = arith.constant 744 : index
    %get3A_2141 = arith.constant 0 : index
    %get3A_2142 = vector.load %arg6[%get3A_2140, %get3A_2141] : memref<1024x2304xi32, #tpu.memory_space<vmem>>, vector<8x2304xi32>
    %le3A_2143 = vector.broadcast %select_n3A_1867 : vector<1x2304xi32> to vector<8x2304xi32>
    %le3A_2144 = arith.cmpi sle, %get3A_2142, %le3A_2143 : vector<8x2304xi32>
    %jit3A_2145 = arith.constant 93 : i32
    %broadcast_in_dim3A_2146 = vector.broadcast %jit3A_2145 : i32 to vector<8x2304xi32>
    %select_n3A_2147 = arith.select %le3A_2144, %broadcast_in_dim3A_2146, %select_n3A_2139 : vector<8x2304xi1>, vector<8x2304xi32>
    %get3A_2148 = arith.constant 736 : index
    %get3A_2149 = arith.constant 0 : index
    %get3A_2150 = vector.load %arg6[%get3A_2148, %get3A_2149] : memref<1024x2304xi32, #tpu.memory_space<vmem>>, vector<8x2304xi32>
    %le3A_2151 = vector.broadcast %select_n3A_1867 : vector<1x2304xi32> to vector<8x2304xi32>
    %le3A_2152 = arith.cmpi sle, %get3A_2150, %le3A_2151 : vector<8x2304xi32>
    %jit3A_2153 = arith.constant 92 : i32
    %broadcast_in_dim3A_2154 = vector.broadcast %jit3A_2153 : i32 to vector<8x2304xi32>
    %select_n3A_2155 = arith.select %le3A_2152, %broadcast_in_dim3A_2154, %select_n3A_2147 : vector<8x2304xi1>, vector<8x2304xi32>
    %get3A_2156 = arith.constant 728 : index
    %get3A_2157 = arith.constant 0 : index
    %get3A_2158 = vector.load %arg6[%get3A_2156, %get3A_2157] : memref<1024x2304xi32, #tpu.memory_space<vmem>>, vector<8x2304xi32>
    %le3A_2159 = vector.broadcast %select_n3A_1867 : vector<1x2304xi32> to vector<8x2304xi32>
    %le3A_2160 = arith.cmpi sle, %get3A_2158, %le3A_2159 : vector<8x2304xi32>
    %jit3A_2161 = arith.constant 91 : i32
    %broadcast_in_dim3A_2162 = vector.broadcast %jit3A_2161 : i32 to vector<8x2304xi32>
    %select_n3A_2163 = arith.select %le3A_2160, %broadcast_in_dim3A_2162, %select_n3A_2155 : vector<8x2304xi1>, vector<8x2304xi32>
    %get3A_2164 = arith.constant 720 : index
    %get3A_2165 = arith.constant 0 : index
    %get3A_2166 = vector.load %arg6[%get3A_2164, %get3A_2165] : memref<1024x2304xi32, #tpu.memory_space<vmem>>, vector<8x2304xi32>
    %le3A_2167 = vector.broadcast %select_n3A_1867 : vector<1x2304xi32> to vector<8x2304xi32>
    %le3A_2168 = arith.cmpi sle, %get3A_2166, %le3A_2167 : vector<8x2304xi32>
    %jit3A_2169 = arith.constant 90 : i32
    %broadcast_in_dim3A_2170 = vector.broadcast %jit3A_2169 : i32 to vector<8x2304xi32>
    %select_n3A_2171 = arith.select %le3A_2168, %broadcast_in_dim3A_2170, %select_n3A_2163 : vector<8x2304xi1>, vector<8x2304xi32>
    %get3A_2172 = arith.constant 712 : index
    %get3A_2173 = arith.constant 0 : index
    %get3A_2174 = vector.load %arg6[%get3A_2172, %get3A_2173] : memref<1024x2304xi32, #tpu.memory_space<vmem>>, vector<8x2304xi32>
    %le3A_2175 = vector.broadcast %select_n3A_1867 : vector<1x2304xi32> to vector<8x2304xi32>
    %le3A_2176 = arith.cmpi sle, %get3A_2174, %le3A_2175 : vector<8x2304xi32>
    %jit3A_2177 = arith.constant 89 : i32
    %broadcast_in_dim3A_2178 = vector.broadcast %jit3A_2177 : i32 to vector<8x2304xi32>
    %select_n3A_2179 = arith.select %le3A_2176, %broadcast_in_dim3A_2178, %select_n3A_2171 : vector<8x2304xi1>, vector<8x2304xi32>
    %get3A_2180 = arith.constant 704 : index
    %get3A_2181 = arith.constant 0 : index
    %get3A_2182 = vector.load %arg6[%get3A_2180, %get3A_2181] : memref<1024x2304xi32, #tpu.memory_space<vmem>>, vector<8x2304xi32>
    %le3A_2183 = vector.broadcast %select_n3A_1867 : vector<1x2304xi32> to vector<8x2304xi32>
    %le3A_2184 = arith.cmpi sle, %get3A_2182, %le3A_2183 : vector<8x2304xi32>
    %jit3A_2185 = arith.constant 88 : i32
    %broadcast_in_dim3A_2186 = vector.broadcast %jit3A_2185 : i32 to vector<8x2304xi32>
    %select_n3A_2187 = arith.select %le3A_2184, %broadcast_in_dim3A_2186, %select_n3A_2179 : vector<8x2304xi1>, vector<8x2304xi32>
    %get3A_2188 = arith.constant 696 : index
    %get3A_2189 = arith.constant 0 : index
    %get3A_2190 = vector.load %arg6[%get3A_2188, %get3A_2189] : memref<1024x2304xi32, #tpu.memory_space<vmem>>, vector<8x2304xi32>
    %le3A_2191 = vector.broadcast %select_n3A_1867 : vector<1x2304xi32> to vector<8x2304xi32>
    %le3A_2192 = arith.cmpi sle, %get3A_2190, %le3A_2191 : vector<8x2304xi32>
    %jit3A_2193 = arith.constant 87 : i32
    %broadcast_in_dim3A_2194 = vector.broadcast %jit3A_2193 : i32 to vector<8x2304xi32>
    %select_n3A_2195 = arith.select %le3A_2192, %broadcast_in_dim3A_2194, %select_n3A_2187 : vector<8x2304xi1>, vector<8x2304xi32>
    %get3A_2196 = arith.constant 688 : index
    %get3A_2197 = arith.constant 0 : index
    %get3A_2198 = vector.load %arg6[%get3A_2196, %get3A_2197] : memref<1024x2304xi32, #tpu.memory_space<vmem>>, vector<8x2304xi32>
    %le3A_2199 = vector.broadcast %select_n3A_1867 : vector<1x2304xi32> to vector<8x2304xi32>
    %le3A_2200 = arith.cmpi sle, %get3A_2198, %le3A_2199 : vector<8x2304xi32>
    %jit3A_2201 = arith.constant 86 : i32
    %broadcast_in_dim3A_2202 = vector.broadcast %jit3A_2201 : i32 to vector<8x2304xi32>
    %select_n3A_2203 = arith.select %le3A_2200, %broadcast_in_dim3A_2202, %select_n3A_2195 : vector<8x2304xi1>, vector<8x2304xi32>
    %get3A_2204 = arith.constant 680 : index
    %get3A_2205 = arith.constant 0 : index
    %get3A_2206 = vector.load %arg6[%get3A_2204, %get3A_2205] : memref<1024x2304xi32, #tpu.memory_space<vmem>>, vector<8x2304xi32>
    %le3A_2207 = vector.broadcast %select_n3A_1867 : vector<1x2304xi32> to vector<8x2304xi32>
    %le3A_2208 = arith.cmpi sle, %get3A_2206, %le3A_2207 : vector<8x2304xi32>
    %jit3A_2209 = arith.constant 85 : i32
    %broadcast_in_dim3A_2210 = vector.broadcast %jit3A_2209 : i32 to vector<8x2304xi32>
    %select_n3A_2211 = arith.select %le3A_2208, %broadcast_in_dim3A_2210, %select_n3A_2203 : vector<8x2304xi1>, vector<8x2304xi32>
    %get3A_2212 = arith.constant 672 : index
    %get3A_2213 = arith.constant 0 : index
    %get3A_2214 = vector.load %arg6[%get3A_2212, %get3A_2213] : memref<1024x2304xi32, #tpu.memory_space<vmem>>, vector<8x2304xi32>
    %le3A_2215 = vector.broadcast %select_n3A_1867 : vector<1x2304xi32> to vector<8x2304xi32>
    %le3A_2216 = arith.cmpi sle, %get3A_2214, %le3A_2215 : vector<8x2304xi32>
    %jit3A_2217 = arith.constant 84 : i32
    %broadcast_in_dim3A_2218 = vector.broadcast %jit3A_2217 : i32 to vector<8x2304xi32>
    %select_n3A_2219 = arith.select %le3A_2216, %broadcast_in_dim3A_2218, %select_n3A_2211 : vector<8x2304xi1>, vector<8x2304xi32>
    %get3A_2220 = arith.constant 664 : index
    %get3A_2221 = arith.constant 0 : index
    %get3A_2222 = vector.load %arg6[%get3A_2220, %get3A_2221] : memref<1024x2304xi32, #tpu.memory_space<vmem>>, vector<8x2304xi32>
    %le3A_2223 = vector.broadcast %select_n3A_1867 : vector<1x2304xi32> to vector<8x2304xi32>
    %le3A_2224 = arith.cmpi sle, %get3A_2222, %le3A_2223 : vector<8x2304xi32>
    %jit3A_2225 = arith.constant 83 : i32
    %broadcast_in_dim3A_2226 = vector.broadcast %jit3A_2225 : i32 to vector<8x2304xi32>
    %select_n3A_2227 = arith.select %le3A_2224, %broadcast_in_dim3A_2226, %select_n3A_2219 : vector<8x2304xi1>, vector<8x2304xi32>
    %get3A_2228 = arith.constant 656 : index
    %get3A_2229 = arith.constant 0 : index
    %get3A_2230 = vector.load %arg6[%get3A_2228, %get3A_2229] : memref<1024x2304xi32, #tpu.memory_space<vmem>>, vector<8x2304xi32>
    %le3A_2231 = vector.broadcast %select_n3A_1867 : vector<1x2304xi32> to vector<8x2304xi32>
    %le3A_2232 = arith.cmpi sle, %get3A_2230, %le3A_2231 : vector<8x2304xi32>
    %jit3A_2233 = arith.constant 82 : i32
    %broadcast_in_dim3A_2234 = vector.broadcast %jit3A_2233 : i32 to vector<8x2304xi32>
    %select_n3A_2235 = arith.select %le3A_2232, %broadcast_in_dim3A_2234, %select_n3A_2227 : vector<8x2304xi1>, vector<8x2304xi32>
    %get3A_2236 = arith.constant 648 : index
    %get3A_2237 = arith.constant 0 : index
    %get3A_2238 = vector.load %arg6[%get3A_2236, %get3A_2237] : memref<1024x2304xi32, #tpu.memory_space<vmem>>, vector<8x2304xi32>
    %le3A_2239 = vector.broadcast %select_n3A_1867 : vector<1x2304xi32> to vector<8x2304xi32>
    %le3A_2240 = arith.cmpi sle, %get3A_2238, %le3A_2239 : vector<8x2304xi32>
    %jit3A_2241 = arith.constant 81 : i32
    %broadcast_in_dim3A_2242 = vector.broadcast %jit3A_2241 : i32 to vector<8x2304xi32>
    %select_n3A_2243 = arith.select %le3A_2240, %broadcast_in_dim3A_2242, %select_n3A_2235 : vector<8x2304xi1>, vector<8x2304xi32>
    %get3A_2244 = arith.constant 640 : index
    %get3A_2245 = arith.constant 0 : index
    %get3A_2246 = vector.load %arg6[%get3A_2244, %get3A_2245] : memref<1024x2304xi32, #tpu.memory_space<vmem>>, vector<8x2304xi32>
    %le3A_2247 = vector.broadcast %select_n3A_1867 : vector<1x2304xi32> to vector<8x2304xi32>
    %le3A_2248 = arith.cmpi sle, %get3A_2246, %le3A_2247 : vector<8x2304xi32>
    %jit3A_2249 = arith.constant 80 : i32
    %broadcast_in_dim3A_2250 = vector.broadcast %jit3A_2249 : i32 to vector<8x2304xi32>
    %select_n3A_2251 = arith.select %le3A_2248, %broadcast_in_dim3A_2250, %select_n3A_2243 : vector<8x2304xi1>, vector<8x2304xi32>
    %get3A_2252 = arith.constant 632 : index
    %get3A_2253 = arith.constant 0 : index
    %get3A_2254 = vector.load %arg6[%get3A_2252, %get3A_2253] : memref<1024x2304xi32, #tpu.memory_space<vmem>>, vector<8x2304xi32>
    %le3A_2255 = vector.broadcast %select_n3A_1867 : vector<1x2304xi32> to vector<8x2304xi32>
    %le3A_2256 = arith.cmpi sle, %get3A_2254, %le3A_2255 : vector<8x2304xi32>
    %jit3A_2257 = arith.constant 79 : i32
    %broadcast_in_dim3A_2258 = vector.broadcast %jit3A_2257 : i32 to vector<8x2304xi32>
    %select_n3A_2259 = arith.select %le3A_2256, %broadcast_in_dim3A_2258, %select_n3A_2251 : vector<8x2304xi1>, vector<8x2304xi32>
    %get3A_2260 = arith.constant 624 : index
    %get3A_2261 = arith.constant 0 : index
    %get3A_2262 = vector.load %arg6[%get3A_2260, %get3A_2261] : memref<1024x2304xi32, #tpu.memory_space<vmem>>, vector<8x2304xi32>
    %le3A_2263 = vector.broadcast %select_n3A_1867 : vector<1x2304xi32> to vector<8x2304xi32>
    %le3A_2264 = arith.cmpi sle, %get3A_2262, %le3A_2263 : vector<8x2304xi32>
    %jit3A_2265 = arith.constant 78 : i32
    %broadcast_in_dim3A_2266 = vector.broadcast %jit3A_2265 : i32 to vector<8x2304xi32>
    %select_n3A_2267 = arith.select %le3A_2264, %broadcast_in_dim3A_2266, %select_n3A_2259 : vector<8x2304xi1>, vector<8x2304xi32>
    %get3A_2268 = arith.constant 616 : index
    %get3A_2269 = arith.constant 0 : index
    %get3A_2270 = vector.load %arg6[%get3A_2268, %get3A_2269] : memref<1024x2304xi32, #tpu.memory_space<vmem>>, vector<8x2304xi32>
    %le3A_2271 = vector.broadcast %select_n3A_1867 : vector<1x2304xi32> to vector<8x2304xi32>
    %le3A_2272 = arith.cmpi sle, %get3A_2270, %le3A_2271 : vector<8x2304xi32>
    %jit3A_2273 = arith.constant 77 : i32
    %broadcast_in_dim3A_2274 = vector.broadcast %jit3A_2273 : i32 to vector<8x2304xi32>
    %select_n3A_2275 = arith.select %le3A_2272, %broadcast_in_dim3A_2274, %select_n3A_2267 : vector<8x2304xi1>, vector<8x2304xi32>
    %get3A_2276 = arith.constant 608 : index
    %get3A_2277 = arith.constant 0 : index
    %get3A_2278 = vector.load %arg6[%get3A_2276, %get3A_2277] : memref<1024x2304xi32, #tpu.memory_space<vmem>>, vector<8x2304xi32>
    %le3A_2279 = vector.broadcast %select_n3A_1867 : vector<1x2304xi32> to vector<8x2304xi32>
    %le3A_2280 = arith.cmpi sle, %get3A_2278, %le3A_2279 : vector<8x2304xi32>
    %jit3A_2281 = arith.constant 76 : i32
    %broadcast_in_dim3A_2282 = vector.broadcast %jit3A_2281 : i32 to vector<8x2304xi32>
    %select_n3A_2283 = arith.select %le3A_2280, %broadcast_in_dim3A_2282, %select_n3A_2275 : vector<8x2304xi1>, vector<8x2304xi32>
    %get3A_2284 = arith.constant 600 : index
    %get3A_2285 = arith.constant 0 : index
    %get3A_2286 = vector.load %arg6[%get3A_2284, %get3A_2285] : memref<1024x2304xi32, #tpu.memory_space<vmem>>, vector<8x2304xi32>
    %le3A_2287 = vector.broadcast %select_n3A_1867 : vector<1x2304xi32> to vector<8x2304xi32>
    %le3A_2288 = arith.cmpi sle, %get3A_2286, %le3A_2287 : vector<8x2304xi32>
    %jit3A_2289 = arith.constant 75 : i32
    %broadcast_in_dim3A_2290 = vector.broadcast %jit3A_2289 : i32 to vector<8x2304xi32>
    %select_n3A_2291 = arith.select %le3A_2288, %broadcast_in_dim3A_2290, %select_n3A_2283 : vector<8x2304xi1>, vector<8x2304xi32>
    %get3A_2292 = arith.constant 592 : index
    %get3A_2293 = arith.constant 0 : index
    %get3A_2294 = vector.load %arg6[%get3A_2292, %get3A_2293] : memref<1024x2304xi32, #tpu.memory_space<vmem>>, vector<8x2304xi32>
    %le3A_2295 = vector.broadcast %select_n3A_1867 : vector<1x2304xi32> to vector<8x2304xi32>
    %le3A_2296 = arith.cmpi sle, %get3A_2294, %le3A_2295 : vector<8x2304xi32>
    %jit3A_2297 = arith.constant 74 : i32
    %broadcast_in_dim3A_2298 = vector.broadcast %jit3A_2297 : i32 to vector<8x2304xi32>
    %select_n3A_2299 = arith.select %le3A_2296, %broadcast_in_dim3A_2298, %select_n3A_2291 : vector<8x2304xi1>, vector<8x2304xi32>
    %get3A_2300 = arith.constant 584 : index
    %get3A_2301 = arith.constant 0 : index
    %get3A_2302 = vector.load %arg6[%get3A_2300, %get3A_2301] : memref<1024x2304xi32, #tpu.memory_space<vmem>>, vector<8x2304xi32>
    %le3A_2303 = vector.broadcast %select_n3A_1867 : vector<1x2304xi32> to vector<8x2304xi32>
    %le3A_2304 = arith.cmpi sle, %get3A_2302, %le3A_2303 : vector<8x2304xi32>
    %jit3A_2305 = arith.constant 73 : i32
    %broadcast_in_dim3A_2306 = vector.broadcast %jit3A_2305 : i32 to vector<8x2304xi32>
    %select_n3A_2307 = arith.select %le3A_2304, %broadcast_in_dim3A_2306, %select_n3A_2299 : vector<8x2304xi1>, vector<8x2304xi32>
    %get3A_2308 = arith.constant 576 : index
    %get3A_2309 = arith.constant 0 : index
    %get3A_2310 = vector.load %arg6[%get3A_2308, %get3A_2309] : memref<1024x2304xi32, #tpu.memory_space<vmem>>, vector<8x2304xi32>
    %le3A_2311 = vector.broadcast %select_n3A_1867 : vector<1x2304xi32> to vector<8x2304xi32>
    %le3A_2312 = arith.cmpi sle, %get3A_2310, %le3A_2311 : vector<8x2304xi32>
    %jit3A_2313 = arith.constant 72 : i32
    %broadcast_in_dim3A_2314 = vector.broadcast %jit3A_2313 : i32 to vector<8x2304xi32>
    %select_n3A_2315 = arith.select %le3A_2312, %broadcast_in_dim3A_2314, %select_n3A_2307 : vector<8x2304xi1>, vector<8x2304xi32>
    %get3A_2316 = arith.constant 568 : index
    %get3A_2317 = arith.constant 0 : index
    %get3A_2318 = vector.load %arg6[%get3A_2316, %get3A_2317] : memref<1024x2304xi32, #tpu.memory_space<vmem>>, vector<8x2304xi32>
    %le3A_2319 = vector.broadcast %select_n3A_1867 : vector<1x2304xi32> to vector<8x2304xi32>
    %le3A_2320 = arith.cmpi sle, %get3A_2318, %le3A_2319 : vector<8x2304xi32>
    %jit3A_2321 = arith.constant 71 : i32
    %broadcast_in_dim3A_2322 = vector.broadcast %jit3A_2321 : i32 to vector<8x2304xi32>
    %select_n3A_2323 = arith.select %le3A_2320, %broadcast_in_dim3A_2322, %select_n3A_2315 : vector<8x2304xi1>, vector<8x2304xi32>
    %get3A_2324 = arith.constant 560 : index
    %get3A_2325 = arith.constant 0 : index
    %get3A_2326 = vector.load %arg6[%get3A_2324, %get3A_2325] : memref<1024x2304xi32, #tpu.memory_space<vmem>>, vector<8x2304xi32>
    %le3A_2327 = vector.broadcast %select_n3A_1867 : vector<1x2304xi32> to vector<8x2304xi32>
    %le3A_2328 = arith.cmpi sle, %get3A_2326, %le3A_2327 : vector<8x2304xi32>
    %jit3A_2329 = arith.constant 70 : i32
    %broadcast_in_dim3A_2330 = vector.broadcast %jit3A_2329 : i32 to vector<8x2304xi32>
    %select_n3A_2331 = arith.select %le3A_2328, %broadcast_in_dim3A_2330, %select_n3A_2323 : vector<8x2304xi1>, vector<8x2304xi32>
    %get3A_2332 = arith.constant 552 : index
    %get3A_2333 = arith.constant 0 : index
    %get3A_2334 = vector.load %arg6[%get3A_2332, %get3A_2333] : memref<1024x2304xi32, #tpu.memory_space<vmem>>, vector<8x2304xi32>
    %le3A_2335 = vector.broadcast %select_n3A_1867 : vector<1x2304xi32> to vector<8x2304xi32>
    %le3A_2336 = arith.cmpi sle, %get3A_2334, %le3A_2335 : vector<8x2304xi32>
    %jit3A_2337 = arith.constant 69 : i32
    %broadcast_in_dim3A_2338 = vector.broadcast %jit3A_2337 : i32 to vector<8x2304xi32>
    %select_n3A_2339 = arith.select %le3A_2336, %broadcast_in_dim3A_2338, %select_n3A_2331 : vector<8x2304xi1>, vector<8x2304xi32>
    %get3A_2340 = arith.constant 544 : index
    %get3A_2341 = arith.constant 0 : index
    %get3A_2342 = vector.load %arg6[%get3A_2340, %get3A_2341] : memref<1024x2304xi32, #tpu.memory_space<vmem>>, vector<8x2304xi32>
    %le3A_2343 = vector.broadcast %select_n3A_1867 : vector<1x2304xi32> to vector<8x2304xi32>
    %le3A_2344 = arith.cmpi sle, %get3A_2342, %le3A_2343 : vector<8x2304xi32>
    %jit3A_2345 = arith.constant 68 : i32
    %broadcast_in_dim3A_2346 = vector.broadcast %jit3A_2345 : i32 to vector<8x2304xi32>
    %select_n3A_2347 = arith.select %le3A_2344, %broadcast_in_dim3A_2346, %select_n3A_2339 : vector<8x2304xi1>, vector<8x2304xi32>
    %get3A_2348 = arith.constant 536 : index
    %get3A_2349 = arith.constant 0 : index
    %get3A_2350 = vector.load %arg6[%get3A_2348, %get3A_2349] : memref<1024x2304xi32, #tpu.memory_space<vmem>>, vector<8x2304xi32>
    %le3A_2351 = vector.broadcast %select_n3A_1867 : vector<1x2304xi32> to vector<8x2304xi32>
    %le3A_2352 = arith.cmpi sle, %get3A_2350, %le3A_2351 : vector<8x2304xi32>
    %jit3A_2353 = arith.constant 67 : i32
    %broadcast_in_dim3A_2354 = vector.broadcast %jit3A_2353 : i32 to vector<8x2304xi32>
    %select_n3A_2355 = arith.select %le3A_2352, %broadcast_in_dim3A_2354, %select_n3A_2347 : vector<8x2304xi1>, vector<8x2304xi32>
    %get3A_2356 = arith.constant 528 : index
    %get3A_2357 = arith.constant 0 : index
    %get3A_2358 = vector.load %arg6[%get3A_2356, %get3A_2357] : memref<1024x2304xi32, #tpu.memory_space<vmem>>, vector<8x2304xi32>
    %le3A_2359 = vector.broadcast %select_n3A_1867 : vector<1x2304xi32> to vector<8x2304xi32>
    %le3A_2360 = arith.cmpi sle, %get3A_2358, %le3A_2359 : vector<8x2304xi32>
    %jit3A_2361 = arith.constant 66 : i32
    %broadcast_in_dim3A_2362 = vector.broadcast %jit3A_2361 : i32 to vector<8x2304xi32>
    %select_n3A_2363 = arith.select %le3A_2360, %broadcast_in_dim3A_2362, %select_n3A_2355 : vector<8x2304xi1>, vector<8x2304xi32>
    %get3A_2364 = arith.constant 520 : index
    %get3A_2365 = arith.constant 0 : index
    %get3A_2366 = vector.load %arg6[%get3A_2364, %get3A_2365] : memref<1024x2304xi32, #tpu.memory_space<vmem>>, vector<8x2304xi32>
    %le3A_2367 = vector.broadcast %select_n3A_1867 : vector<1x2304xi32> to vector<8x2304xi32>
    %le3A_2368 = arith.cmpi sle, %get3A_2366, %le3A_2367 : vector<8x2304xi32>
    %jit3A_2369 = arith.constant 65 : i32
    %broadcast_in_dim3A_2370 = vector.broadcast %jit3A_2369 : i32 to vector<8x2304xi32>
    %select_n3A_2371 = arith.select %le3A_2368, %broadcast_in_dim3A_2370, %select_n3A_2363 : vector<8x2304xi1>, vector<8x2304xi32>
    %get3A_2372 = arith.constant 512 : index
    %get3A_2373 = arith.constant 0 : index
    %get3A_2374 = vector.load %arg6[%get3A_2372, %get3A_2373] : memref<1024x2304xi32, #tpu.memory_space<vmem>>, vector<8x2304xi32>
    %le3A_2375 = vector.broadcast %select_n3A_1867 : vector<1x2304xi32> to vector<8x2304xi32>
    %le3A_2376 = arith.cmpi sle, %get3A_2374, %le3A_2375 : vector<8x2304xi32>
    %jit3A_2377 = arith.constant 64 : i32
    %broadcast_in_dim3A_2378 = vector.broadcast %jit3A_2377 : i32 to vector<8x2304xi32>
    %select_n3A_2379 = arith.select %le3A_2376, %broadcast_in_dim3A_2378, %select_n3A_2371 : vector<8x2304xi1>, vector<8x2304xi32>
    %get3A_2380 = arith.constant 504 : index
    %get3A_2381 = arith.constant 0 : index
    %get3A_2382 = vector.load %arg6[%get3A_2380, %get3A_2381] : memref<1024x2304xi32, #tpu.memory_space<vmem>>, vector<8x2304xi32>
    %le3A_2383 = vector.broadcast %select_n3A_1867 : vector<1x2304xi32> to vector<8x2304xi32>
    %le3A_2384 = arith.cmpi sle, %get3A_2382, %le3A_2383 : vector<8x2304xi32>
    %jit3A_2385 = arith.constant 63 : i32
    %broadcast_in_dim3A_2386 = vector.broadcast %jit3A_2385 : i32 to vector<8x2304xi32>
    %select_n3A_2387 = arith.select %le3A_2384, %broadcast_in_dim3A_2386, %select_n3A_2379 : vector<8x2304xi1>, vector<8x2304xi32>
    %get3A_2388 = arith.constant 496 : index
    %get3A_2389 = arith.constant 0 : index
    %get3A_2390 = vector.load %arg6[%get3A_2388, %get3A_2389] : memref<1024x2304xi32, #tpu.memory_space<vmem>>, vector<8x2304xi32>
    %le3A_2391 = vector.broadcast %select_n3A_1867 : vector<1x2304xi32> to vector<8x2304xi32>
    %le3A_2392 = arith.cmpi sle, %get3A_2390, %le3A_2391 : vector<8x2304xi32>
    %jit3A_2393 = arith.constant 62 : i32
    %broadcast_in_dim3A_2394 = vector.broadcast %jit3A_2393 : i32 to vector<8x2304xi32>
    %select_n3A_2395 = arith.select %le3A_2392, %broadcast_in_dim3A_2394, %select_n3A_2387 : vector<8x2304xi1>, vector<8x2304xi32>
    %get3A_2396 = arith.constant 488 : index
    %get3A_2397 = arith.constant 0 : index
    %get3A_2398 = vector.load %arg6[%get3A_2396, %get3A_2397] : memref<1024x2304xi32, #tpu.memory_space<vmem>>, vector<8x2304xi32>
    %le3A_2399 = vector.broadcast %select_n3A_1867 : vector<1x2304xi32> to vector<8x2304xi32>
    %le3A_2400 = arith.cmpi sle, %get3A_2398, %le3A_2399 : vector<8x2304xi32>
    %jit3A_2401 = arith.constant 61 : i32
    %broadcast_in_dim3A_2402 = vector.broadcast %jit3A_2401 : i32 to vector<8x2304xi32>
    %select_n3A_2403 = arith.select %le3A_2400, %broadcast_in_dim3A_2402, %select_n3A_2395 : vector<8x2304xi1>, vector<8x2304xi32>
    %get3A_2404 = arith.constant 480 : index
    %get3A_2405 = arith.constant 0 : index
    %get3A_2406 = vector.load %arg6[%get3A_2404, %get3A_2405] : memref<1024x2304xi32, #tpu.memory_space<vmem>>, vector<8x2304xi32>
    %le3A_2407 = vector.broadcast %select_n3A_1867 : vector<1x2304xi32> to vector<8x2304xi32>
    %le3A_2408 = arith.cmpi sle, %get3A_2406, %le3A_2407 : vector<8x2304xi32>
    %jit3A_2409 = arith.constant 60 : i32
    %broadcast_in_dim3A_2410 = vector.broadcast %jit3A_2409 : i32 to vector<8x2304xi32>
    %select_n3A_2411 = arith.select %le3A_2408, %broadcast_in_dim3A_2410, %select_n3A_2403 : vector<8x2304xi1>, vector<8x2304xi32>
    %get3A_2412 = arith.constant 472 : index
    %get3A_2413 = arith.constant 0 : index
    %get3A_2414 = vector.load %arg6[%get3A_2412, %get3A_2413] : memref<1024x2304xi32, #tpu.memory_space<vmem>>, vector<8x2304xi32>
    %le3A_2415 = vector.broadcast %select_n3A_1867 : vector<1x2304xi32> to vector<8x2304xi32>
    %le3A_2416 = arith.cmpi sle, %get3A_2414, %le3A_2415 : vector<8x2304xi32>
    %jit3A_2417 = arith.constant 59 : i32
    %broadcast_in_dim3A_2418 = vector.broadcast %jit3A_2417 : i32 to vector<8x2304xi32>
    %select_n3A_2419 = arith.select %le3A_2416, %broadcast_in_dim3A_2418, %select_n3A_2411 : vector<8x2304xi1>, vector<8x2304xi32>
    %get3A_2420 = arith.constant 464 : index
    %get3A_2421 = arith.constant 0 : index
    %get3A_2422 = vector.load %arg6[%get3A_2420, %get3A_2421] : memref<1024x2304xi32, #tpu.memory_space<vmem>>, vector<8x2304xi32>
    %le3A_2423 = vector.broadcast %select_n3A_1867 : vector<1x2304xi32> to vector<8x2304xi32>
    %le3A_2424 = arith.cmpi sle, %get3A_2422, %le3A_2423 : vector<8x2304xi32>
    %jit3A_2425 = arith.constant 58 : i32
    %broadcast_in_dim3A_2426 = vector.broadcast %jit3A_2425 : i32 to vector<8x2304xi32>
    %select_n3A_2427 = arith.select %le3A_2424, %broadcast_in_dim3A_2426, %select_n3A_2419 : vector<8x2304xi1>, vector<8x2304xi32>
    %get3A_2428 = arith.constant 456 : index
    %get3A_2429 = arith.constant 0 : index
    %get3A_2430 = vector.load %arg6[%get3A_2428, %get3A_2429] : memref<1024x2304xi32, #tpu.memory_space<vmem>>, vector<8x2304xi32>
    %le3A_2431 = vector.broadcast %select_n3A_1867 : vector<1x2304xi32> to vector<8x2304xi32>
    %le3A_2432 = arith.cmpi sle, %get3A_2430, %le3A_2431 : vector<8x2304xi32>
    %jit3A_2433 = arith.constant 57 : i32
    %broadcast_in_dim3A_2434 = vector.broadcast %jit3A_2433 : i32 to vector<8x2304xi32>
    %select_n3A_2435 = arith.select %le3A_2432, %broadcast_in_dim3A_2434, %select_n3A_2427 : vector<8x2304xi1>, vector<8x2304xi32>
    %get3A_2436 = arith.constant 448 : index
    %get3A_2437 = arith.constant 0 : index
    %get3A_2438 = vector.load %arg6[%get3A_2436, %get3A_2437] : memref<1024x2304xi32, #tpu.memory_space<vmem>>, vector<8x2304xi32>
    %le3A_2439 = vector.broadcast %select_n3A_1867 : vector<1x2304xi32> to vector<8x2304xi32>
    %le3A_2440 = arith.cmpi sle, %get3A_2438, %le3A_2439 : vector<8x2304xi32>
    %jit3A_2441 = arith.constant 56 : i32
    %broadcast_in_dim3A_2442 = vector.broadcast %jit3A_2441 : i32 to vector<8x2304xi32>
    %select_n3A_2443 = arith.select %le3A_2440, %broadcast_in_dim3A_2442, %select_n3A_2435 : vector<8x2304xi1>, vector<8x2304xi32>
    %get3A_2444 = arith.constant 440 : index
    %get3A_2445 = arith.constant 0 : index
    %get3A_2446 = vector.load %arg6[%get3A_2444, %get3A_2445] : memref<1024x2304xi32, #tpu.memory_space<vmem>>, vector<8x2304xi32>
    %le3A_2447 = vector.broadcast %select_n3A_1867 : vector<1x2304xi32> to vector<8x2304xi32>
    %le3A_2448 = arith.cmpi sle, %get3A_2446, %le3A_2447 : vector<8x2304xi32>
    %jit3A_2449 = arith.constant 55 : i32
    %broadcast_in_dim3A_2450 = vector.broadcast %jit3A_2449 : i32 to vector<8x2304xi32>
    %select_n3A_2451 = arith.select %le3A_2448, %broadcast_in_dim3A_2450, %select_n3A_2443 : vector<8x2304xi1>, vector<8x2304xi32>
    %get3A_2452 = arith.constant 432 : index
    %get3A_2453 = arith.constant 0 : index
    %get3A_2454 = vector.load %arg6[%get3A_2452, %get3A_2453] : memref<1024x2304xi32, #tpu.memory_space<vmem>>, vector<8x2304xi32>
    %le3A_2455 = vector.broadcast %select_n3A_1867 : vector<1x2304xi32> to vector<8x2304xi32>
    %le3A_2456 = arith.cmpi sle, %get3A_2454, %le3A_2455 : vector<8x2304xi32>
    %jit3A_2457 = arith.constant 54 : i32
    %broadcast_in_dim3A_2458 = vector.broadcast %jit3A_2457 : i32 to vector<8x2304xi32>
    %select_n3A_2459 = arith.select %le3A_2456, %broadcast_in_dim3A_2458, %select_n3A_2451 : vector<8x2304xi1>, vector<8x2304xi32>
    %get3A_2460 = arith.constant 424 : index
    %get3A_2461 = arith.constant 0 : index
    %get3A_2462 = vector.load %arg6[%get3A_2460, %get3A_2461] : memref<1024x2304xi32, #tpu.memory_space<vmem>>, vector<8x2304xi32>
    %le3A_2463 = vector.broadcast %select_n3A_1867 : vector<1x2304xi32> to vector<8x2304xi32>
    %le3A_2464 = arith.cmpi sle, %get3A_2462, %le3A_2463 : vector<8x2304xi32>
    %jit3A_2465 = arith.constant 53 : i32
    %broadcast_in_dim3A_2466 = vector.broadcast %jit3A_2465 : i32 to vector<8x2304xi32>
    %select_n3A_2467 = arith.select %le3A_2464, %broadcast_in_dim3A_2466, %select_n3A_2459 : vector<8x2304xi1>, vector<8x2304xi32>
    %get3A_2468 = arith.constant 416 : index
    %get3A_2469 = arith.constant 0 : index
    %get3A_2470 = vector.load %arg6[%get3A_2468, %get3A_2469] : memref<1024x2304xi32, #tpu.memory_space<vmem>>, vector<8x2304xi32>
    %le3A_2471 = vector.broadcast %select_n3A_1867 : vector<1x2304xi32> to vector<8x2304xi32>
    %le3A_2472 = arith.cmpi sle, %get3A_2470, %le3A_2471 : vector<8x2304xi32>
    %jit3A_2473 = arith.constant 52 : i32
    %broadcast_in_dim3A_2474 = vector.broadcast %jit3A_2473 : i32 to vector<8x2304xi32>
    %select_n3A_2475 = arith.select %le3A_2472, %broadcast_in_dim3A_2474, %select_n3A_2467 : vector<8x2304xi1>, vector<8x2304xi32>
    %get3A_2476 = arith.constant 408 : index
    %get3A_2477 = arith.constant 0 : index
    %get3A_2478 = vector.load %arg6[%get3A_2476, %get3A_2477] : memref<1024x2304xi32, #tpu.memory_space<vmem>>, vector<8x2304xi32>
    %le3A_2479 = vector.broadcast %select_n3A_1867 : vector<1x2304xi32> to vector<8x2304xi32>
    %le3A_2480 = arith.cmpi sle, %get3A_2478, %le3A_2479 : vector<8x2304xi32>
    %jit3A_2481 = arith.constant 51 : i32
    %broadcast_in_dim3A_2482 = vector.broadcast %jit3A_2481 : i32 to vector<8x2304xi32>
    %select_n3A_2483 = arith.select %le3A_2480, %broadcast_in_dim3A_2482, %select_n3A_2475 : vector<8x2304xi1>, vector<8x2304xi32>
    %get3A_2484 = arith.constant 400 : index
    %get3A_2485 = arith.constant 0 : index
    %get3A_2486 = vector.load %arg6[%get3A_2484, %get3A_2485] : memref<1024x2304xi32, #tpu.memory_space<vmem>>, vector<8x2304xi32>
    %le3A_2487 = vector.broadcast %select_n3A_1867 : vector<1x2304xi32> to vector<8x2304xi32>
    %le3A_2488 = arith.cmpi sle, %get3A_2486, %le3A_2487 : vector<8x2304xi32>
    %jit3A_2489 = arith.constant 50 : i32
    %broadcast_in_dim3A_2490 = vector.broadcast %jit3A_2489 : i32 to vector<8x2304xi32>
    %select_n3A_2491 = arith.select %le3A_2488, %broadcast_in_dim3A_2490, %select_n3A_2483 : vector<8x2304xi1>, vector<8x2304xi32>
    %get3A_2492 = arith.constant 392 : index
    %get3A_2493 = arith.constant 0 : index
    %get3A_2494 = vector.load %arg6[%get3A_2492, %get3A_2493] : memref<1024x2304xi32, #tpu.memory_space<vmem>>, vector<8x2304xi32>
    %le3A_2495 = vector.broadcast %select_n3A_1867 : vector<1x2304xi32> to vector<8x2304xi32>
    %le3A_2496 = arith.cmpi sle, %get3A_2494, %le3A_2495 : vector<8x2304xi32>
    %jit3A_2497 = arith.constant 49 : i32
    %broadcast_in_dim3A_2498 = vector.broadcast %jit3A_2497 : i32 to vector<8x2304xi32>
    %select_n3A_2499 = arith.select %le3A_2496, %broadcast_in_dim3A_2498, %select_n3A_2491 : vector<8x2304xi1>, vector<8x2304xi32>
    %get3A_2500 = arith.constant 384 : index
    %get3A_2501 = arith.constant 0 : index
    %get3A_2502 = vector.load %arg6[%get3A_2500, %get3A_2501] : memref<1024x2304xi32, #tpu.memory_space<vmem>>, vector<8x2304xi32>
    %le3A_2503 = vector.broadcast %select_n3A_1867 : vector<1x2304xi32> to vector<8x2304xi32>
    %le3A_2504 = arith.cmpi sle, %get3A_2502, %le3A_2503 : vector<8x2304xi32>
    %jit3A_2505 = arith.constant 48 : i32
    %broadcast_in_dim3A_2506 = vector.broadcast %jit3A_2505 : i32 to vector<8x2304xi32>
    %select_n3A_2507 = arith.select %le3A_2504, %broadcast_in_dim3A_2506, %select_n3A_2499 : vector<8x2304xi1>, vector<8x2304xi32>
    %get3A_2508 = arith.constant 376 : index
    %get3A_2509 = arith.constant 0 : index
    %get3A_2510 = vector.load %arg6[%get3A_2508, %get3A_2509] : memref<1024x2304xi32, #tpu.memory_space<vmem>>, vector<8x2304xi32>
    %le3A_2511 = vector.broadcast %select_n3A_1867 : vector<1x2304xi32> to vector<8x2304xi32>
    %le3A_2512 = arith.cmpi sle, %get3A_2510, %le3A_2511 : vector<8x2304xi32>
    %jit3A_2513 = arith.constant 47 : i32
    %broadcast_in_dim3A_2514 = vector.broadcast %jit3A_2513 : i32 to vector<8x2304xi32>
    %select_n3A_2515 = arith.select %le3A_2512, %broadcast_in_dim3A_2514, %select_n3A_2507 : vector<8x2304xi1>, vector<8x2304xi32>
    %get3A_2516 = arith.constant 368 : index
    %get3A_2517 = arith.constant 0 : index
    %get3A_2518 = vector.load %arg6[%get3A_2516, %get3A_2517] : memref<1024x2304xi32, #tpu.memory_space<vmem>>, vector<8x2304xi32>
    %le3A_2519 = vector.broadcast %select_n3A_1867 : vector<1x2304xi32> to vector<8x2304xi32>
    %le3A_2520 = arith.cmpi sle, %get3A_2518, %le3A_2519 : vector<8x2304xi32>
    %jit3A_2521 = arith.constant 46 : i32
    %broadcast_in_dim3A_2522 = vector.broadcast %jit3A_2521 : i32 to vector<8x2304xi32>
    %select_n3A_2523 = arith.select %le3A_2520, %broadcast_in_dim3A_2522, %select_n3A_2515 : vector<8x2304xi1>, vector<8x2304xi32>
    %get3A_2524 = arith.constant 360 : index
    %get3A_2525 = arith.constant 0 : index
    %get3A_2526 = vector.load %arg6[%get3A_2524, %get3A_2525] : memref<1024x2304xi32, #tpu.memory_space<vmem>>, vector<8x2304xi32>
    %le3A_2527 = vector.broadcast %select_n3A_1867 : vector<1x2304xi32> to vector<8x2304xi32>
    %le3A_2528 = arith.cmpi sle, %get3A_2526, %le3A_2527 : vector<8x2304xi32>
    %jit3A_2529 = arith.constant 45 : i32
    %broadcast_in_dim3A_2530 = vector.broadcast %jit3A_2529 : i32 to vector<8x2304xi32>
    %select_n3A_2531 = arith.select %le3A_2528, %broadcast_in_dim3A_2530, %select_n3A_2523 : vector<8x2304xi1>, vector<8x2304xi32>
    %get3A_2532 = arith.constant 352 : index
    %get3A_2533 = arith.constant 0 : index
    %get3A_2534 = vector.load %arg6[%get3A_2532, %get3A_2533] : memref<1024x2304xi32, #tpu.memory_space<vmem>>, vector<8x2304xi32>
    %le3A_2535 = vector.broadcast %select_n3A_1867 : vector<1x2304xi32> to vector<8x2304xi32>
    %le3A_2536 = arith.cmpi sle, %get3A_2534, %le3A_2535 : vector<8x2304xi32>
    %jit3A_2537 = arith.constant 44 : i32
    %broadcast_in_dim3A_2538 = vector.broadcast %jit3A_2537 : i32 to vector<8x2304xi32>
    %select_n3A_2539 = arith.select %le3A_2536, %broadcast_in_dim3A_2538, %select_n3A_2531 : vector<8x2304xi1>, vector<8x2304xi32>
    %get3A_2540 = arith.constant 344 : index
    %get3A_2541 = arith.constant 0 : index
    %get3A_2542 = vector.load %arg6[%get3A_2540, %get3A_2541] : memref<1024x2304xi32, #tpu.memory_space<vmem>>, vector<8x2304xi32>
    %le3A_2543 = vector.broadcast %select_n3A_1867 : vector<1x2304xi32> to vector<8x2304xi32>
    %le3A_2544 = arith.cmpi sle, %get3A_2542, %le3A_2543 : vector<8x2304xi32>
    %jit3A_2545 = arith.constant 43 : i32
    %broadcast_in_dim3A_2546 = vector.broadcast %jit3A_2545 : i32 to vector<8x2304xi32>
    %select_n3A_2547 = arith.select %le3A_2544, %broadcast_in_dim3A_2546, %select_n3A_2539 : vector<8x2304xi1>, vector<8x2304xi32>
    %get3A_2548 = arith.constant 336 : index
    %get3A_2549 = arith.constant 0 : index
    %get3A_2550 = vector.load %arg6[%get3A_2548, %get3A_2549] : memref<1024x2304xi32, #tpu.memory_space<vmem>>, vector<8x2304xi32>
    %le3A_2551 = vector.broadcast %select_n3A_1867 : vector<1x2304xi32> to vector<8x2304xi32>
    %le3A_2552 = arith.cmpi sle, %get3A_2550, %le3A_2551 : vector<8x2304xi32>
    %jit3A_2553 = arith.constant 42 : i32
    %broadcast_in_dim3A_2554 = vector.broadcast %jit3A_2553 : i32 to vector<8x2304xi32>
    %select_n3A_2555 = arith.select %le3A_2552, %broadcast_in_dim3A_2554, %select_n3A_2547 : vector<8x2304xi1>, vector<8x2304xi32>
    %get3A_2556 = arith.constant 328 : index
    %get3A_2557 = arith.constant 0 : index
    %get3A_2558 = vector.load %arg6[%get3A_2556, %get3A_2557] : memref<1024x2304xi32, #tpu.memory_space<vmem>>, vector<8x2304xi32>
    %le3A_2559 = vector.broadcast %select_n3A_1867 : vector<1x2304xi32> to vector<8x2304xi32>
    %le3A_2560 = arith.cmpi sle, %get3A_2558, %le3A_2559 : vector<8x2304xi32>
    %jit3A_2561 = arith.constant 41 : i32
    %broadcast_in_dim3A_2562 = vector.broadcast %jit3A_2561 : i32 to vector<8x2304xi32>
    %select_n3A_2563 = arith.select %le3A_2560, %broadcast_in_dim3A_2562, %select_n3A_2555 : vector<8x2304xi1>, vector<8x2304xi32>
    %get3A_2564 = arith.constant 320 : index
    %get3A_2565 = arith.constant 0 : index
    %get3A_2566 = vector.load %arg6[%get3A_2564, %get3A_2565] : memref<1024x2304xi32, #tpu.memory_space<vmem>>, vector<8x2304xi32>
    %le3A_2567 = vector.broadcast %select_n3A_1867 : vector<1x2304xi32> to vector<8x2304xi32>
    %le3A_2568 = arith.cmpi sle, %get3A_2566, %le3A_2567 : vector<8x2304xi32>
    %jit3A_2569 = arith.constant 40 : i32
    %broadcast_in_dim3A_2570 = vector.broadcast %jit3A_2569 : i32 to vector<8x2304xi32>
    %select_n3A_2571 = arith.select %le3A_2568, %broadcast_in_dim3A_2570, %select_n3A_2563 : vector<8x2304xi1>, vector<8x2304xi32>
    %get3A_2572 = arith.constant 312 : index
    %get3A_2573 = arith.constant 0 : index
    %get3A_2574 = vector.load %arg6[%get3A_2572, %get3A_2573] : memref<1024x2304xi32, #tpu.memory_space<vmem>>, vector<8x2304xi32>
    %le3A_2575 = vector.broadcast %select_n3A_1867 : vector<1x2304xi32> to vector<8x2304xi32>
    %le3A_2576 = arith.cmpi sle, %get3A_2574, %le3A_2575 : vector<8x2304xi32>
    %jit3A_2577 = arith.constant 39 : i32
    %broadcast_in_dim3A_2578 = vector.broadcast %jit3A_2577 : i32 to vector<8x2304xi32>
    %select_n3A_2579 = arith.select %le3A_2576, %broadcast_in_dim3A_2578, %select_n3A_2571 : vector<8x2304xi1>, vector<8x2304xi32>
    %get3A_2580 = arith.constant 304 : index
    %get3A_2581 = arith.constant 0 : index
    %get3A_2582 = vector.load %arg6[%get3A_2580, %get3A_2581] : memref<1024x2304xi32, #tpu.memory_space<vmem>>, vector<8x2304xi32>
    %le3A_2583 = vector.broadcast %select_n3A_1867 : vector<1x2304xi32> to vector<8x2304xi32>
    %le3A_2584 = arith.cmpi sle, %get3A_2582, %le3A_2583 : vector<8x2304xi32>
    %jit3A_2585 = arith.constant 38 : i32
    %broadcast_in_dim3A_2586 = vector.broadcast %jit3A_2585 : i32 to vector<8x2304xi32>
    %select_n3A_2587 = arith.select %le3A_2584, %broadcast_in_dim3A_2586, %select_n3A_2579 : vector<8x2304xi1>, vector<8x2304xi32>
    %get3A_2588 = arith.constant 296 : index
    %get3A_2589 = arith.constant 0 : index
    %get3A_2590 = vector.load %arg6[%get3A_2588, %get3A_2589] : memref<1024x2304xi32, #tpu.memory_space<vmem>>, vector<8x2304xi32>
    %le3A_2591 = vector.broadcast %select_n3A_1867 : vector<1x2304xi32> to vector<8x2304xi32>
    %le3A_2592 = arith.cmpi sle, %get3A_2590, %le3A_2591 : vector<8x2304xi32>
    %jit3A_2593 = arith.constant 37 : i32
    %broadcast_in_dim3A_2594 = vector.broadcast %jit3A_2593 : i32 to vector<8x2304xi32>
    %select_n3A_2595 = arith.select %le3A_2592, %broadcast_in_dim3A_2594, %select_n3A_2587 : vector<8x2304xi1>, vector<8x2304xi32>
    %get3A_2596 = arith.constant 288 : index
    %get3A_2597 = arith.constant 0 : index
    %get3A_2598 = vector.load %arg6[%get3A_2596, %get3A_2597] : memref<1024x2304xi32, #tpu.memory_space<vmem>>, vector<8x2304xi32>
    %le3A_2599 = vector.broadcast %select_n3A_1867 : vector<1x2304xi32> to vector<8x2304xi32>
    %le3A_2600 = arith.cmpi sle, %get3A_2598, %le3A_2599 : vector<8x2304xi32>
    %jit3A_2601 = arith.constant 36 : i32
    %broadcast_in_dim3A_2602 = vector.broadcast %jit3A_2601 : i32 to vector<8x2304xi32>
    %select_n3A_2603 = arith.select %le3A_2600, %broadcast_in_dim3A_2602, %select_n3A_2595 : vector<8x2304xi1>, vector<8x2304xi32>
    %get3A_2604 = arith.constant 280 : index
    %get3A_2605 = arith.constant 0 : index
    %get3A_2606 = vector.load %arg6[%get3A_2604, %get3A_2605] : memref<1024x2304xi32, #tpu.memory_space<vmem>>, vector<8x2304xi32>
    %le3A_2607 = vector.broadcast %select_n3A_1867 : vector<1x2304xi32> to vector<8x2304xi32>
    %le3A_2608 = arith.cmpi sle, %get3A_2606, %le3A_2607 : vector<8x2304xi32>
    %jit3A_2609 = arith.constant 35 : i32
    %broadcast_in_dim3A_2610 = vector.broadcast %jit3A_2609 : i32 to vector<8x2304xi32>
    %select_n3A_2611 = arith.select %le3A_2608, %broadcast_in_dim3A_2610, %select_n3A_2603 : vector<8x2304xi1>, vector<8x2304xi32>
    %get3A_2612 = arith.constant 272 : index
    %get3A_2613 = arith.constant 0 : index
    %get3A_2614 = vector.load %arg6[%get3A_2612, %get3A_2613] : memref<1024x2304xi32, #tpu.memory_space<vmem>>, vector<8x2304xi32>
    %le3A_2615 = vector.broadcast %select_n3A_1867 : vector<1x2304xi32> to vector<8x2304xi32>
    %le3A_2616 = arith.cmpi sle, %get3A_2614, %le3A_2615 : vector<8x2304xi32>
    %jit3A_2617 = arith.constant 34 : i32
    %broadcast_in_dim3A_2618 = vector.broadcast %jit3A_2617 : i32 to vector<8x2304xi32>
    %select_n3A_2619 = arith.select %le3A_2616, %broadcast_in_dim3A_2618, %select_n3A_2611 : vector<8x2304xi1>, vector<8x2304xi32>
    %get3A_2620 = arith.constant 264 : index
    %get3A_2621 = arith.constant 0 : index
    %get3A_2622 = vector.load %arg6[%get3A_2620, %get3A_2621] : memref<1024x2304xi32, #tpu.memory_space<vmem>>, vector<8x2304xi32>
    %le3A_2623 = vector.broadcast %select_n3A_1867 : vector<1x2304xi32> to vector<8x2304xi32>
    %le3A_2624 = arith.cmpi sle, %get3A_2622, %le3A_2623 : vector<8x2304xi32>
    %jit3A_2625 = arith.constant 33 : i32
    %broadcast_in_dim3A_2626 = vector.broadcast %jit3A_2625 : i32 to vector<8x2304xi32>
    %select_n3A_2627 = arith.select %le3A_2624, %broadcast_in_dim3A_2626, %select_n3A_2619 : vector<8x2304xi1>, vector<8x2304xi32>
    %get3A_2628 = arith.constant 256 : index
    %get3A_2629 = arith.constant 0 : index
    %get3A_2630 = vector.load %arg6[%get3A_2628, %get3A_2629] : memref<1024x2304xi32, #tpu.memory_space<vmem>>, vector<8x2304xi32>
    %le3A_2631 = vector.broadcast %select_n3A_1867 : vector<1x2304xi32> to vector<8x2304xi32>
    %le3A_2632 = arith.cmpi sle, %get3A_2630, %le3A_2631 : vector<8x2304xi32>
    %jit3A_2633 = arith.constant 32 : i32
    %broadcast_in_dim3A_2634 = vector.broadcast %jit3A_2633 : i32 to vector<8x2304xi32>
    %select_n3A_2635 = arith.select %le3A_2632, %broadcast_in_dim3A_2634, %select_n3A_2627 : vector<8x2304xi1>, vector<8x2304xi32>
    %get3A_2636 = arith.constant 248 : index
    %get3A_2637 = arith.constant 0 : index
    %get3A_2638 = vector.load %arg6[%get3A_2636, %get3A_2637] : memref<1024x2304xi32, #tpu.memory_space<vmem>>, vector<8x2304xi32>
    %le3A_2639 = vector.broadcast %select_n3A_1867 : vector<1x2304xi32> to vector<8x2304xi32>
    %le3A_2640 = arith.cmpi sle, %get3A_2638, %le3A_2639 : vector<8x2304xi32>
    %jit3A_2641 = arith.constant 31 : i32
    %broadcast_in_dim3A_2642 = vector.broadcast %jit3A_2641 : i32 to vector<8x2304xi32>
    %select_n3A_2643 = arith.select %le3A_2640, %broadcast_in_dim3A_2642, %select_n3A_2635 : vector<8x2304xi1>, vector<8x2304xi32>
    %get3A_2644 = arith.constant 240 : index
    %get3A_2645 = arith.constant 0 : index
    %get3A_2646 = vector.load %arg6[%get3A_2644, %get3A_2645] : memref<1024x2304xi32, #tpu.memory_space<vmem>>, vector<8x2304xi32>
    %le3A_2647 = vector.broadcast %select_n3A_1867 : vector<1x2304xi32> to vector<8x2304xi32>
    %le3A_2648 = arith.cmpi sle, %get3A_2646, %le3A_2647 : vector<8x2304xi32>
    %jit3A_2649 = arith.constant 30 : i32
    %broadcast_in_dim3A_2650 = vector.broadcast %jit3A_2649 : i32 to vector<8x2304xi32>
    %select_n3A_2651 = arith.select %le3A_2648, %broadcast_in_dim3A_2650, %select_n3A_2643 : vector<8x2304xi1>, vector<8x2304xi32>
    %get3A_2652 = arith.constant 232 : index
    %get3A_2653 = arith.constant 0 : index
    %get3A_2654 = vector.load %arg6[%get3A_2652, %get3A_2653] : memref<1024x2304xi32, #tpu.memory_space<vmem>>, vector<8x2304xi32>
    %le3A_2655 = vector.broadcast %select_n3A_1867 : vector<1x2304xi32> to vector<8x2304xi32>
    %le3A_2656 = arith.cmpi sle, %get3A_2654, %le3A_2655 : vector<8x2304xi32>
    %jit3A_2657 = arith.constant 29 : i32
    %broadcast_in_dim3A_2658 = vector.broadcast %jit3A_2657 : i32 to vector<8x2304xi32>
    %select_n3A_2659 = arith.select %le3A_2656, %broadcast_in_dim3A_2658, %select_n3A_2651 : vector<8x2304xi1>, vector<8x2304xi32>
    %get3A_2660 = arith.constant 224 : index
    %get3A_2661 = arith.constant 0 : index
    %get3A_2662 = vector.load %arg6[%get3A_2660, %get3A_2661] : memref<1024x2304xi32, #tpu.memory_space<vmem>>, vector<8x2304xi32>
    %le3A_2663 = vector.broadcast %select_n3A_1867 : vector<1x2304xi32> to vector<8x2304xi32>
    %le3A_2664 = arith.cmpi sle, %get3A_2662, %le3A_2663 : vector<8x2304xi32>
    %jit3A_2665 = arith.constant 28 : i32
    %broadcast_in_dim3A_2666 = vector.broadcast %jit3A_2665 : i32 to vector<8x2304xi32>
    %select_n3A_2667 = arith.select %le3A_2664, %broadcast_in_dim3A_2666, %select_n3A_2659 : vector<8x2304xi1>, vector<8x2304xi32>
    %get3A_2668 = arith.constant 216 : index
    %get3A_2669 = arith.constant 0 : index
    %get3A_2670 = vector.load %arg6[%get3A_2668, %get3A_2669] : memref<1024x2304xi32, #tpu.memory_space<vmem>>, vector<8x2304xi32>
    %le3A_2671 = vector.broadcast %select_n3A_1867 : vector<1x2304xi32> to vector<8x2304xi32>
    %le3A_2672 = arith.cmpi sle, %get3A_2670, %le3A_2671 : vector<8x2304xi32>
    %jit3A_2673 = arith.constant 27 : i32
    %broadcast_in_dim3A_2674 = vector.broadcast %jit3A_2673 : i32 to vector<8x2304xi32>
    %select_n3A_2675 = arith.select %le3A_2672, %broadcast_in_dim3A_2674, %select_n3A_2667 : vector<8x2304xi1>, vector<8x2304xi32>
    %get3A_2676 = arith.constant 208 : index
    %get3A_2677 = arith.constant 0 : index
    %get3A_2678 = vector.load %arg6[%get3A_2676, %get3A_2677] : memref<1024x2304xi32, #tpu.memory_space<vmem>>, vector<8x2304xi32>
    %le3A_2679 = vector.broadcast %select_n3A_1867 : vector<1x2304xi32> to vector<8x2304xi32>
    %le3A_2680 = arith.cmpi sle, %get3A_2678, %le3A_2679 : vector<8x2304xi32>
    %jit3A_2681 = arith.constant 26 : i32
    %broadcast_in_dim3A_2682 = vector.broadcast %jit3A_2681 : i32 to vector<8x2304xi32>
    %select_n3A_2683 = arith.select %le3A_2680, %broadcast_in_dim3A_2682, %select_n3A_2675 : vector<8x2304xi1>, vector<8x2304xi32>
    %get3A_2684 = arith.constant 200 : index
    %get3A_2685 = arith.constant 0 : index
    %get3A_2686 = vector.load %arg6[%get3A_2684, %get3A_2685] : memref<1024x2304xi32, #tpu.memory_space<vmem>>, vector<8x2304xi32>
    %le3A_2687 = vector.broadcast %select_n3A_1867 : vector<1x2304xi32> to vector<8x2304xi32>
    %le3A_2688 = arith.cmpi sle, %get3A_2686, %le3A_2687 : vector<8x2304xi32>
    %jit3A_2689 = arith.constant 25 : i32
    %broadcast_in_dim3A_2690 = vector.broadcast %jit3A_2689 : i32 to vector<8x2304xi32>
    %select_n3A_2691 = arith.select %le3A_2688, %broadcast_in_dim3A_2690, %select_n3A_2683 : vector<8x2304xi1>, vector<8x2304xi32>
    %get3A_2692 = arith.constant 192 : index
    %get3A_2693 = arith.constant 0 : index
    %get3A_2694 = vector.load %arg6[%get3A_2692, %get3A_2693] : memref<1024x2304xi32, #tpu.memory_space<vmem>>, vector<8x2304xi32>
    %le3A_2695 = vector.broadcast %select_n3A_1867 : vector<1x2304xi32> to vector<8x2304xi32>
    %le3A_2696 = arith.cmpi sle, %get3A_2694, %le3A_2695 : vector<8x2304xi32>
    %jit3A_2697 = arith.constant 24 : i32
    %broadcast_in_dim3A_2698 = vector.broadcast %jit3A_2697 : i32 to vector<8x2304xi32>
    %select_n3A_2699 = arith.select %le3A_2696, %broadcast_in_dim3A_2698, %select_n3A_2691 : vector<8x2304xi1>, vector<8x2304xi32>
    %get3A_2700 = arith.constant 184 : index
    %get3A_2701 = arith.constant 0 : index
    %get3A_2702 = vector.load %arg6[%get3A_2700, %get3A_2701] : memref<1024x2304xi32, #tpu.memory_space<vmem>>, vector<8x2304xi32>
    %le3A_2703 = vector.broadcast %select_n3A_1867 : vector<1x2304xi32> to vector<8x2304xi32>
    %le3A_2704 = arith.cmpi sle, %get3A_2702, %le3A_2703 : vector<8x2304xi32>
    %jit3A_2705 = arith.constant 23 : i32
    %broadcast_in_dim3A_2706 = vector.broadcast %jit3A_2705 : i32 to vector<8x2304xi32>
    %select_n3A_2707 = arith.select %le3A_2704, %broadcast_in_dim3A_2706, %select_n3A_2699 : vector<8x2304xi1>, vector<8x2304xi32>
    %get3A_2708 = arith.constant 176 : index
    %get3A_2709 = arith.constant 0 : index
    %get3A_2710 = vector.load %arg6[%get3A_2708, %get3A_2709] : memref<1024x2304xi32, #tpu.memory_space<vmem>>, vector<8x2304xi32>
    %le3A_2711 = vector.broadcast %select_n3A_1867 : vector<1x2304xi32> to vector<8x2304xi32>
    %le3A_2712 = arith.cmpi sle, %get3A_2710, %le3A_2711 : vector<8x2304xi32>
    %jit3A_2713 = arith.constant 22 : i32
    %broadcast_in_dim3A_2714 = vector.broadcast %jit3A_2713 : i32 to vector<8x2304xi32>
    %select_n3A_2715 = arith.select %le3A_2712, %broadcast_in_dim3A_2714, %select_n3A_2707 : vector<8x2304xi1>, vector<8x2304xi32>
    %get3A_2716 = arith.constant 168 : index
    %get3A_2717 = arith.constant 0 : index
    %get3A_2718 = vector.load %arg6[%get3A_2716, %get3A_2717] : memref<1024x2304xi32, #tpu.memory_space<vmem>>, vector<8x2304xi32>
    %le3A_2719 = vector.broadcast %select_n3A_1867 : vector<1x2304xi32> to vector<8x2304xi32>
    %le3A_2720 = arith.cmpi sle, %get3A_2718, %le3A_2719 : vector<8x2304xi32>
    %jit3A_2721 = arith.constant 21 : i32
    %broadcast_in_dim3A_2722 = vector.broadcast %jit3A_2721 : i32 to vector<8x2304xi32>
    %select_n3A_2723 = arith.select %le3A_2720, %broadcast_in_dim3A_2722, %select_n3A_2715 : vector<8x2304xi1>, vector<8x2304xi32>
    %get3A_2724 = arith.constant 160 : index
    %get3A_2725 = arith.constant 0 : index
    %get3A_2726 = vector.load %arg6[%get3A_2724, %get3A_2725] : memref<1024x2304xi32, #tpu.memory_space<vmem>>, vector<8x2304xi32>
    %le3A_2727 = vector.broadcast %select_n3A_1867 : vector<1x2304xi32> to vector<8x2304xi32>
    %le3A_2728 = arith.cmpi sle, %get3A_2726, %le3A_2727 : vector<8x2304xi32>
    %jit3A_2729 = arith.constant 20 : i32
    %broadcast_in_dim3A_2730 = vector.broadcast %jit3A_2729 : i32 to vector<8x2304xi32>
    %select_n3A_2731 = arith.select %le3A_2728, %broadcast_in_dim3A_2730, %select_n3A_2723 : vector<8x2304xi1>, vector<8x2304xi32>
    %get3A_2732 = arith.constant 152 : index
    %get3A_2733 = arith.constant 0 : index
    %get3A_2734 = vector.load %arg6[%get3A_2732, %get3A_2733] : memref<1024x2304xi32, #tpu.memory_space<vmem>>, vector<8x2304xi32>
    %le3A_2735 = vector.broadcast %select_n3A_1867 : vector<1x2304xi32> to vector<8x2304xi32>
    %le3A_2736 = arith.cmpi sle, %get3A_2734, %le3A_2735 : vector<8x2304xi32>
    %jit3A_2737 = arith.constant 19 : i32
    %broadcast_in_dim3A_2738 = vector.broadcast %jit3A_2737 : i32 to vector<8x2304xi32>
    %select_n3A_2739 = arith.select %le3A_2736, %broadcast_in_dim3A_2738, %select_n3A_2731 : vector<8x2304xi1>, vector<8x2304xi32>
    %get3A_2740 = arith.constant 144 : index
    %get3A_2741 = arith.constant 0 : index
    %get3A_2742 = vector.load %arg6[%get3A_2740, %get3A_2741] : memref<1024x2304xi32, #tpu.memory_space<vmem>>, vector<8x2304xi32>
    %le3A_2743 = vector.broadcast %select_n3A_1867 : vector<1x2304xi32> to vector<8x2304xi32>
    %le3A_2744 = arith.cmpi sle, %get3A_2742, %le3A_2743 : vector<8x2304xi32>
    %jit3A_2745 = arith.constant 18 : i32
    %broadcast_in_dim3A_2746 = vector.broadcast %jit3A_2745 : i32 to vector<8x2304xi32>
    %select_n3A_2747 = arith.select %le3A_2744, %broadcast_in_dim3A_2746, %select_n3A_2739 : vector<8x2304xi1>, vector<8x2304xi32>
    %get3A_2748 = arith.constant 136 : index
    %get3A_2749 = arith.constant 0 : index
    %get3A_2750 = vector.load %arg6[%get3A_2748, %get3A_2749] : memref<1024x2304xi32, #tpu.memory_space<vmem>>, vector<8x2304xi32>
    %le3A_2751 = vector.broadcast %select_n3A_1867 : vector<1x2304xi32> to vector<8x2304xi32>
    %le3A_2752 = arith.cmpi sle, %get3A_2750, %le3A_2751 : vector<8x2304xi32>
    %jit3A_2753 = arith.constant 17 : i32
    %broadcast_in_dim3A_2754 = vector.broadcast %jit3A_2753 : i32 to vector<8x2304xi32>
    %select_n3A_2755 = arith.select %le3A_2752, %broadcast_in_dim3A_2754, %select_n3A_2747 : vector<8x2304xi1>, vector<8x2304xi32>
    %get3A_2756 = arith.constant 128 : index
    %get3A_2757 = arith.constant 0 : index
    %get3A_2758 = vector.load %arg6[%get3A_2756, %get3A_2757] : memref<1024x2304xi32, #tpu.memory_space<vmem>>, vector<8x2304xi32>
    %le3A_2759 = vector.broadcast %select_n3A_1867 : vector<1x2304xi32> to vector<8x2304xi32>
    %le3A_2760 = arith.cmpi sle, %get3A_2758, %le3A_2759 : vector<8x2304xi32>
    %jit3A_2761 = arith.constant 16 : i32
    %broadcast_in_dim3A_2762 = vector.broadcast %jit3A_2761 : i32 to vector<8x2304xi32>
    %select_n3A_2763 = arith.select %le3A_2760, %broadcast_in_dim3A_2762, %select_n3A_2755 : vector<8x2304xi1>, vector<8x2304xi32>
    %get3A_2764 = arith.constant 120 : index
    %get3A_2765 = arith.constant 0 : index
    %get3A_2766 = vector.load %arg6[%get3A_2764, %get3A_2765] : memref<1024x2304xi32, #tpu.memory_space<vmem>>, vector<8x2304xi32>
    %le3A_2767 = vector.broadcast %select_n3A_1867 : vector<1x2304xi32> to vector<8x2304xi32>
    %le3A_2768 = arith.cmpi sle, %get3A_2766, %le3A_2767 : vector<8x2304xi32>
    %jit3A_2769 = arith.constant 15 : i32
    %broadcast_in_dim3A_2770 = vector.broadcast %jit3A_2769 : i32 to vector<8x2304xi32>
    %select_n3A_2771 = arith.select %le3A_2768, %broadcast_in_dim3A_2770, %select_n3A_2763 : vector<8x2304xi1>, vector<8x2304xi32>
    %get3A_2772 = arith.constant 112 : index
    %get3A_2773 = arith.constant 0 : index
    %get3A_2774 = vector.load %arg6[%get3A_2772, %get3A_2773] : memref<1024x2304xi32, #tpu.memory_space<vmem>>, vector<8x2304xi32>
    %le3A_2775 = vector.broadcast %select_n3A_1867 : vector<1x2304xi32> to vector<8x2304xi32>
    %le3A_2776 = arith.cmpi sle, %get3A_2774, %le3A_2775 : vector<8x2304xi32>
    %jit3A_2777 = arith.constant 14 : i32
    %broadcast_in_dim3A_2778 = vector.broadcast %jit3A_2777 : i32 to vector<8x2304xi32>
    %select_n3A_2779 = arith.select %le3A_2776, %broadcast_in_dim3A_2778, %select_n3A_2771 : vector<8x2304xi1>, vector<8x2304xi32>
    %get3A_2780 = arith.constant 104 : index
    %get3A_2781 = arith.constant 0 : index
    %get3A_2782 = vector.load %arg6[%get3A_2780, %get3A_2781] : memref<1024x2304xi32, #tpu.memory_space<vmem>>, vector<8x2304xi32>
    %le3A_2783 = vector.broadcast %select_n3A_1867 : vector<1x2304xi32> to vector<8x2304xi32>
    %le3A_2784 = arith.cmpi sle, %get3A_2782, %le3A_2783 : vector<8x2304xi32>
    %jit3A_2785 = arith.constant 13 : i32
    %broadcast_in_dim3A_2786 = vector.broadcast %jit3A_2785 : i32 to vector<8x2304xi32>
    %select_n3A_2787 = arith.select %le3A_2784, %broadcast_in_dim3A_2786, %select_n3A_2779 : vector<8x2304xi1>, vector<8x2304xi32>
    %get3A_2788 = arith.constant 96 : index
    %get3A_2789 = arith.constant 0 : index
    %get3A_2790 = vector.load %arg6[%get3A_2788, %get3A_2789] : memref<1024x2304xi32, #tpu.memory_space<vmem>>, vector<8x2304xi32>
    %le3A_2791 = vector.broadcast %select_n3A_1867 : vector<1x2304xi32> to vector<8x2304xi32>
    %le3A_2792 = arith.cmpi sle, %get3A_2790, %le3A_2791 : vector<8x2304xi32>
    %jit3A_2793 = arith.constant 12 : i32
    %broadcast_in_dim3A_2794 = vector.broadcast %jit3A_2793 : i32 to vector<8x2304xi32>
    %select_n3A_2795 = arith.select %le3A_2792, %broadcast_in_dim3A_2794, %select_n3A_2787 : vector<8x2304xi1>, vector<8x2304xi32>
    %get3A_2796 = arith.constant 88 : index
    %get3A_2797 = arith.constant 0 : index
    %get3A_2798 = vector.load %arg6[%get3A_2796, %get3A_2797] : memref<1024x2304xi32, #tpu.memory_space<vmem>>, vector<8x2304xi32>
    %le3A_2799 = vector.broadcast %select_n3A_1867 : vector<1x2304xi32> to vector<8x2304xi32>
    %le3A_2800 = arith.cmpi sle, %get3A_2798, %le3A_2799 : vector<8x2304xi32>
    %jit3A_2801 = arith.constant 11 : i32
    %broadcast_in_dim3A_2802 = vector.broadcast %jit3A_2801 : i32 to vector<8x2304xi32>
    %select_n3A_2803 = arith.select %le3A_2800, %broadcast_in_dim3A_2802, %select_n3A_2795 : vector<8x2304xi1>, vector<8x2304xi32>
    %get3A_2804 = arith.constant 80 : index
    %get3A_2805 = arith.constant 0 : index
    %get3A_2806 = vector.load %arg6[%get3A_2804, %get3A_2805] : memref<1024x2304xi32, #tpu.memory_space<vmem>>, vector<8x2304xi32>
    %le3A_2807 = vector.broadcast %select_n3A_1867 : vector<1x2304xi32> to vector<8x2304xi32>
    %le3A_2808 = arith.cmpi sle, %get3A_2806, %le3A_2807 : vector<8x2304xi32>
    %jit3A_2809 = arith.constant 10 : i32
    %broadcast_in_dim3A_2810 = vector.broadcast %jit3A_2809 : i32 to vector<8x2304xi32>
    %select_n3A_2811 = arith.select %le3A_2808, %broadcast_in_dim3A_2810, %select_n3A_2803 : vector<8x2304xi1>, vector<8x2304xi32>
    %get3A_2812 = arith.constant 72 : index
    %get3A_2813 = arith.constant 0 : index
    %get3A_2814 = vector.load %arg6[%get3A_2812, %get3A_2813] : memref<1024x2304xi32, #tpu.memory_space<vmem>>, vector<8x2304xi32>
    %le3A_2815 = vector.broadcast %select_n3A_1867 : vector<1x2304xi32> to vector<8x2304xi32>
    %le3A_2816 = arith.cmpi sle, %get3A_2814, %le3A_2815 : vector<8x2304xi32>
    %jit3A_2817 = arith.constant 9 : i32
    %broadcast_in_dim3A_2818 = vector.broadcast %jit3A_2817 : i32 to vector<8x2304xi32>
    %select_n3A_2819 = arith.select %le3A_2816, %broadcast_in_dim3A_2818, %select_n3A_2811 : vector<8x2304xi1>, vector<8x2304xi32>
    %get3A_2820 = arith.constant 64 : index
    %get3A_2821 = arith.constant 0 : index
    %get3A_2822 = vector.load %arg6[%get3A_2820, %get3A_2821] : memref<1024x2304xi32, #tpu.memory_space<vmem>>, vector<8x2304xi32>
    %le3A_2823 = vector.broadcast %select_n3A_1867 : vector<1x2304xi32> to vector<8x2304xi32>
    %le3A_2824 = arith.cmpi sle, %get3A_2822, %le3A_2823 : vector<8x2304xi32>
    %jit3A_2825 = arith.constant 8 : i32
    %broadcast_in_dim3A_2826 = vector.broadcast %jit3A_2825 : i32 to vector<8x2304xi32>
    %select_n3A_2827 = arith.select %le3A_2824, %broadcast_in_dim3A_2826, %select_n3A_2819 : vector<8x2304xi1>, vector<8x2304xi32>
    %get3A_2828 = arith.constant 56 : index
    %get3A_2829 = arith.constant 0 : index
    %get3A_2830 = vector.load %arg6[%get3A_2828, %get3A_2829] : memref<1024x2304xi32, #tpu.memory_space<vmem>>, vector<8x2304xi32>
    %le3A_2831 = vector.broadcast %select_n3A_1867 : vector<1x2304xi32> to vector<8x2304xi32>
    %le3A_2832 = arith.cmpi sle, %get3A_2830, %le3A_2831 : vector<8x2304xi32>
    %jit3A_2833 = arith.constant 7 : i32
    %broadcast_in_dim3A_2834 = vector.broadcast %jit3A_2833 : i32 to vector<8x2304xi32>
    %select_n3A_2835 = arith.select %le3A_2832, %broadcast_in_dim3A_2834, %select_n3A_2827 : vector<8x2304xi1>, vector<8x2304xi32>
    %get3A_2836 = arith.constant 48 : index
    %get3A_2837 = arith.constant 0 : index
    %get3A_2838 = vector.load %arg6[%get3A_2836, %get3A_2837] : memref<1024x2304xi32, #tpu.memory_space<vmem>>, vector<8x2304xi32>
    %le3A_2839 = vector.broadcast %select_n3A_1867 : vector<1x2304xi32> to vector<8x2304xi32>
    %le3A_2840 = arith.cmpi sle, %get3A_2838, %le3A_2839 : vector<8x2304xi32>
    %jit3A_2841 = arith.constant 6 : i32
    %broadcast_in_dim3A_2842 = vector.broadcast %jit3A_2841 : i32 to vector<8x2304xi32>
    %select_n3A_2843 = arith.select %le3A_2840, %broadcast_in_dim3A_2842, %select_n3A_2835 : vector<8x2304xi1>, vector<8x2304xi32>
    %get3A_2844 = arith.constant 40 : index
    %get3A_2845 = arith.constant 0 : index
    %get3A_2846 = vector.load %arg6[%get3A_2844, %get3A_2845] : memref<1024x2304xi32, #tpu.memory_space<vmem>>, vector<8x2304xi32>
    %le3A_2847 = vector.broadcast %select_n3A_1867 : vector<1x2304xi32> to vector<8x2304xi32>
    %le3A_2848 = arith.cmpi sle, %get3A_2846, %le3A_2847 : vector<8x2304xi32>
    %jit3A_2849 = arith.constant 5 : i32
    %broadcast_in_dim3A_2850 = vector.broadcast %jit3A_2849 : i32 to vector<8x2304xi32>
    %select_n3A_2851 = arith.select %le3A_2848, %broadcast_in_dim3A_2850, %select_n3A_2843 : vector<8x2304xi1>, vector<8x2304xi32>
    %get3A_2852 = arith.constant 32 : index
    %get3A_2853 = arith.constant 0 : index
    %get3A_2854 = vector.load %arg6[%get3A_2852, %get3A_2853] : memref<1024x2304xi32, #tpu.memory_space<vmem>>, vector<8x2304xi32>
    %le3A_2855 = vector.broadcast %select_n3A_1867 : vector<1x2304xi32> to vector<8x2304xi32>
    %le3A_2856 = arith.cmpi sle, %get3A_2854, %le3A_2855 : vector<8x2304xi32>
    %jit3A_2857 = arith.constant 4 : i32
    %broadcast_in_dim3A_2858 = vector.broadcast %jit3A_2857 : i32 to vector<8x2304xi32>
    %select_n3A_2859 = arith.select %le3A_2856, %broadcast_in_dim3A_2858, %select_n3A_2851 : vector<8x2304xi1>, vector<8x2304xi32>
    %get3A_2860 = arith.constant 24 : index
    %get3A_2861 = arith.constant 0 : index
    %get3A_2862 = vector.load %arg6[%get3A_2860, %get3A_2861] : memref<1024x2304xi32, #tpu.memory_space<vmem>>, vector<8x2304xi32>
    %le3A_2863 = vector.broadcast %select_n3A_1867 : vector<1x2304xi32> to vector<8x2304xi32>
    %le3A_2864 = arith.cmpi sle, %get3A_2862, %le3A_2863 : vector<8x2304xi32>
    %jit3A_2865 = arith.constant 3 : i32
    %broadcast_in_dim3A_2866 = vector.broadcast %jit3A_2865 : i32 to vector<8x2304xi32>
    %select_n3A_2867 = arith.select %le3A_2864, %broadcast_in_dim3A_2866, %select_n3A_2859 : vector<8x2304xi1>, vector<8x2304xi32>
    %get3A_2868 = arith.constant 16 : index
    %get3A_2869 = arith.constant 0 : index
    %get3A_2870 = vector.load %arg6[%get3A_2868, %get3A_2869] : memref<1024x2304xi32, #tpu.memory_space<vmem>>, vector<8x2304xi32>
    %le3A_2871 = vector.broadcast %select_n3A_1867 : vector<1x2304xi32> to vector<8x2304xi32>
    %le3A_2872 = arith.cmpi sle, %get3A_2870, %le3A_2871 : vector<8x2304xi32>
    %jit3A_2873 = arith.constant 2 : i32
    %broadcast_in_dim3A_2874 = vector.broadcast %jit3A_2873 : i32 to vector<8x2304xi32>
    %select_n3A_2875 = arith.select %le3A_2872, %broadcast_in_dim3A_2874, %select_n3A_2867 : vector<8x2304xi1>, vector<8x2304xi32>
    %get3A_2876 = arith.constant 8 : index
    %get3A_2877 = arith.constant 0 : index
    %get3A_2878 = vector.load %arg6[%get3A_2876, %get3A_2877] : memref<1024x2304xi32, #tpu.memory_space<vmem>>, vector<8x2304xi32>
    %le3A_2879 = vector.broadcast %select_n3A_1867 : vector<1x2304xi32> to vector<8x2304xi32>
    %le3A_2880 = arith.cmpi sle, %get3A_2878, %le3A_2879 : vector<8x2304xi32>
    %jit3A_2881 = arith.constant 1 : i32
    %broadcast_in_dim3A_2882 = vector.broadcast %jit3A_2881 : i32 to vector<8x2304xi32>
    %select_n3A_2883 = arith.select %le3A_2880, %broadcast_in_dim3A_2882, %select_n3A_2875 : vector<8x2304xi1>, vector<8x2304xi32>
    %get3A_2884 = arith.constant 0 : index
    %get3A_2885 = arith.constant 0 : index
    %get3A_2886 = vector.load %arg6[%get3A_2884, %get3A_2885] : memref<1024x2304xi32, #tpu.memory_space<vmem>>, vector<8x2304xi32>
    %le3A_2887 = vector.broadcast %select_n3A_1867 : vector<1x2304xi32> to vector<8x2304xi32>
    %le3A_2888 = arith.cmpi sle, %get3A_2886, %le3A_2887 : vector<8x2304xi32>
    %jit3A_2889 = arith.constant 0 : i32
    %broadcast_in_dim3A_2890 = vector.broadcast %jit3A_2889 : i32 to vector<8x2304xi32>
    %select_n3A_2891 = arith.select %le3A_2888, %broadcast_in_dim3A_2890, %select_n3A_2883 : vector<8x2304xi1>, vector<8x2304xi32>
    %iota3A = tpu.iota {dimensions = array<i32: 0>} : vector<8x2304xi32>
    %mul3A_2892 = arith.constant 8 : i32
    %mul3A_2893 = vector.broadcast %mul3A_2892 : i32 to vector<8x2304xi32>
    %mul3A_2894 = arith.muli %select_n3A_2891, %mul3A_2893 : vector<8x2304xi32>
    %add3A_2895 = arith.addi %mul3A_2894, %iota3A : vector<8x2304xi32>
    %reduce_min3A_2896 = arith.constant dense<2147483647> : vector<2304xi32>
    %reduce_min3A_2897 = vector.multi_reduction <minsi>, %add3A_2895, %reduce_min3A_2896 [0] : vector<8x2304xi32> to vector<2304xi32>
    %swap3A_2898 = arith.constant 0 : index
    %swap3A_2899 = arith.constant 0 : index
    %swap3A_2900 = arith.constant 0 : index
    %swap3A_2901 = vector.load %arg5[%swap3A_2898, %swap3A_2899, %swap3A_2900] : memref<1x1x2304xi32, #tpu.memory_space<vmem>>, vector<1x1x2304xi32>
    %swap3A_2902 = vector.shape_cast %swap3A_2901 : vector<1x1x2304xi32> to vector<2304xi32>
    %swap3A_2903 = vector.shape_cast %reduce_min3A_2897 : vector<2304xi32> to vector<1x1x2304xi32>
    tpu.vector_store %arg5[%swap3A_2898, %swap3A_2899, %swap3A_2900], %swap3A_2903 {strides = array<i32>} : memref<1x1x2304xi32, #tpu.memory_space<vmem>>, vector<1x1x2304xi32>,
    return
  }
  func.func @transform_0(%arg0: i32) -> (i32, i32, i32) {
    %c0_i32 = arith.constant 0 : i32
    %c0_i32_0 = arith.constant 0 : i32
    %c0_i32_1 = arith.constant 0 : i32
    return %arg0, %c0_i32, %c0_i32_0 : i32, i32, i32
  }
  func.func @transform_1(%arg0: i32) -> (i32, i32) {
    %c0_i32 = arith.constant 0 : i32
    %c0_i32_0 = arith.constant 0 : i32
    %c0_i32_1 = arith.constant 0 : i32
    return %c0_i32, %c0_i32_0 : i32, i32
  }
  func.func @transform_2(%arg0: i32) -> (i32, i32, i32) {
    %c0_i32 = arith.constant 0 : i32
    %c0_i32_0 = arith.constant 0 : i32
    %c0_i32_1 = arith.constant 0 : i32
    return %arg0, %c0_i32, %c0_i32_0 : i32, i32, i32
  }
  func.func @transform_3(%arg0: i32) -> (i32, i32) {
    %c0_i32 = arith.constant 0 : i32
    %c0_i32_0 = arith.constant 0 : i32
    %c0_i32_1 = arith.constant 0 : i32
    return %c0_i32, %c0_i32_0 : i32, i32
  }
  func.func @transform_4(%arg0: i32) -> (i32, i32, i32) {
    %c0_i32 = arith.constant 0 : i32
    %c0_i32_0 = arith.constant 0 : i32
    %c0_i32_1 = arith.constant 0 : i32
    return %arg0, %c0_i32, %c0_i32_0 : i32, i32, i32
  }
}

</mosaic_0001>

<sc_bundles>
// kernel: kernel.4.cloned.1.call-start
scs
__scs_entry_jumppad:
0x0: {  	(pc) =	sbr.rel $0x88, $3  }
0x1: {  	(tag) =	ssettag $0x0;
	lr =	simm.s32 $0x1  }
0x2: {  	[smem:$0x3F9F] =	sst lr;
	_ =	strace $0xD0000000  }
0x3: {  	_ = 	snop  }
0x4: {  	_ = 	snop  }
0x5: {  	_ = 	snop  }
0x6: {  	_ = 	snop  }
0x7: {  	_ = 	snop  }
__scs_overlays_trampoline_lowered:
0x8: {  	[smem:$0x3FAE] =	sst s0  }
0x9: {  	[smem:$0x3FAF] =	sst s1  }
0xa: {  	[smem:$0x3FB0] =	sst s2  }
0xb: {  	[smem:$0x3FB1] =	sst s3  }
0xc: {  	[smem:$0x3FB2] =	sst s4  }
0xd: {  	[smem:$0x3FB3] =	sst s5  }
0xe: {  	[smem:$0x3FB4] =	sst s6  }
0xf: {  	[smem:$0x3FB5] =	sst s7  }
0x10: {  	[smem:$0x3FB6] =	sst s8  }
0x11: {  	[smem:$0x3FB7] =	sst s9;
	s0 =	simm.s32 @!p0 $0x0  }
0x12: {  	s1 =	sld [smem:$0x3F9D];
	s0 =	simm.s32 @p0 $0x1  }
0x13: {  	[smem:$0x3FB8] =	sst s0;
	s0 =	simm.s32 @!p1 $0x0  }
0x14: {  	s2 =	sld [smem:$0x3F9C];
	s0 =	simm.s32 @p1 $0x1  }
0x15: {  	[smem:$0x3FB9] =	sst s0;
	s0 =	simm.s32 @!p2 $0x0  }
0x16: {  	s3 =	sld [smem:$0x3FDB];
	s0 =	simm.s32 @p2 $0x1  }
0x17: {  	s4 =	simm.s32 $0x1BF5;
	[smem:$0x3FBB] =	sst s0  }
0x18: {  	s0 =	sld [smem:$0x3F9E];
	_ =	swait.ge [sflag:s4], $0x0  }
0x19: {  	s7 =	sld [smem:$0x3F9F]  }
0x1a: {  	s8 =	sadd.s32 $0xFFFFE003, lr  }
0x1b: {  	s9 =	sadd.s32 $0xFFFFFEF7, lr;
	s5 =	simm.s32 $0xFFFFFFFF;
	p2 =	slt.u32 s8, $0xFFFFF086  }
0x1c: {  	p1 =	slt.u32 s9, $0xF7A;
	s5 =	simm.s32 @!p2 $0x0  }
0x1d: {  	s5 =	simm.s32 @p1 $0x1;
	p0 =	seq.s32 s7, s2  }
0x1e: {  	s7 =	smul.u32 @!p0 $0xF7A, s2;
	p2 =	seq.s32 @!p0 s5, $0x0  }
0x1f: {  	s9 =	smul.u32 $0xF7A, s1;
	s8 =	simm.s32 @!p0 $0x1BF5;
	p2 =	por !p2, p0  }
0x20: {  	[sflag:s8] =	ssyncset.s32 @!p0 $0xFFFFF086;
	s6 =	sadd.s32 @!p0 s3, s7;
	s7 =	simm.s32 @!p0 $0x108  }
0x21: {  	s3 =	sadd.s32 s3, s9;
	s6 =	sadd.s32 @!p0 $0x88, s6;
	s7 =	simm.s32 @p2 $0x1082  }
0x22: {  	[simem:s7], [sflag:s8] =	dma.local @!p0 [hbm:s6], $0xF7A  }
0x23: {  	s9 =	sor.u32 $0xD0000000, s2;
	s6 =	simm.s32 $0x108;
	_ =	swait.ge @!p0 [sflag:s8], $0x0  }
0x24: {  	s3 =	sadd.s32 $0x88, s3;
	s6 =	simm.s32 @!p1 $0x1082;
	[sflag:s4] =	ssyncset.s32 $0xFFFFF086  }
0x25: {  	[simem:s6], [sflag:s4] =	dma.local [hbm:s3], $0xF7A  }
0x26: {  	[smem:$0x3F9F] =	sst s1;
	(tag) =	ssettag s2;
	_ =	strace s9  }
0x27: {  	s1 =	sld [smem:$0x3FAF]  }
0x28: {  	s2 =	sld [smem:$0x3FB0]  }
0x29: {  	s4 =	sld [smem:$0x3FB2]  }
0x2a: {  	p0 =	seq.s32 s5, $0x0;
	s5 =	sld [smem:$0x3FB3]  }
0x2b: {  	s6 =	sld [smem:$0x3FB4]  }
0x2c: {  	s7 =	sld [smem:$0x3FB5]  }
0x2d: {  	s3 =	simm.s32 $0x108;
	s8 =	sld [smem:$0x3FB6]  }
0x2e: {  	s3 =	simm.s32 @!p0 $0x1082;
	s9 =	sld [smem:$0x3FB7]  }
0x2f: {  	lr =	sadd.s32 s0, s3;
	s0 =	sld [smem:$0x3FAE]  }
0x30: {  	s3 =	sld [smem:$0x3FB1]  }
0x31: {  	[smem:$0x3FBA] =	sst s10  }
0x32: {  	s10 =	sld [smem:$0x3FB8];
	_ =	sdelay $0x3  }
0x33: {  	p0 =	seq.s32 s10, $0x1;
	s10 =	sld [smem:$0x3FBA];
	_ =	sdelay $0x3  }
0x34: {  	[smem:$0x3FBA] =	sst s10  }
0x35: {  	s10 =	sld [smem:$0x3FB9];
	_ =	sdelay $0x3  }
0x36: {  	p1 =	seq.s32 s10, $0x1;
	s10 =	sld [smem:$0x3FBA];
	_ =	sdelay $0x3  }
0x37: {  	[smem:$0x3FBA] =	sst s10  }
0x38: {  	s10 =	sld [smem:$0x3FBB]  }
0x39: {  	_ = 	snop;
	(pc) =	sbr.ind lr, $3  }
0x3a: {  	_ = 	snop  }
0x3b: {  	_ = 	snop  }
0x3c: {  	p2 =	seq.s32 s10, $0x1;
	s10 =	sld [smem:$0x3FBA]  }
0x3d: {  	_ =	shalt  }
0x3e: {  	_ =	shalt  }
0x3f: {  	_ =	shalt  }
0x40: {  	_ =	shalt  }
0x41: {  	_ =	shalt  }
0x42: {  	_ =	shalt  }
0x43: {  	_ =	shalt  }
0x44: {  	_ =	shalt  }
0x45: {  	_ =	shalt  }
0x46: {  	_ =	shalt  }
0x47: {  	_ =	shalt  }
0x48: {  	_ =	shalt  }
0x49: {  	_ =	shalt  }
0x4a: {  	_ =	shalt  }
0x4b: {  	_ =	shalt  }
0x4c: {  	_ =	shalt  }
0x4d: {  	_ =	shalt  }
0x4e: {  	_ =	shalt  }
0x4f: {  	_ =	shalt  }
0x50: {  	_ =	shalt  }
0x51: {  	_ =	shalt  }
0x52: {  	_ =	shalt  }
0x53: {  	_ =	shalt  }
0x54: {  	_ =	shalt  }
0x55: {  	_ =	shalt  }
0x56: {  	_ =	shalt  }
0x57: {  	_ =	shalt  }
0x58: {  	_ =	shalt  }
0x59: {  	_ =	shalt  }
0x5a: {  	_ =	shalt  }
0x5b: {  	_ =	shalt  }
0x5c: {  	_ =	shalt  }
0x5d: {  	_ =	shalt  }
0x5e: {  	_ =	shalt  }
0x5f: {  	_ =	shalt  }
0x60: {  	_ =	shalt  }
0x61: {  	_ =	shalt  }
0x62: {  	_ =	shalt  }
0x63: {  	_ =	shalt  }
0x64: {  	_ =	shalt  }
0x65: {  	_ =	shalt  }
0x66: {  	_ =	shalt  }
0x67: {  	_ =	shalt  }
0x68: {  	_ =	shalt  }
0x69: {  	_ =	shalt  }
0x6a: {  	_ =	shalt  }
0x6b: {  	_ =	shalt  }
0x6c: {  	_ =	shalt  }
0x6d: {  	_ =	shalt  }
0x6e: {  	_ =	shalt  }
0x6f: {  	_ =	shalt  }
0x70: {  	_ =	shalt  }
0x71: {  	_ =	shalt  }
0x72: {  	_ =	shalt  }
0x73: {  	_ =	shalt  }
0x74: {  	_ =	shalt  }
0x75: {  	_ =	shalt  }
0x76: {  	_ =	shalt  }
0x77: {  	_ =	shalt  }
0x78: {  	_ =	shalt  }
0x79: {  	_ =	shalt  }
0x7a: {  	_ =	shalt  }
0x7b: {  	_ =	shalt  }
0x7c: {  	_ =	shalt  }
0x7d: {  	_ =	shalt  }
0x7e: {  	_ =	shalt  }
0x7f: {  	_ =	shalt  }
0x80: {  	_ =	shalt  }
0x81: {  	_ =	shalt  }
0x82: {  	_ =	shalt  }
0x83: {  	_ =	shalt  }
0x84: {  	_ =	shalt  }
0x85: {  	_ =	shalt  }
0x86: {  	_ =	shalt  }
0x87: {  	_ =	shalt  }
.Lfunc_end0:
.L_simem_size_0:
called_computation_lowered:
.L_overlay_start_0:
0x88: {  	s2 =	sld [smem:$0x3FD9]  }
0x89: {  	s3 =	sld [smem:$0x3FFE];
	_ =	sdelay $0x1  }
0x8a: {  	s1 =	srdreg.scid  }
0x8b: {  	s0 =	sand.u32 $0x1, s1  }
0x8c: {  	s14 =	sshll.u32 s0, $0xA;
	s2 =	sadd.s32 s3, s2  }
0x8d: {  	s2 =	sadd.s32 s2, s14  }
0x8e: {  	[smem:$0x3FC6] =	sst s2  }
0x8f: {  	_ = 	snop  }
0x90: {  	s2 =	sld [smem:$0x3FD0];
	_ =	sdelay $0x2  }
0x91: {  	s15 =	simm.s32 $0xA;
	s4 =	simm.s32 $0x10  }
0x92: {  	[smem:s4], [sflag:s15] =	dma.local [hbm:s2], $0x1  }
0x93: {  	_ =	swait.eq [sflag:s15], $0x1  }
0x94: {  	[sflag:s15] =	ssyncset.done $0x0  }
0x95: {  	[sflag:s15] =	ssyncadd.s32 $0xFFFFFFFF  }
0x96: {  	s16 =	sld [smem:$0x11];
	(tm) =	ssettm $0x1  }
0x97: {  	s17 =	sld [smem:$0x3FFB];
	_ =	sdelay $0x3  }
0x98: {  	_ =	strace s17  }
0x99: {  	s3 =	sld [smem:$0x3FFC];
	_ =	sdelay $0x3  }
0x9a: {  	_ =	strace s3  }
0x9b: {  	s3 =	sld [smem:$0x3FFD];
	_ =	sdelay $0x3  }
0x9c: {  	_ =	strace s3  }
0x9d: {  	_ =	strace $0x8FFFFFFF  }
0x9e: {  	s18 =	sld [smem:$0x3FDB];
	_ =	sdelay $0x1  }
0x9f: {  	s19 =	simm.s32 $_scs_section_size  }
0xa0: {  	s5 =	simm.s32 $_size__tile_overlayer_lowered;
	s6 =	simm.s32 $_tile_overlayer_lowered  }
0xa1: {  	s22 =	simm.s32 $0x1BFF;
	s21 =	sshll.u32 s6, $0x1;
	s3 =	sadd.s32 s19, s18  }
0xa2: {  	s7 =	simm.s32 $0x0;
	s20 =	sshll.u32 s5, $0x1;
	s5 =	sadd.s32 s21, s3  }
0xa3: {  	[timem:s7], [sflag:s22] =	dma.local [hbm:s5], s20  }
0xa4: {  	_ =	swait.ge [sflag:s22], s20  }
0xa5: {  	s4 =	ssub.s32 $0x0, s20;
	[sflag:s22] =	ssyncset.done $0x0  }
0xa6: {  	[sflag:s22] =	ssyncadd.s32 s4;
	_ =	sdelay $0x1  }
0xa7: {  	s23 =	simm.s32 $0x1B8B  }
0xa8: {  	_ =	swait.ge [sflag:s23], $0x1  }
0xa9: {  	[sflag:s23] =	ssyncset.done $0x0  }
0xaa: {  	s25 =	simm.s32 $0x1B8E;
	s24 =	sld [smem:$0x3FFE];
	[sflag:s23] =	ssyncadd.s32 $0xFFFFFFFF  }
0xab: {  	s26 =	simm.s32 $execute0_lowered;
	[smem:$0x3FD2] =	sst s25  }
0xac: {  	s5 =	sshll.u32 s26, $0x1;
	_ =	strace $0x80000046;
	[dreg:$0x1] =	wrdreg $0xFFFFFFFF  }
0xad: {  	s28 =	simm.s32 $_size_execute0_lowered;
	s3 =	sadd.s32 s3, s5;
	[dreg:$0x0] =	wrdreg $0x0  }
0xae: {  	s5 =	sshll.u32 s28, $0x1;
	[dreg:$0x2] =	wrdreg s3  }
0xaf: {  	[dreg:$0x3] =	wrdreg s5  }
0xb0: {  	[dreg:$0x4] =	wrdreg $0xC0  }
0xb1: {  	_ =	task [dreg:s7], $0x5FFFF  }
0xb2: {  	[dreg:$0x1] =	wrdreg $0xFFFFFFFF  }
0xb3: {  	[dreg:$0x0] =	wrdreg $0x60  }
0xb4: {  	[dreg:$0x2] =	wrdreg s16  }
0xb5: {  	[dreg:$0x3] =	wrdreg s24  }
0xb6: {  	[dreg:$0x4] =	wrdreg $0x9  }
0xb7: {  	_ =	task.clear_ibuf [dreg:s7], $0x5FFFF;
	_ =	strace $0x90000046  }
0xb8: {  	s29 =	simm.s32 $0x9;
	_ =	strace $0x80000048  }
0xb9: {  	_ =	swait.ge [sflag:s29], $0x1  }
0xba: {  	[sflag:s29] =	ssyncadd.s32 $0xFFFFFFFF  }
0xbb: {  	_ =	strace $0x90000048  }
0xbc: {  	_ =	sfence  }
0xbd: {  	s30 =	sld [smem:$0x0];
	_ =	sdelay $0x2  }
0xbe: {  	s31 =	sshll.u32 s1, $0xD;
	s1 =	sshrl.u32 s1, $0x2  }
0xbf: {  	s3 =	sand.u32 $0x4000, s31;
	s1 =	sadd.s32 s1, s30  }
0xc0: {  	s0 =	sor.u32 s3, s0;
	s1 =	sshll.u32 s1, $0x11  }
0xc1: {  	s0 =	sor.u32 s1, s0  }
0xc2: {  	s0 =	sadd.s32 $0x8F2B, s0  }
0xc3: {  	[sflag:s0] =	ssyncadd.remote.s32 $0x1  }
0xc4: {  	_ =	sfence.sel $0xFFFF  }
0xc5: {  	[dreg:$0x0] =	wrdreg $0xFFFFFFFF;
	(pc) =	sbr.abs _section_cstart, $3  }
0xc6: {  	[dreg:$0x1] =	wrdreg $0xFFFFFFFF  }
0xc7: {  	_ =	task.clear_ibuf [dreg:s7], $0x2FFFF;
	_ =	strace $0x9FFFFFFF  }
0xc8: {  	(tm) =	ssettm $0x7FFFFFFF  }
0xc9: {  	_ =	shalt  }
tec
execute0_lowered:
.L_overlay_start_1:
0x0: {  	(tag) =	ssettag $0x1  }
0x1: {  	s1 =	srdreg.scid;
	s0 =	stileid.u32  }
0x2: {  	s2 =	rddreg [dreg:$0x0];
	s22 =	sand.u32 $0x1, s1;
	s29 =	sshll.u32 s0, $0x1  }
0x3: {  	s23 =	rddreg [dreg:$0x1];
	s24 =	sor.u32 s22, s29  }
0x4: {  	s3 =	simm.s32 $0x0;
	s1 =	rddreg [dreg:$0x2];
	s4 =	smul.u32 $0x48, s24  }
0x5: {  	[smem:$0x7FF] =	sst s3  }
0x6: {  	_ =	strace $0x80000047;
	s5 =	sadd.s32 s23, s4;
	s4 =	simm.s32 $0x2  }
0x7: {  	[tilespmem:s3], [sflag:$0x2] =	stream.linear.gather [hbm4b:s5+s3], $0x240, $0x38;
	[tilespmem:$0x12280] =	vst v63  }
0x8: {  	_ =	swait.ge [sflag:s4], $0x240  }
0x9: {  	[sflag:s4] =	ssyncset.done $0x0  }
0xa: {  	s6 =	simm.s32 $0x48;
	s7 =	simm.s32 $0x280;
	[sflag:s4] =	ssyncadd.s32 $0xFFFFFDC0  }
0xb: {  	[tilespmem:s7], [sflag:$0x1] =	stream.indirect.gather [hbm4b:s2+s6], $0x80, s3, s6, $0xb8;
	[tilespmem:$0x12280] =	vst v63  }
0xc: {  	s8 =	simm.s32 $0x2680  }
0xd: {  	[tilespmem:s8], [sflag:$0x1] =	stream.indirect.gather [hbm4b:s2+s6], $0x80, s6, s6, $0xb8;
	[tilespmem:$0x12280] =	vst v63  }
0xe: {  	s9 =	simm.s32 $0x90;
	s10 =	simm.s32 $0x4A80  }
0xf: {  	[tilespmem:s10], [sflag:$0x1] =	stream.indirect.gather [hbm4b:s2+s6], $0x80, s9, s6, $0xb8;
	[tilespmem:$0x12280] =	vst v63  }
0x10: {  	s11 =	simm.s32 $0xD8;
	s12 =	simm.s32 $0x6E80  }
0x11: {  	[tilespmem:s12], [sflag:$0x1] =	stream.indirect.gather [hbm4b:s2+s6], $0x80, s11, s6, $0xb8;
	[tilespmem:$0x12280] =	vst v63  }
0x12: {  	s13 =	simm.s32 $0x120;
	s14 =	simm.s32 $0x9280  }
0x13: {  	[tilespmem:s14], [sflag:$0x1] =	stream.indirect.gather [hbm4b:s2+s6], $0x80, s13, s6, $0xb8;
	[tilespmem:$0x12280] =	vst v63  }
0x14: {  	s15 =	simm.s32 $0x168;
	s16 =	simm.s32 $0xB680  }
0x15: {  	[tilespmem:s16], [sflag:$0x1] =	stream.indirect.gather [hbm4b:s2+s6], $0x80, s15, s6, $0xb8;
	[tilespmem:$0x12280] =	vst v63  }
0x16: {  	s17 =	simm.s32 $0x1B0;
	s18 =	simm.s32 $0xDA80  }
0x17: {  	[tilespmem:s18], [sflag:$0x1] =	stream.indirect.gather [hbm4b:s2+s6], $0x80, s17, s6, $0xb8;
	[tilespmem:$0x12280] =	vst v63  }
0x18: {  	s19 =	simm.s32 $0x1F8;
	s20 =	simm.s32 $0xFE80;
	s21 =	simm.s32 $0x1  }
0x19: {  	[tilespmem:s20], [sflag:$0x1] =	stream.indirect.gather [hbm4b:s2+s6], $0x80, s19, s6, $0xb8;
	[tilespmem:$0x12280] =	vst v63  }
0x1a: {  	_ =	swait.ge [sflag:s21], $0x2400  }
0x1b: {  	[sflag:s21] =	ssyncset.done $0x0  }
0x1c: {  	[sflag:s21] =	ssyncadd.s32 $0xFFFFDC00  }
0x1d: {  	_ =	swait.ge [sflag:s21], $0x2400  }
0x1e: {  	[sflag:s21] =	ssyncset.done $0x0  }
0x1f: {  	[sflag:s21] =	ssyncadd.s32 $0xFFFFDC00  }
0x20: {  	_ =	swait.ge [sflag:s21], $0x2400  }
0x21: {  	[sflag:s21] =	ssyncset.done $0x0  }
0x22: {  	[sflag:s21] =	ssyncadd.s32 $0xFFFFDC00  }
0x23: {  	_ =	swait.ge [sflag:s21], $0x2400  }
0x24: {  	[sflag:s21] =	ssyncset.done $0x0  }
0x25: {  	[sflag:s21] =	ssyncadd.s32 $0xFFFFDC00  }
0x26: {  	_ =	swait.ge [sflag:s21], $0x2400  }
0x27: {  	[sflag:s21] =	ssyncset.done $0x0  }
0x28: {  	[sflag:s21] =	ssyncadd.s32 $0xFFFFDC00  }
0x29: {  	_ =	swait.ge [sflag:s21], $0x2400  }
0x2a: {  	[sflag:s21] =	ssyncset.done $0x0  }
0x2b: {  	s22 =	ssub.s32 $0x2, s22;
	[sflag:s21] =	ssyncadd.s32 $0xFFFFDC00  }
0x2c: {  	s25 =	sshrl.u32 s22, $0x1;
	_ =	swait.ge [sflag:s21], $0x2400  }
0x2d: {  	s30 =	ssub.s32 s22, s25;
	[sflag:s21] =	ssyncset.done $0x0  }
0x2e: {  	s24 =	smul.u32 $0x2400, s24;
	s31 =	smax.u32 s30, $0x1;
	[sflag:s21] =	ssyncadd.s32 $0xFFFFDC00  }
0x2f: {  	p0 =	sne.s32 s31, $0x1;
	_ =	swait.ge [sflag:s21], $0x2400  }
.Ltmp0:
0x30: {  	s23 =	sadd.s32 s24, s23;
	[sflag:s21] =	ssyncset.done $0x0;
	(pc) =	sbr.rel @!p0 .LBB2_2-.Ltmp0, $4  }
0x31: {  	s22 =	sadd.s32 $0xA00, s23;
	[sflag:s21] =	ssyncadd.s32 $0xFFFFDC00  }
0x32: {  	[hbm4b:s22+s3] =	stream.linear.scatter [tilespmem:s7], [sflag:$0x2], $0x12000, $0x38;
	[tilespmem:$0x12280] =	vst v63  }
0x33: {  	_ =	swait.ge [sflag:s4], $0x12000  }
0x34: {  	s23 =	sadd.s32 $0xFFFFFFFF, s31;
	[sflag:s4] =	ssyncset.done $0x0  }
.LBB2_1:
0x35: {  	p0 =	sne.s32 s23, $0x1;
	s23 =	sadd.s32 $0xFFFFFFFF, s23;
	[sflag:s4] =	ssyncadd.s32 $0xFFFEE000  }
0x36: {  	[tilespmem:s3], [sflag:$0x2] =	stream.linear.gather [hbm4b:s5+s3], $0x240, $0x38;
	[tilespmem:$0x12280] =	vst v63  }
0x37: {  	_ =	swait.ge [sflag:s4], $0x240  }
0x38: {  	[sflag:s4] =	ssyncset.done $0x0  }
0x39: {  	[sflag:s4] =	ssyncadd.s32 $0xFFFFFDC0  }
0x3a: {  	[tilespmem:s7], [sflag:$0x1] =	stream.indirect.gather [hbm4b:s2+s6], $0x80, s3, s6, $0xb8;
	[tilespmem:$0x12280] =	vst v63  }
0x3b: {  	_ = 	snop  }
0x3c: {  	[tilespmem:s8], [sflag:$0x1] =	stream.indirect.gather [hbm4b:s2+s6], $0x80, s6, s6, $0xb8;
	[tilespmem:$0x12280] =	vst v63  }
0x3d: {  	_ = 	snop  }
0x3e: {  	[tilespmem:s10], [sflag:$0x1] =	stream.indirect.gather [hbm4b:s2+s6], $0x80, s9, s6, $0xb8;
	[tilespmem:$0x12280] =	vst v63  }
0x3f: {  	_ = 	snop  }
0x40: {  	[tilespmem:s12], [sflag:$0x1] =	stream.indirect.gather [hbm4b:s2+s6], $0x80, s11, s6, $0xb8;
	[tilespmem:$0x12280] =	vst v63  }
0x41: {  	_ = 	snop  }
0x42: {  	[tilespmem:s14], [sflag:$0x1] =	stream.indirect.gather [hbm4b:s2+s6], $0x80, s13, s6, $0xb8;
	[tilespmem:$0x12280] =	vst v63  }
0x43: {  	_ = 	snop  }
0x44: {  	[tilespmem:s16], [sflag:$0x1] =	stream.indirect.gather [hbm4b:s2+s6], $0x80, s15, s6, $0xb8;
	[tilespmem:$0x12280] =	vst v63  }
0x45: {  	_ = 	snop  }
0x46: {  	[tilespmem:s18], [sflag:$0x1] =	stream.indirect.gather [hbm4b:s2+s6], $0x80, s17, s6, $0xb8;
	[tilespmem:$0x12280] =	vst v63  }
0x47: {  	_ = 	snop  }
0x48: {  	[tilespmem:s20], [sflag:$0x1] =	stream.indirect.gather [hbm4b:s2+s6], $0x80, s19, s6, $0xb8;
	[tilespmem:$0x12280] =	vst v63  }
0x49: {  	_ =	swait.ge [sflag:s21], $0x2400  }
0x4a: {  	[sflag:s21] =	ssyncset.done $0x0  }
0x4b: {  	[sflag:s21] =	ssyncadd.s32 $0xFFFFDC00  }
0x4c: {  	_ =	swait.ge [sflag:s21], $0x2400  }
0x4d: {  	[sflag:s21] =	ssyncset.done $0x0  }
0x4e: {  	[sflag:s21] =	ssyncadd.s32 $0xFFFFDC00  }
0x4f: {  	_ =	swait.ge [sflag:s21], $0x2400  }
0x50: {  	[sflag:s21] =	ssyncset.done $0x0  }
0x51: {  	[sflag:s21] =	ssyncadd.s32 $0xFFFFDC00  }
0x52: {  	_ =	swait.ge [sflag:s21], $0x2400  }
0x53: {  	[sflag:s21] =	ssyncset.done $0x0  }
0x54: {  	[sflag:s21] =	ssyncadd.s32 $0xFFFFDC00  }
0x55: {  	_ =	swait.ge [sflag:s21], $0x2400  }
0x56: {  	[sflag:s21] =	ssyncset.done $0x0  }
0x57: {  	[sflag:s21] =	ssyncadd.s32 $0xFFFFDC00  }
0x58: {  	_ =	swait.ge [sflag:s21], $0x2400  }
0x59: {  	[sflag:s21] =	ssyncset.done $0x0  }
0x5a: {  	[sflag:s21] =	ssyncadd.s32 $0xFFFFDC00  }
0x5b: {  	_ =	swait.ge [sflag:s21], $0x2400  }
0x5c: {  	[sflag:s21] =	ssyncset.done $0x0  }
0x5d: {  	[sflag:s21] =	ssyncadd.s32 $0xFFFFDC00  }
0x5e: {  	_ =	swait.ge [sflag:s21], $0x2400  }
.Ltmp1:
0x5f: {  	[sflag:s21] =	ssyncset.done $0x0;
	(pc) =	sbr.rel @p0 .LBB2_1-.Ltmp1, $4  }
0x60: {  	[sflag:s21] =	ssyncadd.s32 $0xFFFFDC00  }
0x61: {  	[hbm4b:s22+s3] =	stream.linear.scatter [tilespmem:s7], [sflag:$0x2], $0x12000, $0x38;
	[tilespmem:$0x12280] =	vst v63  }
0x62: {  	_ =	swait.ge [sflag:s4], $0x12000  }
0x63: {  	[sflag:s4] =	ssyncset.done $0x0  }
.LBB2_2:
0x64: {  	[sflag:s4] =	ssyncadd.s32 $0xFFFEE000  }
0x65: {  	_ =	sfence.sel $0x180000  }
0x66: {  	[bflag:$0x0] =	sbarrier.arrive $0xFFFF  }
0x67: {  	p0 =	sne.s32 s0, $0x0;
	_ =	strace $0x90000047  }
0x68: {  	s0 =	sadd.s32 @!p0 $0x100000, s1;
	[bflag:$0x2] =	sbarrier.arrive $0xFFFF  }
0x69: {  	[sflag:s0] =	ssyncadd.tile.s32 @!p0 $0x1;
	_ =	shalt  }
.Lfunc_end2:
_tile_overlayer_lowered:
.L_overlay_start_2:
0x6a: {  	(tag) =	ssettag $0x2  }
0x6b: {  	s0 =	rddreg [dreg:$0x0];
	s2 =	stileid.u32  }
0x6c: {  	s1 =	rddreg [dreg:$0x1];
	p0 =	sne.s32 s2, $0x0  }
0x6d: {  	s3 =	rddreg [dreg:$0x2];
	[bflag:$0x3] =	sbarrier.arrive $0xFFFF;
	s2 =	simm.s32 @!p0 $0x1C02  }
0x6e: {  	[timem:s3], [sflag:s2] =	dma.local @!p0 [hbm:s0], s1  }
0x6f: {  	s0 =	simm.s32 @!p0 $0x2  }
0x70: {  	_ =	swait.ge @!p0 [sflag:s0], s1  }
0x71: {  	s1 =	ssub.s32 @!p0 $0x0, s1;
	[sflag:s0] =	ssyncset.done @!p0 $0x0  }
0x72: {  	[sflag:s0] =	ssyncadd.s32 @!p0 s1  }
0x73: {  	[bflag:$0x3] =	sbarrier.arrive $0xFFFF  }
0x74: {  	_ =	shalt  }

</sc_bundles>
